<compile_context>
chip_gen: v7x
topology: tpu7x:2x2x1
jax: 0.10.2.dev20260603
libtpu: 0.0.44.dev20260713+nightly
codegen_flags: <defaults>
</compile_context>

<pallas_src>
import functools

import jax
import jax.numpy as jnp
from jax import lax
from jax.experimental import pallas as pl
from jax.experimental.pallas import tpu as pltpu
from jax.experimental.pallas import tpu_sc as plsc

_TB = 1152
_NH = 3


def _score_stage(r, cb_hi, cb2, k):
    bf16 = jnp.bfloat16
    s = jax.lax.dot_general(r.astype(bf16), cb_hi,
                            (((1,), (1,)), ((), ())),
                            preferred_element_type=jnp.float32)
    d = (jnp.sum(r * r, axis=1, keepdims=True) - 2.0 * s) + cb2
    return jnp.argmin(d, axis=1).astype(jnp.int32)


def _indices(r, cb, k):
    cb2 = jnp.sum(cb * cb, axis=1)[None, :]
    cb_hi = cb.astype(jnp.bfloat16)
    hh = r.shape[0] // _NH
    return jnp.concatenate(
        [_score_stage(r[j * hh:(j + 1) * hh], cb_hi, cb2, k)
         for j in range(_NH)], axis=0)


def _enc_body(k, x_ref, ew_ref, eb_ref, cb_ref, h_ref, idx_ref):
    bf16 = jnp.bfloat16
    h = jax.nn.gelu(
        jnp.dot(x_ref[...].astype(bf16), ew_ref[...].astype(bf16),
                preferred_element_type=jnp.float32)
        + eb_ref[...])
    h_ref[...] = h
    idx_ref[...] = _indices(h, cb_ref[...], k)[None, :]


def _mid_body(k, r_ref, q_ref, cb_ref, rn_ref, idx_ref, closs_ref):
    r = r_ref[...] - q_ref[...]
    rn_ref[...] = r
    idx_ref[...] = _indices(r, cb_ref[...], k)[None, :]
    acc = jnp.full((8, 128), jnp.sum(r * r), jnp.float32)

    @pl.when(pl.program_id(0) == 0)
    def _init():
        closs_ref[...] = acc

    @pl.when(pl.program_id(0) != 0)
    def _accum():
        closs_ref[...] += acc


def _dec_body(h_ref, r_ref, q_ref, dw_ref, db_ref, out_ref, closs_ref):
    bf16 = jnp.bfloat16
    r = r_ref[...] - q_ref[...]
    out_ref[...] = (jnp.dot((h_ref[...] - r).astype(bf16),
                            dw_ref[...].astype(bf16),
                            preferred_element_type=jnp.float32)
                    + db_ref[...])
    acc = jnp.full((8, 128), jnp.sum(r * r), jnp.float32)

    @pl.when(pl.program_id(0) == 0)
    def _init():
        closs_ref[...] = acc

    @pl.when(pl.program_id(0) != 0)
    def _accum():
        closs_ref[...] += acc


def _make_sc_gather(v, dd, n):
    info = plsc.get_sparse_core_info()
    nc, ns = info.num_cores, info.num_subcores
    nw = nc * ns
    b_per_w = n // nw
    mesh = plsc.VectorSubcoreMesh(core_axis_name="c", subcore_axis_name="s")

    @functools.partial(
        pl.kernel, mesh=mesh,
        out_type=jax.ShapeDtypeStruct((n, dd), jnp.float32),
        scratch_types=[
            pltpu.VMEM((b_per_w,), jnp.int32),
            pltpu.VMEM((b_per_w, dd), jnp.float32),
            pltpu.SemaphoreType.DMA,
        ],
    )
    def gather(table_hbm, idx_hbm, out_hbm, idx_v, rows_v, sem):
        wid = lax.axis_index("s") * nc + lax.axis_index("c")
        base = wid * b_per_w
        pltpu.sync_copy(idx_hbm.at[pl.ds(base, b_per_w)], idx_v)
        pltpu.async_copy(table_hbm.at[idx_v], rows_v, sem).wait()
        pltpu.sync_copy(rows_v, out_hbm.at[pl.ds(base, b_per_w)])

    return gather


def kernel(data_object, enc_W, enc_b, codebooks, dec_W, dec_b):
    b, t, c = data_object.shape
    nq, k, d = codebooks.shape
    n = b * t
    grid = n // _TB
    x = data_object.reshape(n, c)

    row_spec = pl.BlockSpec((_TB, d), lambda i: (i, 0))
    idx_spec = pl.BlockSpec((1, _TB), lambda i: (0, i))
    cb_spec = pl.BlockSpec((k, d), lambda i: (0, 0))
    closs_spec = pl.BlockSpec((8, 128), lambda i: (0, 0))
    closs_shape = jax.ShapeDtypeStruct((8, 128), jnp.float32)
    idx_shape = jax.ShapeDtypeStruct((1, n), jnp.int32)
    row_shape = jax.ShapeDtypeStruct((n, d), jnp.float32)

    sc_gather = _make_sc_gather(k, d, n)

    h, idx0 = pl.pallas_call(
        functools.partial(_enc_body, k),
        grid=(grid,),
        in_specs=[
            pl.BlockSpec((_TB, c), lambda i: (i, 0)),
            pl.BlockSpec((c, d), lambda i: (0, 0)),
            pl.BlockSpec((1, d), lambda i: (0, 0)),
            cb_spec,
        ],
        out_specs=[row_spec, idx_spec],
        out_shape=[row_shape, idx_shape],
    )(x, enc_W, enc_b.reshape(1, d), codebooks[0])

    idxs = [idx0]
    csums = []
    r = h
    for i in range(1, nq):
        q = sc_gather(codebooks[i - 1], idxs[-1].reshape(n))
        r, idx_i, csum_i = pl.pallas_call(
            functools.partial(_mid_body, k),
            grid=(grid,),
            in_specs=[row_spec, row_spec, cb_spec],
            out_specs=[row_spec, idx_spec, closs_spec],
            out_shape=[row_shape, idx_shape, closs_shape],
        )(r, q, codebooks[i])
        idxs.append(idx_i)
        csums.append(csum_i)

    q = sc_gather(codebooks[nq - 1], idxs[-1].reshape(n))
    logits, csum_f = pl.pallas_call(
        _dec_body,
        grid=(grid,),
        in_specs=[
            row_spec, row_spec, row_spec,
            pl.BlockSpec((d, c), lambda i: (0, 0)),
            pl.BlockSpec((1, c), lambda i: (0, 0)),
        ],
        out_specs=[pl.BlockSpec((_TB, c), lambda i: (i, 0)), closs_spec],
        out_shape=[jax.ShapeDtypeStruct((n, c), jnp.float32), closs_shape],
    )(h, r, q, dec_W, dec_b.reshape(1, c))
    csums.append(csum_f)

    closs = sum(cs[0, 0] for cs in csums) * (1.25 / (n * d))
    indices = jnp.stack([ix.reshape(b, t) for ix in idxs], axis=-1)
    return logits.reshape(b, t, c), closs, indices

# --- scband reference (transcript-rebuilt; emitter-appended) ---
"""Pipeline reference for scband-generator-24017457119752 (READ-ONLY COPY).

The authoritative reference and input builder live on the scoring server;
editing this copy changes nothing except your own understanding.
"""

import jax, jax.numpy as jnp
import numpy as np

B, T, C, D, N_Q, K = 8, 576, 768, 256, 8, 1024

def setup_inputs(seed: int = 0) -> dict:
    key = jax.random.key(seed)
    ks = jax.random.split(key, 8)
    data_object = jax.random.normal(ks[0], (B, T, C), dtype=jnp.float32)
    enc_W = jax.random.normal(ks[1], (C, D), dtype=jnp.float32) * (1.0 / np.sqrt(C))
    enc_b = jnp.zeros((D,), dtype=jnp.float32)
    codebooks = jax.random.normal(ks[2], (N_Q, K, D), dtype=jnp.float32) * 0.1
    dec_W = jax.random.normal(ks[3], (D, C), dtype=jnp.float32) * (1.0 / np.sqrt(D))
    dec_b = jnp.zeros((C,), dtype=jnp.float32)
    return {"data_object": data_object, "enc_W": enc_W, "enc_b": enc_b, "codebooks": codebooks, "dec_W": dec_W, "dec_b": dec_b}

def _rqv(x, codebooks):
    residual = x
    q_total = jnp.zeros_like(x)
    indices = []
    closs = jnp.float32(0.0)
    for i in range(N_Q):
        cb = codebooks[i]  # [K, D]
        d = (jnp.sum(residual ** 2, axis=-1, keepdims=True)
             - 2.0 * residual @ cb.T
             + jnp.sum(cb ** 2, axis=-1))  # [B, T, K]
        idx = jnp.argmin(d, axis=-1)  # [B, T]
        q = jnp.take(cb, idx, axis=0)  # [B, T, D]
        closs = closs + jnp.mean((jax.lax.stop_gradient(residual) - q) ** 2) \
                      + 0.25 * jnp.mean((residual - jax.lax.stop_gradient(q)) ** 2)
        residual = residual - jax.lax.stop_gradient(q)
        q_total = q_total + q
        indices.append(idx)
    quantized = x + jax.lax.stop_gradient(q_total - x)  # straight-through
    return quantized, closs, jnp.stack(indices, axis=-1)

def reference(data_object, enc_W, enc_b, codebooks, dec_W, dec_b):
    h = jax.nn.gelu(data_object @ enc_W + enc_b)          # encoder logits [B, T, D]
    quantized, commitment_loss, indeces = _rqv(h, codebooks)
    logits = quantized @ dec_W + dec_b                     # decoder logits [B, T, C]
    return logits, commitment_loss, indeces

if __name__ == "__main__":
    import jax
    _d = setup_inputs()
    print(jax.jit(kernel)(*tuple(_d.values())))

</pallas_src>

<mosaic_0001>
#map = affine_map<(d0, d1) -> (0, 0)>
#map1 = affine_map<(d0, d1) -> (0)>
module attributes {stable_mosaic.version = 14 : i64} {
  func.func @gather(%arg0: i32, %arg1: i32, %arg2: memref<1024x256xf32, #tpu.memory_space<hbm>>, %arg3: memref<4608xi32, #tpu.memory_space<hbm>>, %arg4: memref<4608x256xf32, #tpu.memory_space<hbm>>, %arg5: memref<144xi32, #tpu.memory_space<vmem>>, %arg6: memref<144x256xf32, #tpu.memory_space<vmem>>, %arg7: memref<!tpu.dma_semaphore, #tpu.memory_space<semaphore_mem>>) attributes {dimension_semantics = [#tpu.dimension_semantics<core_parallel>, #tpu.dimension_semantics<subcore_parallel>], iteration_bounds = array<i64: 2, 16>, scalar_prefetch = 0 : i64, scratch_operands = 3 : i64, tpu.core_type = #tpu.core_type<sc_vector_subcore>, window_params = [{transform_indices = #map}, {transform_indices = #map1}, {transform_indices = #map}]} {
    %mul3A = arith.constant 2 : i32
    %mul3A_0 = arith.muli %arg1, %mul3A : i32
    %add3A = arith.addi %mul3A_0, %arg0 : i32
    %mul3A_1 = arith.constant 144 : i32
    %mul3A_2 = arith.muli %add3A, %mul3A_1 : i32
    "tpu.region"() ({
      %run_scoped3A = tpu.sem_alloc : memref<!tpu.dma_semaphore, #tpu.memory_space<semaphore_mem>>
      %dma_start3A_7 = tpu.memref_slice %arg3[%mul3A_2] : memref<4608xi32, #tpu.memory_space<hbm>> -> memref<144xi32, #tpu.memory_space<hbm>>
      %dma_start3A_8 = tpu.memref_slice %arg3[%mul3A_2] : memref<4608xi32, #tpu.memory_space<hbm>> -> memref<144xi32, #tpu.memory_space<hbm>>
      tpu.enqueue_dma source(%dma_start3A_8 : memref<144xi32, #tpu.memory_space<hbm>>) target(%arg5 : memref<144xi32, #tpu.memory_space<vmem>>) target_semaphore(%run_scoped3A : memref<!tpu.dma_semaphore, #tpu.memory_space<semaphore_mem>>)
      %dma_wait3A_9 = tpu.memref_slice %arg3[%mul3A_2] : memref<4608xi32, #tpu.memory_space<hbm>> -> memref<144xi32, #tpu.memory_space<hbm>>
      %dma_wait3A_10 = tpu.memref_slice %arg3[%mul3A_2] : memref<4608xi32, #tpu.memory_space<hbm>> -> memref<144xi32, #tpu.memory_space<hbm>>
      tpu.wait_dma2 semaphore(%run_scoped3A : memref<!tpu.dma_semaphore, #tpu.memory_space<semaphore_mem>>) src(%dma_wait3A_10 : memref<144xi32, #tpu.memory_space<hbm>>) dst(%arg5 : memref<144xi32, #tpu.memory_space<vmem>>)
      tpu.yield
    }) : () -> ()
    %dma_start3A = arith.constant 0 : i32
    %dma_start3A_3 = arith.constant 0 : i32
    %dma_start3A_4 = tpu.memref_slice %arg2[%dma_start3A, %dma_start3A_3] : memref<1024x256xf32, #tpu.memory_space<hbm>> -> memref<1024x256xf32, #tpu.memory_space<hbm>>
    tpu.enqueue_indirect_dma source(%dma_start3A_4 : memref<1024x256xf32, #tpu.memory_space<hbm>>) target(%arg6 : memref<144x256xf32, #tpu.memory_space<vmem>>) offsets(%arg5 : memref<144xi32, #tpu.memory_space<vmem>>) semaphore(%arg7 : memref<!tpu.dma_semaphore, #tpu.memory_space<semaphore_mem>>)
    %dma_wait3A = arith.constant 0 : i32
    %dma_wait3A_5 = arith.constant 0 : i32
    %dma_wait3A_6 = tpu.memref_slice %arg2[%dma_wait3A, %dma_wait3A_5] : memref<1024x256xf32, #tpu.memory_space<hbm>> -> memref<1024x256xf32, #tpu.memory_space<hbm>>
    tpu.wait_indirect_dma semaphore(%arg7 : memref<!tpu.dma_semaphore, #tpu.memory_space<semaphore_mem>>) src(%dma_wait3A_6 : memref<1024x256xf32, #tpu.memory_space<hbm>>) dst(%arg6 : memref<144x256xf32, #tpu.memory_space<vmem>>)
    "tpu.region"() ({
      %run_scoped3A = tpu.sem_alloc : memref<!tpu.dma_semaphore, #tpu.memory_space<semaphore_mem>>
      %dma_start3A_7 = arith.constant 0 : i32
      %dma_start3A_8 = tpu.memref_slice %arg4[%mul3A_2, %dma_start3A_7] : memref<4608x256xf32, #tpu.memory_space<hbm>> -> memref<144x256xf32, #tpu.memory_space<hbm>>
      %dma_start3A_9 = arith.constant 0 : i32
      %dma_start3A_10 = tpu.memref_slice %arg4[%mul3A_2, %dma_start3A_9] : memref<4608x256xf32, #tpu.memory_space<hbm>> -> memref<144x256xf32, #tpu.memory_space<hbm>>
      tpu.enqueue_dma source(%arg6 : memref<144x256xf32, #tpu.memory_space<vmem>>) target(%dma_start3A_10 : memref<144x256xf32, #tpu.memory_space<hbm>>) target_semaphore(%run_scoped3A : memref<!tpu.dma_semaphore, #tpu.memory_space<semaphore_mem>>)
      %dma_wait3A_11 = arith.constant 0 : i32
      %dma_wait3A_12 = tpu.memref_slice %arg4[%mul3A_2, %dma_wait3A_11] : memref<4608x256xf32, #tpu.memory_space<hbm>> -> memref<144x256xf32, #tpu.memory_space<hbm>>
      %dma_wait3A_13 = arith.constant 0 : i32
      %dma_wait3A_14 = tpu.memref_slice %arg4[%mul3A_2, %dma_wait3A_13] : memref<4608x256xf32, #tpu.memory_space<hbm>> -> memref<144x256xf32, #tpu.memory_space<hbm>>
      tpu.wait_dma2 semaphore(%run_scoped3A : memref<!tpu.dma_semaphore, #tpu.memory_space<semaphore_mem>>) src(%arg6 : memref<144x256xf32, #tpu.memory_space<vmem>>) dst(%dma_wait3A_14 : memref<144x256xf32, #tpu.memory_space<hbm>>)
      tpu.yield
    }) : () -> ()
    return
  }
}

#map = affine_map<(d0, d1) -> (0, 0)>
#map1 = affine_map<(d0, d1) -> (0)>
module attributes {stable_mosaic.version = 14 : i64} {
  func.func @gather(%arg0: i32, %arg1: i32, %arg2: memref<1024x256xf32, #tpu.memory_space<hbm>>, %arg3: memref<4608xi32, #tpu.memory_space<hbm>>, %arg4: memref<4608x256xf32, #tpu.memory_space<hbm>>, %arg5: memref<144xi32, #tpu.memory_space<vmem>>, %arg6: memref<144x256xf32, #tpu.memory_space<vmem>>, %arg7: memref<!tpu.dma_semaphore, #tpu.memory_space<semaphore_mem>>) attributes {dimension_semantics = [#tpu.dimension_semantics<core_parallel>, #tpu.dimension_semantics<subcore_parallel>], iteration_bounds = array<i64: 2, 16>, scalar_prefetch = 0 : i64, scratch_operands = 3 : i64, tpu.core_type = #tpu.core_type<sc_vector_subcore>, window_params = [{transform_indices = #map}, {transform_indices = #map1}, {transform_indices = #map}]} {
    %mul3A = arith.constant 2 : i32
    %mul3A_0 = arith.muli %arg1, %mul3A : i32
    %add3A = arith.addi %mul3A_0, %arg0 : i32
    %mul3A_1 = arith.constant 144 : i32
    %mul3A_2 = arith.muli %add3A, %mul3A_1 : i32
    "tpu.region"() ({
      %run_scoped3A = tpu.sem_alloc : memref<!tpu.dma_semaphore, #tpu.memory_space<semaphore_mem>>
      %dma_start3A_7 = tpu.memref_slice %arg3[%mul3A_2] : memref<4608xi32, #tpu.memory_space<hbm>> -> memref<144xi32, #tpu.memory_space<hbm>>
      %dma_start3A_8 = tpu.memref_slice %arg3[%mul3A_2] : memref<4608xi32, #tpu.memory_space<hbm>> -> memref<144xi32, #tpu.memory_space<hbm>>
      tpu.enqueue_dma source(%dma_start3A_8 : memref<144xi32, #tpu.memory_space<hbm>>) target(%arg5 : memref<144xi32, #tpu.memory_space<vmem>>) target_semaphore(%run_scoped3A : memref<!tpu.dma_semaphore, #tpu.memory_space<semaphore_mem>>)
      %dma_wait3A_9 = tpu.memref_slice %arg3[%mul3A_2] : memref<4608xi32, #tpu.memory_space<hbm>> -> memref<144xi32, #tpu.memory_space<hbm>>
      %dma_wait3A_10 = tpu.memref_slice %arg3[%mul3A_2] : memref<4608xi32, #tpu.memory_space<hbm>> -> memref<144xi32, #tpu.memory_space<hbm>>
      tpu.wait_dma2 semaphore(%run_scoped3A : memref<!tpu.dma_semaphore, #tpu.memory_space<semaphore_mem>>) src(%dma_wait3A_10 : memref<144xi32, #tpu.memory_space<hbm>>) dst(%arg5 : memref<144xi32, #tpu.memory_space<vmem>>)
      tpu.yield
    }) : () -> ()
    %dma_start3A = arith.constant 0 : i32
    %dma_start3A_3 = arith.constant 0 : i32
    %dma_start3A_4 = tpu.memref_slice %arg2[%dma_start3A, %dma_start3A_3] : memref<1024x256xf32, #tpu.memory_space<hbm>> -> memref<1024x256xf32, #tpu.memory_space<hbm>>
    tpu.enqueue_indirect_dma source(%dma_start3A_4 : memref<1024x256xf32, #tpu.memory_space<hbm>>) target(%arg6 : memref<144x256xf32, #tpu.memory_space<vmem>>) offsets(%arg5 : memref<144xi32, #tpu.memory_space<vmem>>) semaphore(%arg7 : memref<!tpu.dma_semaphore, #tpu.memory_space<semaphore_mem>>)
    %dma_wait3A = arith.constant 0 : i32
    %dma_wait3A_5 = arith.constant 0 : i32
    %dma_wait3A_6 = tpu.memref_slice %arg2[%dma_wait3A, %dma_wait3A_5] : memref<1024x256xf32, #tpu.memory_space<hbm>> -> memref<1024x256xf32, #tpu.memory_space<hbm>>
    tpu.wait_indirect_dma semaphore(%arg7 : memref<!tpu.dma_semaphore, #tpu.memory_space<semaphore_mem>>) src(%dma_wait3A_6 : memref<1024x256xf32, #tpu.memory_space<hbm>>) dst(%arg6 : memref<144x256xf32, #tpu.memory_space<vmem>>)
    "tpu.region"() ({
      %run_scoped3A = tpu.sem_alloc : memref<!tpu.dma_semaphore, #tpu.memory_space<semaphore_mem>>
      %dma_start3A_7 = arith.constant 0 : i32
      %dma_start3A_8 = tpu.memref_slice %arg4[%mul3A_2, %dma_start3A_7] : memref<4608x256xf32, #tpu.memory_space<hbm>> -> memref<144x256xf32, #tpu.memory_space<hbm>>
      %dma_start3A_9 = arith.constant 0 : i32
      %dma_start3A_10 = tpu.memref_slice %arg4[%mul3A_2, %dma_start3A_9] : memref<4608x256xf32, #tpu.memory_space<hbm>> -> memref<144x256xf32, #tpu.memory_space<hbm>>
      tpu.enqueue_dma source(%arg6 : memref<144x256xf32, #tpu.memory_space<vmem>>) target(%dma_start3A_10 : memref<144x256xf32, #tpu.memory_space<hbm>>) target_semaphore(%run_scoped3A : memref<!tpu.dma_semaphore, #tpu.memory_space<semaphore_mem>>)
      %dma_wait3A_11 = arith.constant 0 : i32
      %dma_wait3A_12 = tpu.memref_slice %arg4[%mul3A_2, %dma_wait3A_11] : memref<4608x256xf32, #tpu.memory_space<hbm>> -> memref<144x256xf32, #tpu.memory_space<hbm>>
      %dma_wait3A_13 = arith.constant 0 : i32
      %dma_wait3A_14 = tpu.memref_slice %arg4[%mul3A_2, %dma_wait3A_13] : memref<4608x256xf32, #tpu.memory_space<hbm>> -> memref<144x256xf32, #tpu.memory_space<hbm>>
      tpu.wait_dma2 semaphore(%run_scoped3A : memref<!tpu.dma_semaphore, #tpu.memory_space<semaphore_mem>>) src(%arg6 : memref<144x256xf32, #tpu.memory_space<vmem>>) dst(%dma_wait3A_14 : memref<144x256xf32, #tpu.memory_space<hbm>>)
      tpu.yield
    }) : () -> ()
    return
  }
}

#map = affine_map<(d0, d1) -> (0, 0)>
#map1 = affine_map<(d0, d1) -> (0)>
module attributes {stable_mosaic.version = 14 : i64} {
  func.func @gather(%arg0: i32, %arg1: i32, %arg2: memref<1024x256xf32, #tpu.memory_space<hbm>>, %arg3: memref<4608xi32, #tpu.memory_space<hbm>>, %arg4: memref<4608x256xf32, #tpu.memory_space<hbm>>, %arg5: memref<144xi32, #tpu.memory_space<vmem>>, %arg6: memref<144x256xf32, #tpu.memory_space<vmem>>, %arg7: memref<!tpu.dma_semaphore, #tpu.memory_space<semaphore_mem>>) attributes {dimension_semantics = [#tpu.dimension_semantics<core_parallel>, #tpu.dimension_semantics<subcore_parallel>], iteration_bounds = array<i64: 2, 16>, scalar_prefetch = 0 : i64, scratch_operands = 3 : i64, tpu.core_type = #tpu.core_type<sc_vector_subcore>, window_params = [{transform_indices = #map}, {transform_indices = #map1}, {transform_indices = #map}]} {
    %mul3A = arith.constant 2 : i32
    %mul3A_0 = arith.muli %arg1, %mul3A : i32
    %add3A = arith.addi %mul3A_0, %arg0 : i32
    %mul3A_1 = arith.constant 144 : i32
    %mul3A_2 = arith.muli %add3A, %mul3A_1 : i32
    "tpu.region"() ({
      %run_scoped3A = tpu.sem_alloc : memref<!tpu.dma_semaphore, #tpu.memory_space<semaphore_mem>>
      %dma_start3A_7 = tpu.memref_slice %arg3[%mul3A_2] : memref<4608xi32, #tpu.memory_space<hbm>> -> memref<144xi32, #tpu.memory_space<hbm>>
      %dma_start3A_8 = tpu.memref_slice %arg3[%mul3A_2] : memref<4608xi32, #tpu.memory_space<hbm>> -> memref<144xi32, #tpu.memory_space<hbm>>
      tpu.enqueue_dma source(%dma_start3A_8 : memref<144xi32, #tpu.memory_space<hbm>>) target(%arg5 : memref<144xi32, #tpu.memory_space<vmem>>) target_semaphore(%run_scoped3A : memref<!tpu.dma_semaphore, #tpu.memory_space<semaphore_mem>>)
      %dma_wait3A_9 = tpu.memref_slice %arg3[%mul3A_2] : memref<4608xi32, #tpu.memory_space<hbm>> -> memref<144xi32, #tpu.memory_space<hbm>>
      %dma_wait3A_10 = tpu.memref_slice %arg3[%mul3A_2] : memref<4608xi32, #tpu.memory_space<hbm>> -> memref<144xi32, #tpu.memory_space<hbm>>
      tpu.wait_dma2 semaphore(%run_scoped3A : memref<!tpu.dma_semaphore, #tpu.memory_space<semaphore_mem>>) src(%dma_wait3A_10 : memref<144xi32, #tpu.memory_space<hbm>>) dst(%arg5 : memref<144xi32, #tpu.memory_space<vmem>>)
      tpu.yield
    }) : () -> ()
    %dma_start3A = arith.constant 0 : i32
    %dma_start3A_3 = arith.constant 0 : i32
    %dma_start3A_4 = tpu.memref_slice %arg2[%dma_start3A, %dma_start3A_3] : memref<1024x256xf32, #tpu.memory_space<hbm>> -> memref<1024x256xf32, #tpu.memory_space<hbm>>
    tpu.enqueue_indirect_dma source(%dma_start3A_4 : memref<1024x256xf32, #tpu.memory_space<hbm>>) target(%arg6 : memref<144x256xf32, #tpu.memory_space<vmem>>) offsets(%arg5 : memref<144xi32, #tpu.memory_space<vmem>>) semaphore(%arg7 : memref<!tpu.dma_semaphore, #tpu.memory_space<semaphore_mem>>)
    %dma_wait3A = arith.constant 0 : i32
    %dma_wait3A_5 = arith.constant 0 : i32
    %dma_wait3A_6 = tpu.memref_slice %arg2[%dma_wait3A, %dma_wait3A_5] : memref<1024x256xf32, #tpu.memory_space<hbm>> -> memref<1024x256xf32, #tpu.memory_space<hbm>>
    tpu.wait_indirect_dma semaphore(%arg7 : memref<!tpu.dma_semaphore, #tpu.memory_space<semaphore_mem>>) src(%dma_wait3A_6 : memref<1024x256xf32, #tpu.memory_space<hbm>>) dst(%arg6 : memref<144x256xf32, #tpu.memory_space<vmem>>)
    "tpu.region"() ({
      %run_scoped3A = tpu.sem_alloc : memref<!tpu.dma_semaphore, #tpu.memory_space<semaphore_mem>>
      %dma_start3A_7 = arith.constant 0 : i32
      %dma_start3A_8 = tpu.memref_slice %arg4[%mul3A_2, %dma_start3A_7] : memref<4608x256xf32, #tpu.memory_space<hbm>> -> memref<144x256xf32, #tpu.memory_space<hbm>>
      %dma_start3A_9 = arith.constant 0 : i32
      %dma_start3A_10 = tpu.memref_slice %arg4[%mul3A_2, %dma_start3A_9] : memref<4608x256xf32, #tpu.memory_space<hbm>> -> memref<144x256xf32, #tpu.memory_space<hbm>>
      tpu.enqueue_dma source(%arg6 : memref<144x256xf32, #tpu.memory_space<vmem>>) target(%dma_start3A_10 : memref<144x256xf32, #tpu.memory_space<hbm>>) target_semaphore(%run_scoped3A : memref<!tpu.dma_semaphore, #tpu.memory_space<semaphore_mem>>)
      %dma_wait3A_11 = arith.constant 0 : i32
      %dma_wait3A_12 = tpu.memref_slice %arg4[%mul3A_2, %dma_wait3A_11] : memref<4608x256xf32, #tpu.memory_space<hbm>> -> memref<144x256xf32, #tpu.memory_space<hbm>>
      %dma_wait3A_13 = arith.constant 0 : i32
      %dma_wait3A_14 = tpu.memref_slice %arg4[%mul3A_2, %dma_wait3A_13] : memref<4608x256xf32, #tpu.memory_space<hbm>> -> memref<144x256xf32, #tpu.memory_space<hbm>>
      tpu.wait_dma2 semaphore(%run_scoped3A : memref<!tpu.dma_semaphore, #tpu.memory_space<semaphore_mem>>) src(%arg6 : memref<144x256xf32, #tpu.memory_space<vmem>>) dst(%dma_wait3A_14 : memref<144x256xf32, #tpu.memory_space<hbm>>)
      tpu.yield
    }) : () -> ()
    return
  }
}

#map = affine_map<(d0, d1) -> (0, 0)>
#map1 = affine_map<(d0, d1) -> (0)>
module attributes {stable_mosaic.version = 14 : i64} {
  func.func @gather(%arg0: i32, %arg1: i32, %arg2: memref<1024x256xf32, #tpu.memory_space<hbm>>, %arg3: memref<4608xi32, #tpu.memory_space<hbm>>, %arg4: memref<4608x256xf32, #tpu.memory_space<hbm>>, %arg5: memref<144xi32, #tpu.memory_space<vmem>>, %arg6: memref<144x256xf32, #tpu.memory_space<vmem>>, %arg7: memref<!tpu.dma_semaphore, #tpu.memory_space<semaphore_mem>>) attributes {dimension_semantics = [#tpu.dimension_semantics<core_parallel>, #tpu.dimension_semantics<subcore_parallel>], iteration_bounds = array<i64: 2, 16>, scalar_prefetch = 0 : i64, scratch_operands = 3 : i64, tpu.core_type = #tpu.core_type<sc_vector_subcore>, window_params = [{transform_indices = #map}, {transform_indices = #map1}, {transform_indices = #map}]} {
    %mul3A = arith.constant 2 : i32
    %mul3A_0 = arith.muli %arg1, %mul3A : i32
    %add3A = arith.addi %mul3A_0, %arg0 : i32
    %mul3A_1 = arith.constant 144 : i32
    %mul3A_2 = arith.muli %add3A, %mul3A_1 : i32
    "tpu.region"() ({
      %run_scoped3A = tpu.sem_alloc : memref<!tpu.dma_semaphore, #tpu.memory_space<semaphore_mem>>
      %dma_start3A_7 = tpu.memref_slice %arg3[%mul3A_2] : memref<4608xi32, #tpu.memory_space<hbm>> -> memref<144xi32, #tpu.memory_space<hbm>>
      %dma_start3A_8 = tpu.memref_slice %arg3[%mul3A_2] : memref<4608xi32, #tpu.memory_space<hbm>> -> memref<144xi32, #tpu.memory_space<hbm>>
      tpu.enqueue_dma source(%dma_start3A_8 : memref<144xi32, #tpu.memory_space<hbm>>) target(%arg5 : memref<144xi32, #tpu.memory_space<vmem>>) target_semaphore(%run_scoped3A : memref<!tpu.dma_semaphore, #tpu.memory_space<semaphore_mem>>)
      %dma_wait3A_9 = tpu.memref_slice %arg3[%mul3A_2] : memref<4608xi32, #tpu.memory_space<hbm>> -> memref<144xi32, #tpu.memory_space<hbm>>
      %dma_wait3A_10 = tpu.memref_slice %arg3[%mul3A_2] : memref<4608xi32, #tpu.memory_space<hbm>> -> memref<144xi32, #tpu.memory_space<hbm>>
      tpu.wait_dma2 semaphore(%run_scoped3A : memref<!tpu.dma_semaphore, #tpu.memory_space<semaphore_mem>>) src(%dma_wait3A_10 : memref<144xi32, #tpu.memory_space<hbm>>) dst(%arg5 : memref<144xi32, #tpu.memory_space<vmem>>)
      tpu.yield
    }) : () -> ()
    %dma_start3A = arith.constant 0 : i32
    %dma_start3A_3 = arith.constant 0 : i32
    %dma_start3A_4 = tpu.memref_slice %arg2[%dma_start3A, %dma_start3A_3] : memref<1024x256xf32, #tpu.memory_space<hbm>> -> memref<1024x256xf32, #tpu.memory_space<hbm>>
    tpu.enqueue_indirect_dma source(%dma_start3A_4 : memref<1024x256xf32, #tpu.memory_space<hbm>>) target(%arg6 : memref<144x256xf32, #tpu.memory_space<vmem>>) offsets(%arg5 : memref<144xi32, #tpu.memory_space<vmem>>) semaphore(%arg7 : memref<!tpu.dma_semaphore, #tpu.memory_space<semaphore_mem>>)
    %dma_wait3A = arith.constant 0 : i32
    %dma_wait3A_5 = arith.constant 0 : i32
    %dma_wait3A_6 = tpu.memref_slice %arg2[%dma_wait3A, %dma_wait3A_5] : memref<1024x256xf32, #tpu.memory_space<hbm>> -> memref<1024x256xf32, #tpu.memory_space<hbm>>
    tpu.wait_indirect_dma semaphore(%arg7 : memref<!tpu.dma_semaphore, #tpu.memory_space<semaphore_mem>>) src(%dma_wait3A_6 : memref<1024x256xf32, #tpu.memory_space<hbm>>) dst(%arg6 : memref<144x256xf32, #tpu.memory_space<vmem>>)
    "tpu.region"() ({
      %run_scoped3A = tpu.sem_alloc : memref<!tpu.dma_semaphore, #tpu.memory_space<semaphore_mem>>
      %dma_start3A_7 = arith.constant 0 : i32
      %dma_start3A_8 = tpu.memref_slice %arg4[%mul3A_2, %dma_start3A_7] : memref<4608x256xf32, #tpu.memory_space<hbm>> -> memref<144x256xf32, #tpu.memory_space<hbm>>
      %dma_start3A_9 = arith.constant 0 : i32
      %dma_start3A_10 = tpu.memref_slice %arg4[%mul3A_2, %dma_start3A_9] : memref<4608x256xf32, #tpu.memory_space<hbm>> -> memref<144x256xf32, #tpu.memory_space<hbm>>
      tpu.enqueue_dma source(%arg6 : memref<144x256xf32, #tpu.memory_space<vmem>>) target(%dma_start3A_10 : memref<144x256xf32, #tpu.memory_space<hbm>>) target_semaphore(%run_scoped3A : memref<!tpu.dma_semaphore, #tpu.memory_space<semaphore_mem>>)
      %dma_wait3A_11 = arith.constant 0 : i32
      %dma_wait3A_12 = tpu.memref_slice %arg4[%mul3A_2, %dma_wait3A_11] : memref<4608x256xf32, #tpu.memory_space<hbm>> -> memref<144x256xf32, #tpu.memory_space<hbm>>
      %dma_wait3A_13 = arith.constant 0 : i32
      %dma_wait3A_14 = tpu.memref_slice %arg4[%mul3A_2, %dma_wait3A_13] : memref<4608x256xf32, #tpu.memory_space<hbm>> -> memref<144x256xf32, #tpu.memory_space<hbm>>
      tpu.wait_dma2 semaphore(%run_scoped3A : memref<!tpu.dma_semaphore, #tpu.memory_space<semaphore_mem>>) src(%arg6 : memref<144x256xf32, #tpu.memory_space<vmem>>) dst(%dma_wait3A_14 : memref<144x256xf32, #tpu.memory_space<hbm>>)
      tpu.yield
    }) : () -> ()
    return
  }
}

#map = affine_map<(d0, d1) -> (0, 0)>
#map1 = affine_map<(d0, d1) -> (0)>
module attributes {stable_mosaic.version = 14 : i64} {
  func.func @gather(%arg0: i32, %arg1: i32, %arg2: memref<1024x256xf32, #tpu.memory_space<hbm>>, %arg3: memref<4608xi32, #tpu.memory_space<hbm>>, %arg4: memref<4608x256xf32, #tpu.memory_space<hbm>>, %arg5: memref<144xi32, #tpu.memory_space<vmem>>, %arg6: memref<144x256xf32, #tpu.memory_space<vmem>>, %arg7: memref<!tpu.dma_semaphore, #tpu.memory_space<semaphore_mem>>) attributes {dimension_semantics = [#tpu.dimension_semantics<core_parallel>, #tpu.dimension_semantics<subcore_parallel>], iteration_bounds = array<i64: 2, 16>, scalar_prefetch = 0 : i64, scratch_operands = 3 : i64, tpu.core_type = #tpu.core_type<sc_vector_subcore>, window_params = [{transform_indices = #map}, {transform_indices = #map1}, {transform_indices = #map}]} {
    %mul3A = arith.constant 2 : i32
    %mul3A_0 = arith.muli %arg1, %mul3A : i32
    %add3A = arith.addi %mul3A_0, %arg0 : i32
    %mul3A_1 = arith.constant 144 : i32
    %mul3A_2 = arith.muli %add3A, %mul3A_1 : i32
    "tpu.region"() ({
      %run_scoped3A = tpu.sem_alloc : memref<!tpu.dma_semaphore, #tpu.memory_space<semaphore_mem>>
      %dma_start3A_7 = tpu.memref_slice %arg3[%mul3A_2] : memref<4608xi32, #tpu.memory_space<hbm>> -> memref<144xi32, #tpu.memory_space<hbm>>
      %dma_start3A_8 = tpu.memref_slice %arg3[%mul3A_2] : memref<4608xi32, #tpu.memory_space<hbm>> -> memref<144xi32, #tpu.memory_space<hbm>>
      tpu.enqueue_dma source(%dma_start3A_8 : memref<144xi32, #tpu.memory_space<hbm>>) target(%arg5 : memref<144xi32, #tpu.memory_space<vmem>>) target_semaphore(%run_scoped3A : memref<!tpu.dma_semaphore, #tpu.memory_space<semaphore_mem>>)
      %dma_wait3A_9 = tpu.memref_slice %arg3[%mul3A_2] : memref<4608xi32, #tpu.memory_space<hbm>> -> memref<144xi32, #tpu.memory_space<hbm>>
      %dma_wait3A_10 = tpu.memref_slice %arg3[%mul3A_2] : memref<4608xi32, #tpu.memory_space<hbm>> -> memref<144xi32, #tpu.memory_space<hbm>>
      tpu.wait_dma2 semaphore(%run_scoped3A : memref<!tpu.dma_semaphore, #tpu.memory_space<semaphore_mem>>) src(%dma_wait3A_10 : memref<144xi32, #tpu.memory_space<hbm>>) dst(%arg5 : memref<144xi32, #tpu.memory_space<vmem>>)
      tpu.yield
    }) : () -> ()
    %dma_start3A = arith.constant 0 : i32
    %dma_start3A_3 = arith.constant 0 : i32
    %dma_start3A_4 = tpu.memref_slice %arg2[%dma_start3A, %dma_start3A_3] : memref<1024x256xf32, #tpu.memory_space<hbm>> -> memref<1024x256xf32, #tpu.memory_space<hbm>>
    tpu.enqueue_indirect_dma source(%dma_start3A_4 : memref<1024x256xf32, #tpu.memory_space<hbm>>) target(%arg6 : memref<144x256xf32, #tpu.memory_space<vmem>>) offsets(%arg5 : memref<144xi32, #tpu.memory_space<vmem>>) semaphore(%arg7 : memref<!tpu.dma_semaphore, #tpu.memory_space<semaphore_mem>>)
    %dma_wait3A = arith.constant 0 : i32
    %dma_wait3A_5 = arith.constant 0 : i32
    %dma_wait3A_6 = tpu.memref_slice %arg2[%dma_wait3A, %dma_wait3A_5] : memref<1024x256xf32, #tpu.memory_space<hbm>> -> memref<1024x256xf32, #tpu.memory_space<hbm>>
    tpu.wait_indirect_dma semaphore(%arg7 : memref<!tpu.dma_semaphore, #tpu.memory_space<semaphore_mem>>) src(%dma_wait3A_6 : memref<1024x256xf32, #tpu.memory_space<hbm>>) dst(%arg6 : memref<144x256xf32, #tpu.memory_space<vmem>>)
    "tpu.region"() ({
      %run_scoped3A = tpu.sem_alloc : memref<!tpu.dma_semaphore, #tpu.memory_space<semaphore_mem>>
      %dma_start3A_7 = arith.constant 0 : i32
      %dma_start3A_8 = tpu.memref_slice %arg4[%mul3A_2, %dma_start3A_7] : memref<4608x256xf32, #tpu.memory_space<hbm>> -> memref<144x256xf32, #tpu.memory_space<hbm>>
      %dma_start3A_9 = arith.constant 0 : i32
      %dma_start3A_10 = tpu.memref_slice %arg4[%mul3A_2, %dma_start3A_9] : memref<4608x256xf32, #tpu.memory_space<hbm>> -> memref<144x256xf32, #tpu.memory_space<hbm>>
      tpu.enqueue_dma source(%arg6 : memref<144x256xf32, #tpu.memory_space<vmem>>) target(%dma_start3A_10 : memref<144x256xf32, #tpu.memory_space<hbm>>) target_semaphore(%run_scoped3A : memref<!tpu.dma_semaphore, #tpu.memory_space<semaphore_mem>>)
      %dma_wait3A_11 = arith.constant 0 : i32
      %dma_wait3A_12 = tpu.memref_slice %arg4[%mul3A_2, %dma_wait3A_11] : memref<4608x256xf32, #tpu.memory_space<hbm>> -> memref<144x256xf32, #tpu.memory_space<hbm>>
      %dma_wait3A_13 = arith.constant 0 : i32
      %dma_wait3A_14 = tpu.memref_slice %arg4[%mul3A_2, %dma_wait3A_13] : memref<4608x256xf32, #tpu.memory_space<hbm>> -> memref<144x256xf32, #tpu.memory_space<hbm>>
      tpu.wait_dma2 semaphore(%run_scoped3A : memref<!tpu.dma_semaphore, #tpu.memory_space<semaphore_mem>>) src(%arg6 : memref<144x256xf32, #tpu.memory_space<vmem>>) dst(%dma_wait3A_14 : memref<144x256xf32, #tpu.memory_space<hbm>>)
      tpu.yield
    }) : () -> ()
    return
  }
}

#map = affine_map<(d0, d1) -> (0, 0)>
#map1 = affine_map<(d0, d1) -> (0)>
module attributes {stable_mosaic.version = 14 : i64} {
  func.func @gather(%arg0: i32, %arg1: i32, %arg2: memref<1024x256xf32, #tpu.memory_space<hbm>>, %arg3: memref<4608xi32, #tpu.memory_space<hbm>>, %arg4: memref<4608x256xf32, #tpu.memory_space<hbm>>, %arg5: memref<144xi32, #tpu.memory_space<vmem>>, %arg6: memref<144x256xf32, #tpu.memory_space<vmem>>, %arg7: memref<!tpu.dma_semaphore, #tpu.memory_space<semaphore_mem>>) attributes {dimension_semantics = [#tpu.dimension_semantics<core_parallel>, #tpu.dimension_semantics<subcore_parallel>], iteration_bounds = array<i64: 2, 16>, scalar_prefetch = 0 : i64, scratch_operands = 3 : i64, tpu.core_type = #tpu.core_type<sc_vector_subcore>, window_params = [{transform_indices = #map}, {transform_indices = #map1}, {transform_indices = #map}]} {
    %mul3A = arith.constant 2 : i32
    %mul3A_0 = arith.muli %arg1, %mul3A : i32
    %add3A = arith.addi %mul3A_0, %arg0 : i32
    %mul3A_1 = arith.constant 144 : i32
    %mul3A_2 = arith.muli %add3A, %mul3A_1 : i32
    "tpu.region"() ({
      %run_scoped3A = tpu.sem_alloc : memref<!tpu.dma_semaphore, #tpu.memory_space<semaphore_mem>>
      %dma_start3A_7 = tpu.memref_slice %arg3[%mul3A_2] : memref<4608xi32, #tpu.memory_space<hbm>> -> memref<144xi32, #tpu.memory_space<hbm>>
      %dma_start3A_8 = tpu.memref_slice %arg3[%mul3A_2] : memref<4608xi32, #tpu.memory_space<hbm>> -> memref<144xi32, #tpu.memory_space<hbm>>
      tpu.enqueue_dma source(%dma_start3A_8 : memref<144xi32, #tpu.memory_space<hbm>>) target(%arg5 : memref<144xi32, #tpu.memory_space<vmem>>) target_semaphore(%run_scoped3A : memref<!tpu.dma_semaphore, #tpu.memory_space<semaphore_mem>>)
      %dma_wait3A_9 = tpu.memref_slice %arg3[%mul3A_2] : memref<4608xi32, #tpu.memory_space<hbm>> -> memref<144xi32, #tpu.memory_space<hbm>>
      %dma_wait3A_10 = tpu.memref_slice %arg3[%mul3A_2] : memref<4608xi32, #tpu.memory_space<hbm>> -> memref<144xi32, #tpu.memory_space<hbm>>
      tpu.wait_dma2 semaphore(%run_scoped3A : memref<!tpu.dma_semaphore, #tpu.memory_space<semaphore_mem>>) src(%dma_wait3A_10 : memref<144xi32, #tpu.memory_space<hbm>>) dst(%arg5 : memref<144xi32, #tpu.memory_space<vmem>>)
      tpu.yield
    }) : () -> ()
    %dma_start3A = arith.constant 0 : i32
    %dma_start3A_3 = arith.constant 0 : i32
    %dma_start3A_4 = tpu.memref_slice %arg2[%dma_start3A, %dma_start3A_3] : memref<1024x256xf32, #tpu.memory_space<hbm>> -> memref<1024x256xf32, #tpu.memory_space<hbm>>
    tpu.enqueue_indirect_dma source(%dma_start3A_4 : memref<1024x256xf32, #tpu.memory_space<hbm>>) target(%arg6 : memref<144x256xf32, #tpu.memory_space<vmem>>) offsets(%arg5 : memref<144xi32, #tpu.memory_space<vmem>>) semaphore(%arg7 : memref<!tpu.dma_semaphore, #tpu.memory_space<semaphore_mem>>)
    %dma_wait3A = arith.constant 0 : i32
    %dma_wait3A_5 = arith.constant 0 : i32
    %dma_wait3A_6 = tpu.memref_slice %arg2[%dma_wait3A, %dma_wait3A_5] : memref<1024x256xf32, #tpu.memory_space<hbm>> -> memref<1024x256xf32, #tpu.memory_space<hbm>>
    tpu.wait_indirect_dma semaphore(%arg7 : memref<!tpu.dma_semaphore, #tpu.memory_space<semaphore_mem>>) src(%dma_wait3A_6 : memref<1024x256xf32, #tpu.memory_space<hbm>>) dst(%arg6 : memref<144x256xf32, #tpu.memory_space<vmem>>)
    "tpu.region"() ({
      %run_scoped3A = tpu.sem_alloc : memref<!tpu.dma_semaphore, #tpu.memory_space<semaphore_mem>>
      %dma_start3A_7 = arith.constant 0 : i32
      %dma_start3A_8 = tpu.memref_slice %arg4[%mul3A_2, %dma_start3A_7] : memref<4608x256xf32, #tpu.memory_space<hbm>> -> memref<144x256xf32, #tpu.memory_space<hbm>>
      %dma_start3A_9 = arith.constant 0 : i32
      %dma_start3A_10 = tpu.memref_slice %arg4[%mul3A_2, %dma_start3A_9] : memref<4608x256xf32, #tpu.memory_space<hbm>> -> memref<144x256xf32, #tpu.memory_space<hbm>>
      tpu.enqueue_dma source(%arg6 : memref<144x256xf32, #tpu.memory_space<vmem>>) target(%dma_start3A_10 : memref<144x256xf32, #tpu.memory_space<hbm>>) target_semaphore(%run_scoped3A : memref<!tpu.dma_semaphore, #tpu.memory_space<semaphore_mem>>)
      %dma_wait3A_11 = arith.constant 0 : i32
      %dma_wait3A_12 = tpu.memref_slice %arg4[%mul3A_2, %dma_wait3A_11] : memref<4608x256xf32, #tpu.memory_space<hbm>> -> memref<144x256xf32, #tpu.memory_space<hbm>>
      %dma_wait3A_13 = arith.constant 0 : i32
      %dma_wait3A_14 = tpu.memref_slice %arg4[%mul3A_2, %dma_wait3A_13] : memref<4608x256xf32, #tpu.memory_space<hbm>> -> memref<144x256xf32, #tpu.memory_space<hbm>>
      tpu.wait_dma2 semaphore(%run_scoped3A : memref<!tpu.dma_semaphore, #tpu.memory_space<semaphore_mem>>) src(%arg6 : memref<144x256xf32, #tpu.memory_space<vmem>>) dst(%dma_wait3A_14 : memref<144x256xf32, #tpu.memory_space<hbm>>)
      tpu.yield
    }) : () -> ()
    return
  }
}

#map = affine_map<(d0, d1) -> (0, 0)>
#map1 = affine_map<(d0, d1) -> (0)>
module attributes {stable_mosaic.version = 14 : i64} {
  func.func @gather(%arg0: i32, %arg1: i32, %arg2: memref<1024x256xf32, #tpu.memory_space<hbm>>, %arg3: memref<4608xi32, #tpu.memory_space<hbm>>, %arg4: memref<4608x256xf32, #tpu.memory_space<hbm>>, %arg5: memref<144xi32, #tpu.memory_space<vmem>>, %arg6: memref<144x256xf32, #tpu.memory_space<vmem>>, %arg7: memref<!tpu.dma_semaphore, #tpu.memory_space<semaphore_mem>>) attributes {dimension_semantics = [#tpu.dimension_semantics<core_parallel>, #tpu.dimension_semantics<subcore_parallel>], iteration_bounds = array<i64: 2, 16>, scalar_prefetch = 0 : i64, scratch_operands = 3 : i64, tpu.core_type = #tpu.core_type<sc_vector_subcore>, window_params = [{transform_indices = #map}, {transform_indices = #map1}, {transform_indices = #map}]} {
    %mul3A = arith.constant 2 : i32
    %mul3A_0 = arith.muli %arg1, %mul3A : i32
    %add3A = arith.addi %mul3A_0, %arg0 : i32
    %mul3A_1 = arith.constant 144 : i32
    %mul3A_2 = arith.muli %add3A, %mul3A_1 : i32
    "tpu.region"() ({
      %run_scoped3A = tpu.sem_alloc : memref<!tpu.dma_semaphore, #tpu.memory_space<semaphore_mem>>
      %dma_start3A_7 = tpu.memref_slice %arg3[%mul3A_2] : memref<4608xi32, #tpu.memory_space<hbm>> -> memref<144xi32, #tpu.memory_space<hbm>>
      %dma_start3A_8 = tpu.memref_slice %arg3[%mul3A_2] : memref<4608xi32, #tpu.memory_space<hbm>> -> memref<144xi32, #tpu.memory_space<hbm>>
      tpu.enqueue_dma source(%dma_start3A_8 : memref<144xi32, #tpu.memory_space<hbm>>) target(%arg5 : memref<144xi32, #tpu.memory_space<vmem>>) target_semaphore(%run_scoped3A : memref<!tpu.dma_semaphore, #tpu.memory_space<semaphore_mem>>)
      %dma_wait3A_9 = tpu.memref_slice %arg3[%mul3A_2] : memref<4608xi32, #tpu.memory_space<hbm>> -> memref<144xi32, #tpu.memory_space<hbm>>
      %dma_wait3A_10 = tpu.memref_slice %arg3[%mul3A_2] : memref<4608xi32, #tpu.memory_space<hbm>> -> memref<144xi32, #tpu.memory_space<hbm>>
      tpu.wait_dma2 semaphore(%run_scoped3A : memref<!tpu.dma_semaphore, #tpu.memory_space<semaphore_mem>>) src(%dma_wait3A_10 : memref<144xi32, #tpu.memory_space<hbm>>) dst(%arg5 : memref<144xi32, #tpu.memory_space<vmem>>)
      tpu.yield
    }) : () -> ()
    %dma_start3A = arith.constant 0 : i32
    %dma_start3A_3 = arith.constant 0 : i32
    %dma_start3A_4 = tpu.memref_slice %arg2[%dma_start3A, %dma_start3A_3] : memref<1024x256xf32, #tpu.memory_space<hbm>> -> memref<1024x256xf32, #tpu.memory_space<hbm>>
    tpu.enqueue_indirect_dma source(%dma_start3A_4 : memref<1024x256xf32, #tpu.memory_space<hbm>>) target(%arg6 : memref<144x256xf32, #tpu.memory_space<vmem>>) offsets(%arg5 : memref<144xi32, #tpu.memory_space<vmem>>) semaphore(%arg7 : memref<!tpu.dma_semaphore, #tpu.memory_space<semaphore_mem>>)
    %dma_wait3A = arith.constant 0 : i32
    %dma_wait3A_5 = arith.constant 0 : i32
    %dma_wait3A_6 = tpu.memref_slice %arg2[%dma_wait3A, %dma_wait3A_5] : memref<1024x256xf32, #tpu.memory_space<hbm>> -> memref<1024x256xf32, #tpu.memory_space<hbm>>
    tpu.wait_indirect_dma semaphore(%arg7 : memref<!tpu.dma_semaphore, #tpu.memory_space<semaphore_mem>>) src(%dma_wait3A_6 : memref<1024x256xf32, #tpu.memory_space<hbm>>) dst(%arg6 : memref<144x256xf32, #tpu.memory_space<vmem>>)
    "tpu.region"() ({
      %run_scoped3A = tpu.sem_alloc : memref<!tpu.dma_semaphore, #tpu.memory_space<semaphore_mem>>
      %dma_start3A_7 = arith.constant 0 : i32
      %dma_start3A_8 = tpu.memref_slice %arg4[%mul3A_2, %dma_start3A_7] : memref<4608x256xf32, #tpu.memory_space<hbm>> -> memref<144x256xf32, #tpu.memory_space<hbm>>
      %dma_start3A_9 = arith.constant 0 : i32
      %dma_start3A_10 = tpu.memref_slice %arg4[%mul3A_2, %dma_start3A_9] : memref<4608x256xf32, #tpu.memory_space<hbm>> -> memref<144x256xf32, #tpu.memory_space<hbm>>
      tpu.enqueue_dma source(%arg6 : memref<144x256xf32, #tpu.memory_space<vmem>>) target(%dma_start3A_10 : memref<144x256xf32, #tpu.memory_space<hbm>>) target_semaphore(%run_scoped3A : memref<!tpu.dma_semaphore, #tpu.memory_space<semaphore_mem>>)
      %dma_wait3A_11 = arith.constant 0 : i32
      %dma_wait3A_12 = tpu.memref_slice %arg4[%mul3A_2, %dma_wait3A_11] : memref<4608x256xf32, #tpu.memory_space<hbm>> -> memref<144x256xf32, #tpu.memory_space<hbm>>
      %dma_wait3A_13 = arith.constant 0 : i32
      %dma_wait3A_14 = tpu.memref_slice %arg4[%mul3A_2, %dma_wait3A_13] : memref<4608x256xf32, #tpu.memory_space<hbm>> -> memref<144x256xf32, #tpu.memory_space<hbm>>
      tpu.wait_dma2 semaphore(%run_scoped3A : memref<!tpu.dma_semaphore, #tpu.memory_space<semaphore_mem>>) src(%arg6 : memref<144x256xf32, #tpu.memory_space<vmem>>) dst(%dma_wait3A_14 : memref<144x256xf32, #tpu.memory_space<hbm>>)
      tpu.yield
    }) : () -> ()
    return
  }
}

#map = affine_map<(d0, d1) -> (0, 0)>
#map1 = affine_map<(d0, d1) -> (0)>
module attributes {stable_mosaic.version = 14 : i64} {
  func.func @gather(%arg0: i32, %arg1: i32, %arg2: memref<1024x256xf32, #tpu.memory_space<hbm>>, %arg3: memref<4608xi32, #tpu.memory_space<hbm>>, %arg4: memref<4608x256xf32, #tpu.memory_space<hbm>>, %arg5: memref<144xi32, #tpu.memory_space<vmem>>, %arg6: memref<144x256xf32, #tpu.memory_space<vmem>>, %arg7: memref<!tpu.dma_semaphore, #tpu.memory_space<semaphore_mem>>) attributes {dimension_semantics = [#tpu.dimension_semantics<core_parallel>, #tpu.dimension_semantics<subcore_parallel>], iteration_bounds = array<i64: 2, 16>, scalar_prefetch = 0 : i64, scratch_operands = 3 : i64, tpu.core_type = #tpu.core_type<sc_vector_subcore>, window_params = [{transform_indices = #map}, {transform_indices = #map1}, {transform_indices = #map}]} {
    %mul3A = arith.constant 2 : i32
    %mul3A_0 = arith.muli %arg1, %mul3A : i32
    %add3A = arith.addi %mul3A_0, %arg0 : i32
    %mul3A_1 = arith.constant 144 : i32
    %mul3A_2 = arith.muli %add3A, %mul3A_1 : i32
    "tpu.region"() ({
      %run_scoped3A = tpu.sem_alloc : memref<!tpu.dma_semaphore, #tpu.memory_space<semaphore_mem>>
      %dma_start3A_7 = tpu.memref_slice %arg3[%mul3A_2] : memref<4608xi32, #tpu.memory_space<hbm>> -> memref<144xi32, #tpu.memory_space<hbm>>
      %dma_start3A_8 = tpu.memref_slice %arg3[%mul3A_2] : memref<4608xi32, #tpu.memory_space<hbm>> -> memref<144xi32, #tpu.memory_space<hbm>>
      tpu.enqueue_dma source(%dma_start3A_8 : memref<144xi32, #tpu.memory_space<hbm>>) target(%arg5 : memref<144xi32, #tpu.memory_space<vmem>>) target_semaphore(%run_scoped3A : memref<!tpu.dma_semaphore, #tpu.memory_space<semaphore_mem>>)
      %dma_wait3A_9 = tpu.memref_slice %arg3[%mul3A_2] : memref<4608xi32, #tpu.memory_space<hbm>> -> memref<144xi32, #tpu.memory_space<hbm>>
      %dma_wait3A_10 = tpu.memref_slice %arg3[%mul3A_2] : memref<4608xi32, #tpu.memory_space<hbm>> -> memref<144xi32, #tpu.memory_space<hbm>>
      tpu.wait_dma2 semaphore(%run_scoped3A : memref<!tpu.dma_semaphore, #tpu.memory_space<semaphore_mem>>) src(%dma_wait3A_10 : memref<144xi32, #tpu.memory_space<hbm>>) dst(%arg5 : memref<144xi32, #tpu.memory_space<vmem>>)
      tpu.yield
    }) : () -> ()
    %dma_start3A = arith.constant 0 : i32
    %dma_start3A_3 = arith.constant 0 : i32
    %dma_start3A_4 = tpu.memref_slice %arg2[%dma_start3A, %dma_start3A_3] : memref<1024x256xf32, #tpu.memory_space<hbm>> -> memref<1024x256xf32, #tpu.memory_space<hbm>>
    tpu.enqueue_indirect_dma source(%dma_start3A_4 : memref<1024x256xf32, #tpu.memory_space<hbm>>) target(%arg6 : memref<144x256xf32, #tpu.memory_space<vmem>>) offsets(%arg5 : memref<144xi32, #tpu.memory_space<vmem>>) semaphore(%arg7 : memref<!tpu.dma_semaphore, #tpu.memory_space<semaphore_mem>>)
    %dma_wait3A = arith.constant 0 : i32
    %dma_wait3A_5 = arith.constant 0 : i32
    %dma_wait3A_6 = tpu.memref_slice %arg2[%dma_wait3A, %dma_wait3A_5] : memref<1024x256xf32, #tpu.memory_space<hbm>> -> memref<1024x256xf32, #tpu.memory_space<hbm>>
    tpu.wait_indirect_dma semaphore(%arg7 : memref<!tpu.dma_semaphore, #tpu.memory_space<semaphore_mem>>) src(%dma_wait3A_6 : memref<1024x256xf32, #tpu.memory_space<hbm>>) dst(%arg6 : memref<144x256xf32, #tpu.memory_space<vmem>>)
    "tpu.region"() ({
      %run_scoped3A = tpu.sem_alloc : memref<!tpu.dma_semaphore, #tpu.memory_space<semaphore_mem>>
      %dma_start3A_7 = arith.constant 0 : i32
      %dma_start3A_8 = tpu.memref_slice %arg4[%mul3A_2, %dma_start3A_7] : memref<4608x256xf32, #tpu.memory_space<hbm>> -> memref<144x256xf32, #tpu.memory_space<hbm>>
      %dma_start3A_9 = arith.constant 0 : i32
      %dma_start3A_10 = tpu.memref_slice %arg4[%mul3A_2, %dma_start3A_9] : memref<4608x256xf32, #tpu.memory_space<hbm>> -> memref<144x256xf32, #tpu.memory_space<hbm>>
      tpu.enqueue_dma source(%arg6 : memref<144x256xf32, #tpu.memory_space<vmem>>) target(%dma_start3A_10 : memref<144x256xf32, #tpu.memory_space<hbm>>) target_semaphore(%run_scoped3A : memref<!tpu.dma_semaphore, #tpu.memory_space<semaphore_mem>>)
      %dma_wait3A_11 = arith.constant 0 : i32
      %dma_wait3A_12 = tpu.memref_slice %arg4[%mul3A_2, %dma_wait3A_11] : memref<4608x256xf32, #tpu.memory_space<hbm>> -> memref<144x256xf32, #tpu.memory_space<hbm>>
      %dma_wait3A_13 = arith.constant 0 : i32
      %dma_wait3A_14 = tpu.memref_slice %arg4[%mul3A_2, %dma_wait3A_13] : memref<4608x256xf32, #tpu.memory_space<hbm>> -> memref<144x256xf32, #tpu.memory_space<hbm>>
      tpu.wait_dma2 semaphore(%run_scoped3A : memref<!tpu.dma_semaphore, #tpu.memory_space<semaphore_mem>>) src(%arg6 : memref<144x256xf32, #tpu.memory_space<vmem>>) dst(%dma_wait3A_14 : memref<144x256xf32, #tpu.memory_space<hbm>>)
      tpu.yield
    }) : () -> ()
    return
  }
}

module attributes {stable_mosaic.version = 14 : i64} {
  func.func @_enc_body(%arg0: i32, %arg1: memref<1152x768xf32, #tpu.memory_space<vmem>>, %arg2: memref<768x256xf32, #tpu.memory_space<vmem>>, %arg3: memref<1x256xf32, #tpu.memory_space<vmem>>, %arg4: memref<1024x256xf32, #tpu.memory_space<vmem>>, %arg5: memref<1152x256xf32, #tpu.memory_space<vmem>>, %arg6: memref<1x1152xi32, #tpu.memory_space<vmem>>) attributes {dimension_semantics = [#tpu.dimension_semantics<arbitrary>], iteration_bounds = array<i64: 4>, scalar_prefetch = 0 : i64, scratch_operands = 0 : i64, tpu.core_type = #tpu.core_type<tc>, window_params = [{transform_indices = @transform_0, window_bounds = array<i64: 1152, 768>}, {pipeline_mode = #tpu.pipeline_mode<synchronous>, transform_indices = @transform_1, window_bounds = array<i64: 768, 256>}, {pipeline_mode = #tpu.pipeline_mode<synchronous>, transform_indices = @transform_2, window_bounds = array<i64: 1, 256>}, {pipeline_mode = #tpu.pipeline_mode<synchronous>, transform_indices = @transform_3, window_bounds = array<i64: 1024, 256>}, {transform_indices = @transform_4, window_bounds = array<i64: 1152, 256>}, {transform_indices = @transform_5, window_bounds = array<i64: 1, 1152>}]} {
    %get3A = arith.constant 0 : index
    %get3A_0 = arith.constant 0 : index
    %get3A_1 = vector.load %arg1[%get3A, %get3A_0] : memref<1152x768xf32, #tpu.memory_space<vmem>>, vector<1152x768xf32>
    %convert_element_type3A = arith.truncf %get3A_1 : vector<1152x768xf32> to vector<1152x768xbf16>
    %get3A_2 = arith.constant 0 : index
    %get3A_3 = arith.constant 0 : index
    %get3A_4 = vector.load %arg2[%get3A_2, %get3A_3] : memref<768x256xf32, #tpu.memory_space<vmem>>, vector<768x256xf32>
    %convert_element_type3A_5 = arith.truncf %get3A_4 : vector<768x256xf32> to vector<768x256xbf16>
    %dot_general3A = arith.constant dense<0.000000e+00> : vector<1152x256xf32>
    %dot_general3A_6 = tpu.matmul %convert_element_type3A, %convert_element_type3A_5, %dot_general3A {dimension_numbers = #tpu.dot_dimension_numbers<[1], [0], [0], [1], [0, 0, 1, 1], [], []>, transpose_lhs_hint = false} : vector<1152x768xbf16>, vector<768x256xbf16>, vector<1152x256xf32> -> vector<1152x256xf32>
    %get3A_7 = arith.constant 0 : index
    %get3A_8 = arith.constant 0 : index
    %get3A_9 = vector.load %arg3[%get3A_7, %get3A_8] : memref<1x256xf32, #tpu.memory_space<vmem>>, vector<1x256xf32>
    %add3A = vector.broadcast %get3A_9 : vector<1x256xf32> to vector<1152x256xf32>
    %add3A_10 = arith.addf %dot_general3A_6, %add3A : vector<1152x256xf32>
    %integer_pow3A = arith.mulf %add3A_10, %add3A_10 : vector<1152x256xf32>
    %integer_pow3A_11 = arith.mulf %add3A_10, %integer_pow3A : vector<1152x256xf32>
    %mul3A = arith.constant 4.471500e-02 : f32
    %mul3A_12 = vector.broadcast %mul3A : f32 to vector<1152x256xf32>
    %mul3A_13 = arith.mulf %mul3A_12, %integer_pow3A_11 : vector<1152x256xf32>
    %add3A_14 = arith.addf %add3A_10, %mul3A_13 : vector<1152x256xf32>
    %mul3A_15 = arith.constant 0.797884583 : f32
    %mul3A_16 = vector.broadcast %mul3A_15 : f32 to vector<1152x256xf32>
    %mul3A_17 = arith.mulf %mul3A_16, %add3A_14 : vector<1152x256xf32>
    %tanh3A = math.tanh %mul3A_17 : vector<1152x256xf32>
    %add3A_18 = arith.constant 1.000000e+00 : f32
    %add3A_19 = vector.broadcast %add3A_18 : f32 to vector<1152x256xf32>
    %add3A_20 = arith.addf %add3A_19, %tanh3A : vector<1152x256xf32>
    %mul3A_21 = arith.constant 5.000000e-01 : f32
    %mul3A_22 = vector.broadcast %mul3A_21 : f32 to vector<1152x256xf32>
    %mul3A_23 = arith.mulf %mul3A_22, %add3A_20 : vector<1152x256xf32>
    %mul3A_24 = arith.mulf %add3A_10, %mul3A_23 : vector<1152x256xf32>
    %swap3A = arith.constant 0 : index
    %swap3A_25 = arith.constant 0 : index
    %swap3A_26 = vector.load %arg5[%swap3A, %swap3A_25] : memref<1152x256xf32, #tpu.memory_space<vmem>>, vector<1152x256xf32>
    tpu.vector_store %arg5[%swap3A, %swap3A_25], %mul3A_24 {strides = array<i32>} : memref<1152x256xf32, #tpu.memory_space<vmem>>, vector<1152x256xf32>,
    %get3A_27 = arith.constant 0 : index
    %get3A_28 = arith.constant 0 : index
    %get3A_29 = vector.load %arg4[%get3A_27, %get3A_28] : memref<1024x256xf32, #tpu.memory_space<vmem>>, vector<1024x256xf32>
    %mul3A_30 = arith.mulf %get3A_29, %get3A_29 : vector<1024x256xf32>
    %reduce_sum3A = arith.constant dense<0.000000e+00> : vector<1024xf32>
    %reduce_sum3A_31 = vector.multi_reduction <add>, %mul3A_30, %reduce_sum3A [1] : vector<1024x256xf32> to vector<1024xf32>
    %broadcast_in_dim3A = vector.shape_cast %reduce_sum3A_31 : vector<1024xf32> to vector<1x1024xf32>
    %convert_element_type3A_32 = arith.truncf %get3A_29 : vector<1024x256xf32> to vector<1024x256xbf16>
    %slice3A = vector.extract_strided_slice %mul3A_24 {offsets = [0, 0], sizes = [384, 256], strides = [1, 1]} : vector<1152x256xf32> to vector<384x256xf32>
    %convert_element_type3A_33 = arith.truncf %slice3A : vector<384x256xf32> to vector<384x256xbf16>
    %dot_general3A_34 = arith.constant dense<0.000000e+00> : vector<384x1024xf32>
    %dot_general3A_35 = tpu.matmul %convert_element_type3A_33, %convert_element_type3A_32, %dot_general3A_34 {dimension_numbers = #tpu.dot_dimension_numbers<[1], [1], [0], [0], [0, 0, 1, 0], [], []>, transpose_lhs_hint = false} : vector<384x256xbf16>, vector<1024x256xbf16>, vector<384x1024xf32> -> vector<384x1024xf32>
    %mul3A_36 = arith.mulf %slice3A, %slice3A : vector<384x256xf32>
    %reduce_sum3A_37 = arith.constant dense<0.000000e+00> : vector<384xf32>
    %reduce_sum3A_38 = vector.multi_reduction <add>, %mul3A_36, %reduce_sum3A_37 [1] : vector<384x256xf32> to vector<384xf32>
    %broadcast_in_dim3A_39 = vector.shape_cast %reduce_sum3A_38 : vector<384xf32> to vector<384x1xf32>
    %mul3A_40 = arith.constant 2.000000e+00 : f32
    %mul3A_41 = vector.broadcast %mul3A_40 : f32 to vector<384x1024xf32>
    %mul3A_42 = arith.mulf %mul3A_41, %dot_general3A_35 : vector<384x1024xf32>
    %sub3A = vector.broadcast %broadcast_in_dim3A_39 : vector<384x1xf32> to vector<384x1024xf32>
    %sub3A_43 = arith.subf %sub3A, %mul3A_42 : vector<384x1024xf32>
    %add3A_44 = vector.broadcast %broadcast_in_dim3A : vector<1x1024xf32> to vector<384x1024xf32>
    %add3A_45 = arith.addf %sub3A_43, %add3A_44 : vector<384x1024xf32>
    %argmin3A = tpu.reduce_index %add3A_45 {axis = 1 : i32, kind = #tpu.reduction_kind<arg_min>} : vector<384x1024xf32> -> vector<384xi32>
    %slice3A_46 = vector.extract_strided_slice %mul3A_24 {offsets = [384, 0], sizes = [384, 256], strides = [1, 1]} : vector<1152x256xf32> to vector<384x256xf32>
    %convert_element_type3A_47 = arith.truncf %slice3A_46 : vector<384x256xf32> to vector<384x256xbf16>
    %dot_general3A_48 = arith.constant dense<0.000000e+00> : vector<384x1024xf32>
    %dot_general3A_49 = tpu.matmul %convert_element_type3A_47, %convert_element_type3A_32, %dot_general3A_48 {dimension_numbers = #tpu.dot_dimension_numbers<[1], [1], [0], [0], [0, 0, 1, 0], [], []>, transpose_lhs_hint = false} : vector<384x256xbf16>, vector<1024x256xbf16>, vector<384x1024xf32> -> vector<384x1024xf32>
    %mul3A_50 = arith.mulf %slice3A_46, %slice3A_46 : vector<384x256xf32>
    %reduce_sum3A_51 = arith.constant dense<0.000000e+00> : vector<384xf32>
    %reduce_sum3A_52 = vector.multi_reduction <add>, %mul3A_50, %reduce_sum3A_51 [1] : vector<384x256xf32> to vector<384xf32>
    %broadcast_in_dim3A_53 = vector.shape_cast %reduce_sum3A_52 : vector<384xf32> to vector<384x1xf32>
    %mul3A_54 = arith.constant 2.000000e+00 : f32
    %mul3A_55 = vector.broadcast %mul3A_54 : f32 to vector<384x1024xf32>
    %mul3A_56 = arith.mulf %mul3A_55, %dot_general3A_49 : vector<384x1024xf32>
    %sub3A_57 = vector.broadcast %broadcast_in_dim3A_53 : vector<384x1xf32> to vector<384x1024xf32>
    %sub3A_58 = arith.subf %sub3A_57, %mul3A_56 : vector<384x1024xf32>
    %add3A_59 = vector.broadcast %broadcast_in_dim3A : vector<1x1024xf32> to vector<384x1024xf32>
    %add3A_60 = arith.addf %sub3A_58, %add3A_59 : vector<384x1024xf32>
    %argmin3A_61 = tpu.reduce_index %add3A_60 {axis = 1 : i32, kind = #tpu.reduction_kind<arg_min>} : vector<384x1024xf32> -> vector<384xi32>
    %slice3A_62 = vector.extract_strided_slice %mul3A_24 {offsets = [768, 0], sizes = [384, 256], strides = [1, 1]} : vector<1152x256xf32> to vector<384x256xf32>
    %convert_element_type3A_63 = arith.truncf %slice3A_62 : vector<384x256xf32> to vector<384x256xbf16>
    %dot_general3A_64 = arith.constant dense<0.000000e+00> : vector<384x1024xf32>
    %dot_general3A_65 = tpu.matmul %convert_element_type3A_63, %convert_element_type3A_32, %dot_general3A_64 {dimension_numbers = #tpu.dot_dimension_numbers<[1], [1], [0], [0], [0, 0, 1, 0], [], []>, transpose_lhs_hint = false} : vector<384x256xbf16>, vector<1024x256xbf16>, vector<384x1024xf32> -> vector<384x1024xf32>
    %mul3A_66 = arith.mulf %slice3A_62, %slice3A_62 : vector<384x256xf32>
    %reduce_sum3A_67 = arith.constant dense<0.000000e+00> : vector<384xf32>
    %reduce_sum3A_68 = vector.multi_reduction <add>, %mul3A_66, %reduce_sum3A_67 [1] : vector<384x256xf32> to vector<384xf32>
    %broadcast_in_dim3A_69 = vector.shape_cast %reduce_sum3A_68 : vector<384xf32> to vector<384x1xf32>
    %mul3A_70 = arith.constant 2.000000e+00 : f32
    %mul3A_71 = vector.broadcast %mul3A_70 : f32 to vector<384x1024xf32>
    %mul3A_72 = arith.mulf %mul3A_71, %dot_general3A_65 : vector<384x1024xf32>
    %sub3A_73 = vector.broadcast %broadcast_in_dim3A_69 : vector<384x1xf32> to vector<384x1024xf32>
    %sub3A_74 = arith.subf %sub3A_73, %mul3A_72 : vector<384x1024xf32>
    %add3A_75 = vector.broadcast %broadcast_in_dim3A : vector<1x1024xf32> to vector<384x1024xf32>
    %add3A_76 = arith.addf %sub3A_74, %add3A_75 : vector<384x1024xf32>
    %argmin3A_77 = tpu.reduce_index %add3A_76 {axis = 1 : i32, kind = #tpu.reduction_kind<arg_min>} : vector<384x1024xf32> -> vector<384xi32>
    %concatenate3A = tpu.concatenate %argmin3A, %argmin3A_61, %argmin3A_77 in 0 : vector<384xi32>, vector<384xi32>, vector<384xi32> -> vector<1152xi32>
    %broadcast_in_dim3A_78 = vector.shape_cast %concatenate3A : vector<1152xi32> to vector<1x1152xi32>
    %swap3A_79 = arith.constant 0 : index
    %swap3A_80 = arith.constant 0 : index
    %swap3A_81 = vector.load %arg6[%swap3A_79, %swap3A_80] : memref<1x1152xi32, #tpu.memory_space<vmem>>, vector<1x1152xi32>
    tpu.vector_store %arg6[%swap3A_79, %swap3A_80], %broadcast_in_dim3A_78 {strides = array<i32>} : memref<1x1152xi32, #tpu.memory_space<vmem>>, vector<1x1152xi32>,
    return
  }
  func.func @transform_0(%arg0: i32) -> (i32, i32) {
    %c0_i32 = arith.constant 0 : i32
    %c0_i32_0 = arith.constant 0 : i32
    return %arg0, %c0_i32 : i32, i32
  }
  func.func @transform_1(%arg0: i32) -> (i32, i32) {
    %c0_i32 = arith.constant 0 : i32
    %c0_i32_0 = arith.constant 0 : i32
    %c0_i32_1 = arith.constant 0 : i32
    return %c0_i32, %c0_i32_0 : i32, i32
  }
  func.func @transform_2(%arg0: i32) -> (i32, i32) {
    %c0_i32 = arith.constant 0 : i32
    %c0_i32_0 = arith.constant 0 : i32
    %c0_i32_1 = arith.constant 0 : i32
    return %c0_i32, %c0_i32_0 : i32, i32
  }
  func.func @transform_3(%arg0: i32) -> (i32, i32) {
    %c0_i32 = arith.constant 0 : i32
    %c0_i32_0 = arith.constant 0 : i32
    %c0_i32_1 = arith.constant 0 : i32
    return %c0_i32, %c0_i32_0 : i32, i32
  }
  func.func @transform_4(%arg0: i32) -> (i32, i32) {
    %c0_i32 = arith.constant 0 : i32
    %c0_i32_0 = arith.constant 0 : i32
    return %arg0, %c0_i32 : i32, i32
  }
  func.func @transform_5(%arg0: i32) -> (i32, i32) {
    %c0_i32 = arith.constant 0 : i32
    %c0_i32_0 = arith.constant 0 : i32
    return %c0_i32, %arg0 : i32, i32
  }
}

module attributes {stable_mosaic.version = 14 : i64} {
  func.func @_mid_body(%arg0: i32, %arg1: memref<1152x256xf32, #tpu.memory_space<vmem>>, %arg2: memref<1152x256xf32, #tpu.memory_space<vmem>>, %arg3: memref<1024x256xf32, #tpu.memory_space<vmem>>, %arg4: memref<1152x256xf32, #tpu.memory_space<vmem>>, %arg5: memref<1x1152xi32, #tpu.memory_space<vmem>>, %arg6: memref<8x128xf32, #tpu.memory_space<vmem>>) attributes {dimension_semantics = [#tpu.dimension_semantics<arbitrary>], iteration_bounds = array<i64: 4>, scalar_prefetch = 0 : i64, scratch_operands = 0 : i64, tpu.core_type = #tpu.core_type<tc>, window_params = [{transform_indices = @transform_0, window_bounds = array<i64: 1152, 256>}, {transform_indices = @transform_1, window_bounds = array<i64: 1152, 256>}, {pipeline_mode = #tpu.pipeline_mode<synchronous>, transform_indices = @transform_2, window_bounds = array<i64: 1024, 256>}, {transform_indices = @transform_3, window_bounds = array<i64: 1152, 256>}, {transform_indices = @transform_4, window_bounds = array<i64: 1, 1152>}, {pipeline_mode = #tpu.pipeline_mode<synchronous>, transform_indices = @transform_5, window_bounds = array<i64: 8, 128>}]} {
    %get3A = arith.constant 0 : index
    %get3A_0 = arith.constant 0 : index
    %get3A_1 = vector.load %arg1[%get3A, %get3A_0] : memref<1152x256xf32, #tpu.memory_space<vmem>>, vector<1152x256xf32>
    %get3A_2 = arith.constant 0 : index
    %get3A_3 = arith.constant 0 : index
    %get3A_4 = vector.load %arg2[%get3A_2, %get3A_3] : memref<1152x256xf32, #tpu.memory_space<vmem>>, vector<1152x256xf32>
    %sub3A = arith.subf %get3A_1, %get3A_4 : vector<1152x256xf32>
    %swap3A = arith.constant 0 : index
    %swap3A_5 = arith.constant 0 : index
    %swap3A_6 = vector.load %arg4[%swap3A, %swap3A_5] : memref<1152x256xf32, #tpu.memory_space<vmem>>, vector<1152x256xf32>
    tpu.vector_store %arg4[%swap3A, %swap3A_5], %sub3A {strides = array<i32>} : memref<1152x256xf32, #tpu.memory_space<vmem>>, vector<1152x256xf32>,
    %get3A_7 = arith.constant 0 : index
    %get3A_8 = arith.constant 0 : index
    %get3A_9 = vector.load %arg3[%get3A_7, %get3A_8] : memref<1024x256xf32, #tpu.memory_space<vmem>>, vector<1024x256xf32>
    %mul3A = arith.mulf %get3A_9, %get3A_9 : vector<1024x256xf32>
    %reduce_sum3A = arith.constant dense<0.000000e+00> : vector<1024xf32>
    %reduce_sum3A_10 = vector.multi_reduction <add>, %mul3A, %reduce_sum3A [1] : vector<1024x256xf32> to vector<1024xf32>
    %broadcast_in_dim3A = vector.shape_cast %reduce_sum3A_10 : vector<1024xf32> to vector<1x1024xf32>
    %convert_element_type3A = arith.truncf %get3A_9 : vector<1024x256xf32> to vector<1024x256xbf16>
    %slice3A = vector.extract_strided_slice %sub3A {offsets = [0, 0], sizes = [384, 256], strides = [1, 1]} : vector<1152x256xf32> to vector<384x256xf32>
    %convert_element_type3A_11 = arith.truncf %slice3A : vector<384x256xf32> to vector<384x256xbf16>
    %dot_general3A = arith.constant dense<0.000000e+00> : vector<384x1024xf32>
    %dot_general3A_12 = tpu.matmul %convert_element_type3A_11, %convert_element_type3A, %dot_general3A {dimension_numbers = #tpu.dot_dimension_numbers<[1], [1], [0], [0], [0, 0, 1, 0], [], []>, transpose_lhs_hint = false} : vector<384x256xbf16>, vector<1024x256xbf16>, vector<384x1024xf32> -> vector<384x1024xf32>
    %mul3A_13 = arith.mulf %slice3A, %slice3A : vector<384x256xf32>
    %reduce_sum3A_14 = arith.constant dense<0.000000e+00> : vector<384xf32>
    %reduce_sum3A_15 = vector.multi_reduction <add>, %mul3A_13, %reduce_sum3A_14 [1] : vector<384x256xf32> to vector<384xf32>
    %broadcast_in_dim3A_16 = vector.shape_cast %reduce_sum3A_15 : vector<384xf32> to vector<384x1xf32>
    %mul3A_17 = arith.constant 2.000000e+00 : f32
    %mul3A_18 = vector.broadcast %mul3A_17 : f32 to vector<384x1024xf32>
    %mul3A_19 = arith.mulf %mul3A_18, %dot_general3A_12 : vector<384x1024xf32>
    %sub3A_20 = vector.broadcast %broadcast_in_dim3A_16 : vector<384x1xf32> to vector<384x1024xf32>
    %sub3A_21 = arith.subf %sub3A_20, %mul3A_19 : vector<384x1024xf32>
    %add3A = vector.broadcast %broadcast_in_dim3A : vector<1x1024xf32> to vector<384x1024xf32>
    %add3A_22 = arith.addf %sub3A_21, %add3A : vector<384x1024xf32>
    %argmin3A = tpu.reduce_index %add3A_22 {axis = 1 : i32, kind = #tpu.reduction_kind<arg_min>} : vector<384x1024xf32> -> vector<384xi32>
    %slice3A_23 = vector.extract_strided_slice %sub3A {offsets = [384, 0], sizes = [384, 256], strides = [1, 1]} : vector<1152x256xf32> to vector<384x256xf32>
    %convert_element_type3A_24 = arith.truncf %slice3A_23 : vector<384x256xf32> to vector<384x256xbf16>
    %dot_general3A_25 = arith.constant dense<0.000000e+00> : vector<384x1024xf32>
    %dot_general3A_26 = tpu.matmul %convert_element_type3A_24, %convert_element_type3A, %dot_general3A_25 {dimension_numbers = #tpu.dot_dimension_numbers<[1], [1], [0], [0], [0, 0, 1, 0], [], []>, transpose_lhs_hint = false} : vector<384x256xbf16>, vector<1024x256xbf16>, vector<384x1024xf32> -> vector<384x1024xf32>
    %mul3A_27 = arith.mulf %slice3A_23, %slice3A_23 : vector<384x256xf32>
    %reduce_sum3A_28 = arith.constant dense<0.000000e+00> : vector<384xf32>
    %reduce_sum3A_29 = vector.multi_reduction <add>, %mul3A_27, %reduce_sum3A_28 [1] : vector<384x256xf32> to vector<384xf32>
    %broadcast_in_dim3A_30 = vector.shape_cast %reduce_sum3A_29 : vector<384xf32> to vector<384x1xf32>
    %mul3A_31 = arith.constant 2.000000e+00 : f32
    %mul3A_32 = vector.broadcast %mul3A_31 : f32 to vector<384x1024xf32>
    %mul3A_33 = arith.mulf %mul3A_32, %dot_general3A_26 : vector<384x1024xf32>
    %sub3A_34 = vector.broadcast %broadcast_in_dim3A_30 : vector<384x1xf32> to vector<384x1024xf32>
    %sub3A_35 = arith.subf %sub3A_34, %mul3A_33 : vector<384x1024xf32>
    %add3A_36 = vector.broadcast %broadcast_in_dim3A : vector<1x1024xf32> to vector<384x1024xf32>
    %add3A_37 = arith.addf %sub3A_35, %add3A_36 : vector<384x1024xf32>
    %argmin3A_38 = tpu.reduce_index %add3A_37 {axis = 1 : i32, kind = #tpu.reduction_kind<arg_min>} : vector<384x1024xf32> -> vector<384xi32>
    %slice3A_39 = vector.extract_strided_slice %sub3A {offsets = [768, 0], sizes = [384, 256], strides = [1, 1]} : vector<1152x256xf32> to vector<384x256xf32>
    %convert_element_type3A_40 = arith.truncf %slice3A_39 : vector<384x256xf32> to vector<384x256xbf16>
    %dot_general3A_41 = arith.constant dense<0.000000e+00> : vector<384x1024xf32>
    %dot_general3A_42 = tpu.matmul %convert_element_type3A_40, %convert_element_type3A, %dot_general3A_41 {dimension_numbers = #tpu.dot_dimension_numbers<[1], [1], [0], [0], [0, 0, 1, 0], [], []>, transpose_lhs_hint = false} : vector<384x256xbf16>, vector<1024x256xbf16>, vector<384x1024xf32> -> vector<384x1024xf32>
    %mul3A_43 = arith.mulf %slice3A_39, %slice3A_39 : vector<384x256xf32>
    %reduce_sum3A_44 = arith.constant dense<0.000000e+00> : vector<384xf32>
    %reduce_sum3A_45 = vector.multi_reduction <add>, %mul3A_43, %reduce_sum3A_44 [1] : vector<384x256xf32> to vector<384xf32>
    %broadcast_in_dim3A_46 = vector.shape_cast %reduce_sum3A_45 : vector<384xf32> to vector<384x1xf32>
    %mul3A_47 = arith.constant 2.000000e+00 : f32
    %mul3A_48 = vector.broadcast %mul3A_47 : f32 to vector<384x1024xf32>
    %mul3A_49 = arith.mulf %mul3A_48, %dot_general3A_42 : vector<384x1024xf32>
    %sub3A_50 = vector.broadcast %broadcast_in_dim3A_46 : vector<384x1xf32> to vector<384x1024xf32>
    %sub3A_51 = arith.subf %sub3A_50, %mul3A_49 : vector<384x1024xf32>
    %add3A_52 = vector.broadcast %broadcast_in_dim3A : vector<1x1024xf32> to vector<384x1024xf32>
    %add3A_53 = arith.addf %sub3A_51, %add3A_52 : vector<384x1024xf32>
    %argmin3A_54 = tpu.reduce_index %add3A_53 {axis = 1 : i32, kind = #tpu.reduction_kind<arg_min>} : vector<384x1024xf32> -> vector<384xi32>
    %concatenate3A = tpu.concatenate %argmin3A, %argmin3A_38, %argmin3A_54 in 0 : vector<384xi32>, vector<384xi32>, vector<384xi32> -> vector<1152xi32>
    %broadcast_in_dim3A_55 = vector.shape_cast %concatenate3A : vector<1152xi32> to vector<1x1152xi32>
    %swap3A_56 = arith.constant 0 : index
    %swap3A_57 = arith.constant 0 : index
    %swap3A_58 = vector.load %arg5[%swap3A_56, %swap3A_57] : memref<1x1152xi32, #tpu.memory_space<vmem>>, vector<1x1152xi32>
    tpu.vector_store %arg5[%swap3A_56, %swap3A_57], %broadcast_in_dim3A_55 {strides = array<i32>} : memref<1x1152xi32, #tpu.memory_space<vmem>>, vector<1x1152xi32>,
    %mul3A_59 = arith.mulf %sub3A, %sub3A : vector<1152x256xf32>
    %reduce_sum3A_60 = vector.shape_cast %mul3A_59 : vector<1152x256xf32> to vector<1x1152x256xf32>
    %reduce_sum3A_61 = arith.constant dense<0.000000e+00> : vector<1xf32>
    %reduce_sum3A_62 = vector.multi_reduction <add>, %reduce_sum3A_60, %reduce_sum3A_61 [1, 2] : vector<1x1152x256xf32> to vector<1xf32>
    %reduce_sum3A_63 = vector.shape_cast %reduce_sum3A_62 : vector<1xf32> to vector<1x1x1xf32>
    %reduce_sum3A_64 = vector.extract %reduce_sum3A_63[0, 0, 0] : f32 from vector<1x1x1xf32>
    %broadcast_in_dim3A_65 = vector.broadcast %reduce_sum3A_64 : f32 to vector<8x128xf32>
    %eq3A = arith.constant 0 : i32
    %eq3A_66 = arith.cmpi eq, %arg0, %eq3A : i32
    %convert_element_type3A_67 = arith.extui %eq3A_66 : i1 to i32
    %cond3A = arith.constant 0 : i32
    %cond3A_68 = arith.cmpi ne, %convert_element_type3A_67, %cond3A : i32
    scf.if %cond3A_68 {
      %swap3A_73 = arith.constant 0 : index
      %swap3A_74 = arith.constant 0 : index
      %swap3A_75 = vector.load %arg6[%swap3A_73, %swap3A_74] : memref<8x128xf32, #tpu.memory_space<vmem>>, vector<8x128xf32>
      tpu.vector_store %arg6[%swap3A_73, %swap3A_74], %broadcast_in_dim3A_65 {strides = array<i32>} : memref<8x128xf32, #tpu.memory_space<vmem>>, vector<8x128xf32>,
    } else {
    }
    %ne3A = arith.constant 0 : i32
    %ne3A_69 = arith.cmpi ne, %arg0, %ne3A : i32
    %convert_element_type3A_70 = arith.extui %ne3A_69 : i1 to i32
    %cond3A_71 = arith.constant 0 : i32
    %cond3A_72 = arith.cmpi ne, %convert_element_type3A_70, %cond3A_71 : i32
    scf.if %cond3A_72 {
      %get3A_73 = arith.constant 0 : index
      %get3A_74 = arith.constant 0 : index
      %get3A_75 = vector.load %arg6[%get3A_73, %get3A_74] : memref<8x128xf32, #tpu.memory_space<vmem>>, vector<8x128xf32>
      %add3A_76 = arith.addf %get3A_75, %broadcast_in_dim3A_65 : vector<8x128xf32>
      %swap3A_77 = arith.constant 0 : index
      %swap3A_78 = arith.constant 0 : index
      %swap3A_79 = vector.load %arg6[%swap3A_77, %swap3A_78] : memref<8x128xf32, #tpu.memory_space<vmem>>, vector<8x128xf32>
      tpu.vector_store %arg6[%swap3A_77, %swap3A_78], %add3A_76 {strides = array<i32>} : memref<8x128xf32, #tpu.memory_space<vmem>>, vector<8x128xf32>,
    } else {
    }
    return
  }
  func.func @transform_0(%arg0: i32) -> (i32, i32) {
    %c0_i32 = arith.constant 0 : i32
    %c0_i32_0 = arith.constant 0 : i32
    return %arg0, %c0_i32 : i32, i32
  }
  func.func @transform_1(%arg0: i32) -> (i32, i32) {
    %c0_i32 = arith.constant 0 : i32
    %c0_i32_0 = arith.constant 0 : i32
    return %arg0, %c0_i32 : i32, i32
  }
  func.func @transform_2(%arg0: i32) -> (i32, i32) {
    %c0_i32 = arith.constant 0 : i32
    %c0_i32_0 = arith.constant 0 : i32
    %c0_i32_1 = arith.constant 0 : i32
    return %c0_i32, %c0_i32_0 : i32, i32
  }
  func.func @transform_3(%arg0: i32) -> (i32, i32) {
    %c0_i32 = arith.constant 0 : i32
    %c0_i32_0 = arith.constant 0 : i32
    return %arg0, %c0_i32 : i32, i32
  }
  func.func @transform_4(%arg0: i32) -> (i32, i32) {
    %c0_i32 = arith.constant 0 : i32
    %c0_i32_0 = arith.constant 0 : i32
    return %c0_i32, %arg0 : i32, i32
  }
  func.func @transform_5(%arg0: i32) -> (i32, i32) {
    %c0_i32 = arith.constant 0 : i32
    %c0_i32_0 = arith.constant 0 : i32
    %c0_i32_1 = arith.constant 0 : i32
    return %c0_i32, %c0_i32_0 : i32, i32
  }
}

module attributes {stable_mosaic.version = 14 : i64} {
  func.func @_dec_body(%arg0: i32, %arg1: memref<1152x256xf32, #tpu.memory_space<vmem>>, %arg2: memref<1152x256xf32, #tpu.memory_space<vmem>>, %arg3: memref<1152x256xf32, #tpu.memory_space<vmem>>, %arg4: memref<256x768xf32, #tpu.memory_space<vmem>>, %arg5: memref<1x768xf32, #tpu.memory_space<vmem>>, %arg6: memref<1152x768xf32, #tpu.memory_space<vmem>>, %arg7: memref<8x128xf32, #tpu.memory_space<vmem>>) attributes {dimension_semantics = [#tpu.dimension_semantics<arbitrary>], iteration_bounds = array<i64: 4>, scalar_prefetch = 0 : i64, scratch_operands = 0 : i64, tpu.core_type = #tpu.core_type<tc>, window_params = [{transform_indices = @transform_0, window_bounds = array<i64: 1152, 256>}, {transform_indices = @transform_1, window_bounds = array<i64: 1152, 256>}, {transform_indices = @transform_2, window_bounds = array<i64: 1152, 256>}, {pipeline_mode = #tpu.pipeline_mode<synchronous>, transform_indices = @transform_3, window_bounds = array<i64: 256, 768>}, {pipeline_mode = #tpu.pipeline_mode<synchronous>, transform_indices = @transform_4, window_bounds = array<i64: 1, 768>}, {transform_indices = @transform_5, window_bounds = array<i64: 1152, 768>}, {pipeline_mode = #tpu.pipeline_mode<synchronous>, transform_indices = @transform_6, window_bounds = array<i64: 8, 128>}]} {
    %get3A = arith.constant 0 : index
    %get3A_0 = arith.constant 0 : index
    %get3A_1 = vector.load %arg2[%get3A, %get3A_0] : memref<1152x256xf32, #tpu.memory_space<vmem>>, vector<1152x256xf32>
    %get3A_2 = arith.constant 0 : index
    %get3A_3 = arith.constant 0 : index
    %get3A_4 = vector.load %arg3[%get3A_2, %get3A_3] : memref<1152x256xf32, #tpu.memory_space<vmem>>, vector<1152x256xf32>
    %sub3A = arith.subf %get3A_1, %get3A_4 : vector<1152x256xf32>
    %get3A_5 = arith.constant 0 : index
    %get3A_6 = arith.constant 0 : index
    %get3A_7 = vector.load %arg1[%get3A_5, %get3A_6] : memref<1152x256xf32, #tpu.memory_space<vmem>>, vector<1152x256xf32>
    %sub3A_8 = arith.subf %get3A_7, %sub3A : vector<1152x256xf32>
    %convert_element_type3A = arith.truncf %sub3A_8 : vector<1152x256xf32> to vector<1152x256xbf16>
    %get3A_9 = arith.constant 0 : index
    %get3A_10 = arith.constant 0 : index
    %get3A_11 = vector.load %arg4[%get3A_9, %get3A_10] : memref<256x768xf32, #tpu.memory_space<vmem>>, vector<256x768xf32>
    %convert_element_type3A_12 = arith.truncf %get3A_11 : vector<256x768xf32> to vector<256x768xbf16>
    %dot_general3A = arith.constant dense<0.000000e+00> : vector<1152x768xf32>
    %dot_general3A_13 = tpu.matmul %convert_element_type3A, %convert_element_type3A_12, %dot_general3A {dimension_numbers = #tpu.dot_dimension_numbers<[1], [0], [0], [1], [0, 0, 1, 1], [], []>, transpose_lhs_hint = false} : vector<1152x256xbf16>, vector<256x768xbf16>, vector<1152x768xf32> -> vector<1152x768xf32>
    %get3A_14 = arith.constant 0 : index
    %get3A_15 = arith.constant 0 : index
    %get3A_16 = vector.load %arg5[%get3A_14, %get3A_15] : memref<1x768xf32, #tpu.memory_space<vmem>>, vector<1x768xf32>
    %add3A = vector.broadcast %get3A_16 : vector<1x768xf32> to vector<1152x768xf32>
    %add3A_17 = arith.addf %dot_general3A_13, %add3A : vector<1152x768xf32>
    %swap3A = arith.constant 0 : index
    %swap3A_18 = arith.constant 0 : index
    %swap3A_19 = vector.load %arg6[%swap3A, %swap3A_18] : memref<1152x768xf32, #tpu.memory_space<vmem>>, vector<1152x768xf32>
    tpu.vector_store %arg6[%swap3A, %swap3A_18], %add3A_17 {strides = array<i32>} : memref<1152x768xf32, #tpu.memory_space<vmem>>, vector<1152x768xf32>,
    %mul3A = arith.mulf %sub3A, %sub3A : vector<1152x256xf32>
    %reduce_sum3A = vector.shape_cast %mul3A : vector<1152x256xf32> to vector<1x1152x256xf32>
    %reduce_sum3A_20 = arith.constant dense<0.000000e+00> : vector<1xf32>
    %reduce_sum3A_21 = vector.multi_reduction <add>, %reduce_sum3A, %reduce_sum3A_20 [1, 2] : vector<1x1152x256xf32> to vector<1xf32>
    %reduce_sum3A_22 = vector.shape_cast %reduce_sum3A_21 : vector<1xf32> to vector<1x1x1xf32>
    %reduce_sum3A_23 = vector.extract %reduce_sum3A_22[0, 0, 0] : f32 from vector<1x1x1xf32>
    %broadcast_in_dim3A = vector.broadcast %reduce_sum3A_23 : f32 to vector<8x128xf32>
    %eq3A = arith.constant 0 : i32
    %eq3A_24 = arith.cmpi eq, %arg0, %eq3A : i32
    %convert_element_type3A_25 = arith.extui %eq3A_24 : i1 to i32
    %cond3A = arith.constant 0 : i32
    %cond3A_26 = arith.cmpi ne, %convert_element_type3A_25, %cond3A : i32
    scf.if %cond3A_26 {
      %swap3A_31 = arith.constant 0 : index
      %swap3A_32 = arith.constant 0 : index
      %swap3A_33 = vector.load %arg7[%swap3A_31, %swap3A_32] : memref<8x128xf32, #tpu.memory_space<vmem>>, vector<8x128xf32>
      tpu.vector_store %arg7[%swap3A_31, %swap3A_32], %broadcast_in_dim3A {strides = array<i32>} : memref<8x128xf32, #tpu.memory_space<vmem>>, vector<8x128xf32>,
    } else {
    }
    %ne3A = arith.constant 0 : i32
    %ne3A_27 = arith.cmpi ne, %arg0, %ne3A : i32
    %convert_element_type3A_28 = arith.extui %ne3A_27 : i1 to i32
    %cond3A_29 = arith.constant 0 : i32
    %cond3A_30 = arith.cmpi ne, %convert_element_type3A_28, %cond3A_29 : i32
    scf.if %cond3A_30 {
      %get3A_31 = arith.constant 0 : index
      %get3A_32 = arith.constant 0 : index
      %get3A_33 = vector.load %arg7[%get3A_31, %get3A_32] : memref<8x128xf32, #tpu.memory_space<vmem>>, vector<8x128xf32>
      %add3A_34 = arith.addf %get3A_33, %broadcast_in_dim3A : vector<8x128xf32>
      %swap3A_35 = arith.constant 0 : index
      %swap3A_36 = arith.constant 0 : index
      %swap3A_37 = vector.load %arg7[%swap3A_35, %swap3A_36] : memref<8x128xf32, #tpu.memory_space<vmem>>, vector<8x128xf32>
      tpu.vector_store %arg7[%swap3A_35, %swap3A_36], %add3A_34 {strides = array<i32>} : memref<8x128xf32, #tpu.memory_space<vmem>>, vector<8x128xf32>,
    } else {
    }
    return
  }
  func.func @transform_0(%arg0: i32) -> (i32, i32) {
    %c0_i32 = arith.constant 0 : i32
    %c0_i32_0 = arith.constant 0 : i32
    return %arg0, %c0_i32 : i32, i32
  }
  func.func @transform_1(%arg0: i32) -> (i32, i32) {
    %c0_i32 = arith.constant 0 : i32
    %c0_i32_0 = arith.constant 0 : i32
    return %arg0, %c0_i32 : i32, i32
  }
  func.func @transform_2(%arg0: i32) -> (i32, i32) {
    %c0_i32 = arith.constant 0 : i32
    %c0_i32_0 = arith.constant 0 : i32
    return %arg0, %c0_i32 : i32, i32
  }
  func.func @transform_3(%arg0: i32) -> (i32, i32) {
    %c0_i32 = arith.constant 0 : i32
    %c0_i32_0 = arith.constant 0 : i32
    %c0_i32_1 = arith.constant 0 : i32
    return %c0_i32, %c0_i32_0 : i32, i32
  }
  func.func @transform_4(%arg0: i32) -> (i32, i32) {
    %c0_i32 = arith.constant 0 : i32
    %c0_i32_0 = arith.constant 0 : i32
    %c0_i32_1 = arith.constant 0 : i32
    return %c0_i32, %c0_i32_0 : i32, i32
  }
  func.func @transform_5(%arg0: i32) -> (i32, i32) {
    %c0_i32 = arith.constant 0 : i32
    %c0_i32_0 = arith.constant 0 : i32
    return %arg0, %c0_i32 : i32, i32
  }
  func.func @transform_6(%arg0: i32) -> (i32, i32) {
    %c0_i32 = arith.constant 0 : i32
    %c0_i32_0 = arith.constant 0 : i32
    %c0_i32_1 = arith.constant 0 : i32
    return %c0_i32, %c0_i32_0 : i32, i32
  }
}

</mosaic_0001>

<sc_bundles>
// kernel: kernel.19.cloned.1.call-start
scs
__scs_entry_jumppad:
0x0: {  	(pc) =	sbr.rel $0x88, $3  }
0x1: {  	(tag) =	ssettag $0x0;
	lr =	simm.s32 $0x1  }
0x2: {  	[smem:$0x3F9B] =	sst lr;
	_ =	strace $0xD0000000  }
0x3: {  	_ = 	snop  }
0x4: {  	_ = 	snop  }
0x5: {  	_ = 	snop  }
0x6: {  	_ = 	snop  }
0x7: {  	_ = 	snop  }
__scs_overlays_trampoline_lowered:
0x8: {  	[smem:$0x3FAA] =	sst s0  }
0x9: {  	[smem:$0x3FAB] =	sst s1  }
0xa: {  	[smem:$0x3FAC] =	sst s2  }
0xb: {  	[smem:$0x3FAD] =	sst s3  }
0xc: {  	[smem:$0x3FAE] =	sst s4  }
0xd: {  	[smem:$0x3FAF] =	sst s5  }
0xe: {  	[smem:$0x3FB0] =	sst s6  }
0xf: {  	[smem:$0x3FB1] =	sst s7  }
0x10: {  	[smem:$0x3FB2] =	sst s8  }
0x11: {  	[smem:$0x3FB3] =	sst s9;
	s0 =	simm.s32 @!p0 $0x0  }
0x12: {  	s1 =	sld [smem:$0x3F99];
	s0 =	simm.s32 @p0 $0x1  }
0x13: {  	[smem:$0x3FB4] =	sst s0;
	s0 =	simm.s32 @!p1 $0x0  }
0x14: {  	s2 =	sld [smem:$0x3F98];
	s0 =	simm.s32 @p1 $0x1  }
0x15: {  	[smem:$0x3FB5] =	sst s0;
	s0 =	simm.s32 @!p2 $0x0  }
0x16: {  	s3 =	sld [smem:$0x3FDB];
	s0 =	simm.s32 @p2 $0x1  }
0x17: {  	s4 =	simm.s32 $0x1BF5;
	[smem:$0x3FB7] =	sst s0  }
0x18: {  	s0 =	sld [smem:$0x3F9A];
	_ =	swait.ge [sflag:s4], $0x0  }
0x19: {  	s7 =	sld [smem:$0x3F9B]  }
0x1a: {  	s8 =	sadd.s32 $0xFFFFE003, lr  }
0x1b: {  	s9 =	sadd.s32 $0xFFFFFEF7, lr;
	s5 =	simm.s32 $0xFFFFFFFF;
	p2 =	slt.u32 s8, $0xFFFFF086  }
0x1c: {  	p1 =	slt.u32 s9, $0xF7A;
	s5 =	simm.s32 @!p2 $0x0  }
0x1d: {  	s5 =	simm.s32 @p1 $0x1;
	p0 =	seq.s32 s7, s2  }
0x1e: {  	s7 =	smul.u32 @!p0 $0xF7A, s2;
	p2 =	seq.s32 @!p0 s5, $0x0  }
0x1f: {  	s9 =	smul.u32 $0xF7A, s1;
	s8 =	simm.s32 @!p0 $0x1BF5;
	p2 =	por !p2, p0  }
0x20: {  	[sflag:s8] =	ssyncset.s32 @!p0 $0xFFFFF086;
	s6 =	sadd.s32 @!p0 s3, s7;
	s7 =	simm.s32 @!p0 $0x108  }
0x21: {  	s3 =	sadd.s32 s3, s9;
	s6 =	sadd.s32 @!p0 $0x88, s6;
	s7 =	simm.s32 @p2 $0x1082  }
0x22: {  	[simem:s7], [sflag:s8] =	dma.local @!p0 [hbm:s6], $0xF7A  }
0x23: {  	s9 =	sor.u32 $0xD0000000, s2;
	s6 =	simm.s32 $0x108;
	_ =	swait.ge @!p0 [sflag:s8], $0x0  }
0x24: {  	s3 =	sadd.s32 $0x88, s3;
	s6 =	simm.s32 @!p1 $0x1082;
	[sflag:s4] =	ssyncset.s32 $0xFFFFF086  }
0x25: {  	[simem:s6], [sflag:s4] =	dma.local [hbm:s3], $0xF7A  }
0x26: {  	[smem:$0x3F9B] =	sst s1;
	(tag) =	ssettag s2;
	_ =	strace s9  }
0x27: {  	s1 =	sld [smem:$0x3FAB]  }
0x28: {  	s2 =	sld [smem:$0x3FAC]  }
0x29: {  	s4 =	sld [smem:$0x3FAE]  }
0x2a: {  	p0 =	seq.s32 s5, $0x0;
	s5 =	sld [smem:$0x3FAF]  }
0x2b: {  	s6 =	sld [smem:$0x3FB0]  }
0x2c: {  	s7 =	sld [smem:$0x3FB1]  }
0x2d: {  	s3 =	simm.s32 $0x108;
	s8 =	sld [smem:$0x3FB2]  }
0x2e: {  	s3 =	simm.s32 @!p0 $0x1082;
	s9 =	sld [smem:$0x3FB3]  }
0x2f: {  	lr =	sadd.s32 s0, s3;
	s0 =	sld [smem:$0x3FAA]  }
0x30: {  	s3 =	sld [smem:$0x3FAD]  }
0x31: {  	[smem:$0x3FB6] =	sst s10  }
0x32: {  	s10 =	sld [smem:$0x3FB4];
	_ =	sdelay $0x3  }
0x33: {  	p0 =	seq.s32 s10, $0x1;
	s10 =	sld [smem:$0x3FB6];
	_ =	sdelay $0x3  }
0x34: {  	[smem:$0x3FB6] =	sst s10  }
0x35: {  	s10 =	sld [smem:$0x3FB5];
	_ =	sdelay $0x3  }
0x36: {  	p1 =	seq.s32 s10, $0x1;
	s10 =	sld [smem:$0x3FB6];
	_ =	sdelay $0x3  }
0x37: {  	[smem:$0x3FB6] =	sst s10  }
0x38: {  	s10 =	sld [smem:$0x3FB7]  }
0x39: {  	_ = 	snop;
	(pc) =	sbr.ind lr, $3  }
0x3a: {  	_ = 	snop  }
0x3b: {  	_ = 	snop  }
0x3c: {  	p2 =	seq.s32 s10, $0x1;
	s10 =	sld [smem:$0x3FB6]  }
0x3d: {  	_ =	shalt  }
0x3e: {  	_ =	shalt  }
0x3f: {  	_ =	shalt  }
0x40: {  	_ =	shalt  }
0x41: {  	_ =	shalt  }
0x42: {  	_ =	shalt  }
0x43: {  	_ =	shalt  }
0x44: {  	_ =	shalt  }
0x45: {  	_ =	shalt  }
0x46: {  	_ =	shalt  }
0x47: {  	_ =	shalt  }
0x48: {  	_ =	shalt  }
0x49: {  	_ =	shalt  }
0x4a: {  	_ =	shalt  }
0x4b: {  	_ =	shalt  }
0x4c: {  	_ =	shalt  }
0x4d: {  	_ =	shalt  }
0x4e: {  	_ =	shalt  }
0x4f: {  	_ =	shalt  }
0x50: {  	_ =	shalt  }
0x51: {  	_ =	shalt  }
0x52: {  	_ =	shalt  }
0x53: {  	_ =	shalt  }
0x54: {  	_ =	shalt  }
0x55: {  	_ =	shalt  }
0x56: {  	_ =	shalt  }
0x57: {  	_ =	shalt  }
0x58: {  	_ =	shalt  }
0x59: {  	_ =	shalt  }
0x5a: {  	_ =	shalt  }
0x5b: {  	_ =	shalt  }
0x5c: {  	_ =	shalt  }
0x5d: {  	_ =	shalt  }
0x5e: {  	_ =	shalt  }
0x5f: {  	_ =	shalt  }
0x60: {  	_ =	shalt  }
0x61: {  	_ =	shalt  }
0x62: {  	_ =	shalt  }
0x63: {  	_ =	shalt  }
0x64: {  	_ =	shalt  }
0x65: {  	_ =	shalt  }
0x66: {  	_ =	shalt  }
0x67: {  	_ =	shalt  }
0x68: {  	_ =	shalt  }
0x69: {  	_ =	shalt  }
0x6a: {  	_ =	shalt  }
0x6b: {  	_ =	shalt  }
0x6c: {  	_ =	shalt  }
0x6d: {  	_ =	shalt  }
0x6e: {  	_ =	shalt  }
0x6f: {  	_ =	shalt  }
0x70: {  	_ =	shalt  }
0x71: {  	_ =	shalt  }
0x72: {  	_ =	shalt  }
0x73: {  	_ =	shalt  }
0x74: {  	_ =	shalt  }
0x75: {  	_ =	shalt  }
0x76: {  	_ =	shalt  }
0x77: {  	_ =	shalt  }
0x78: {  	_ =	shalt  }
0x79: {  	_ =	shalt  }
0x7a: {  	_ =	shalt  }
0x7b: {  	_ =	shalt  }
0x7c: {  	_ =	shalt  }
0x7d: {  	_ =	shalt  }
0x7e: {  	_ =	shalt  }
0x7f: {  	_ =	shalt  }
0x80: {  	_ =	shalt  }
0x81: {  	_ =	shalt  }
0x82: {  	_ =	shalt  }
0x83: {  	_ =	shalt  }
0x84: {  	_ =	shalt  }
0x85: {  	_ =	shalt  }
0x86: {  	_ =	shalt  }
0x87: {  	_ =	shalt  }
.Lfunc_end0:
.L_simem_size_0:
called_computation_lowered:
.L_overlay_start_0:
0x88: {  	s2 =	sld [smem:$0x3FD9]  }
0x89: {  	s3 =	sld [smem:$0x3FFE];
	_ =	sdelay $0x1  }
0x8a: {  	s1 =	srdreg.scid  }
0x8b: {  	s0 =	sand.u32 $0x1, s1  }
0x8c: {  	s14 =	sshll.u32 s0, $0xA;
	s2 =	sadd.s32 s3, s2  }
0x8d: {  	s2 =	sadd.s32 s2, s14  }
0x8e: {  	[smem:$0x3FC2] =	sst s2  }
0x8f: {  	_ = 	snop  }
0x90: {  	s2 =	sld [smem:$0x3FD0];
	_ =	sdelay $0x2  }
0x91: {  	s15 =	simm.s32 $0xA;
	s4 =	simm.s32 $0x10  }
0x92: {  	[smem:s4], [sflag:s15] =	dma.local [hbm:s2], $0x1  }
0x93: {  	_ =	swait.eq [sflag:s15], $0x1  }
0x94: {  	[sflag:s15] =	ssyncset.done $0x0  }
0x95: {  	s16 =	sld [smem:$0x10];
	[sflag:s15] =	ssyncadd.s32 $0xFFFFFFFF  }
0x96: {  	s17 =	sld [smem:$0x12];
	(tm) =	ssettm $0x1  }
0x97: {  	s18 =	sld [smem:$0x3FFB];
	_ =	sdelay $0x3  }
0x98: {  	_ =	strace s18  }
0x99: {  	s4 =	sld [smem:$0x3FFC];
	_ =	sdelay $0x3  }
0x9a: {  	_ =	strace s4  }
0x9b: {  	s4 =	sld [smem:$0x3FFD];
	_ =	sdelay $0x3  }
0x9c: {  	_ =	strace s4  }
0x9d: {  	_ =	strace $0x8FFFFFFF  }
0x9e: {  	s19 =	sld [smem:$0x3FDB];
	_ =	sdelay $0x1  }
0x9f: {  	s5 =	simm.s32 $_scs_section_size  }
0xa0: {  	s6 =	simm.s32 $_size__tile_overlayer_lowered;
	s7 =	simm.s32 $_tile_overlayer_lowered  }
0xa1: {  	s22 =	simm.s32 $0x1BFF;
	s21 =	sshll.u32 s7, $0x1;
	s4 =	sadd.s32 s5, s19  }
0xa2: {  	s8 =	simm.s32 $0x0;
	s20 =	sshll.u32 s6, $0x1;
	s6 =	sadd.s32 s21, s4  }
0xa3: {  	[timem:s8], [sflag:s22] =	dma.local [hbm:s6], s20  }
0xa4: {  	_ =	swait.ge [sflag:s22], s20  }
0xa5: {  	s5 =	ssub.s32 $0x0, s20;
	[sflag:s22] =	ssyncset.done $0x0  }
0xa6: {  	[sflag:s22] =	ssyncadd.s32 s5;
	_ =	sdelay $0x1  }
0xa7: {  	s23 =	simm.s32 $0x1B8B  }
0xa8: {  	_ =	swait.ge [sflag:s23], $0x1  }
0xa9: {  	[sflag:s23] =	ssyncset.done $0x0  }
0xaa: {  	s25 =	simm.s32 $0x1B8E;
	s24 =	sld [smem:$0x3FFE];
	[sflag:s23] =	ssyncadd.s32 $0xFFFFFFFF  }
0xab: {  	s26 =	simm.s32 $execute0_lowered;
	[smem:$0x3FD2] =	sst s25  }
0xac: {  	s6 =	sshll.u32 s26, $0x1;
	_ =	strace $0x80000046;
	[dreg:$0x1] =	wrdreg $0xFFFFFFFF  }
0xad: {  	s28 =	simm.s32 $_size_execute0_lowered;
	s4 =	sadd.s32 s4, s6;
	[dreg:$0x0] =	wrdreg $0x0  }
0xae: {  	s6 =	sshll.u32 s28, $0x1;
	[dreg:$0x2] =	wrdreg s4  }
0xaf: {  	[dreg:$0x3] =	wrdreg s6  }
0xb0: {  	[dreg:$0x4] =	wrdreg $0xC0  }
0xb1: {  	_ =	task [dreg:s8], $0x5FFFF  }
0xb2: {  	[dreg:$0x1] =	wrdreg $0xFFFFFFFF  }
0xb3: {  	[dreg:$0x0] =	wrdreg $0x60  }
0xb4: {  	[dreg:$0x2] =	wrdreg s24  }
0xb5: {  	[dreg:$0x3] =	wrdreg s17  }
0xb6: {  	[dreg:$0x4] =	wrdreg s16  }
0xb7: {  	[dreg:$0x5] =	wrdreg $0x9  }
0xb8: {  	_ =	task.clear_ibuf [dreg:s8], $0x6FFFF;
	_ =	strace $0x90000046  }
0xb9: {  	s29 =	simm.s32 $0x9;
	_ =	strace $0x80000048  }
0xba: {  	_ =	swait.ge [sflag:s29], $0x1  }
0xbb: {  	[sflag:s29] =	ssyncadd.s32 $0xFFFFFFFF  }
0xbc: {  	_ =	strace $0x90000048  }
0xbd: {  	_ =	sfence  }
0xbe: {  	s30 =	sld [smem:$0x0];
	_ =	sdelay $0x2  }
0xbf: {  	s31 =	sshll.u32 s1, $0xD;
	s1 =	sshrl.u32 s1, $0x2  }
0xc0: {  	s3 =	sand.u32 $0x4000, s31;
	s1 =	sadd.s32 s1, s30  }
0xc1: {  	s0 =	sor.u32 s3, s0;
	s1 =	sshll.u32 s1, $0x11  }
0xc2: {  	s0 =	sor.u32 s1, s0  }
0xc3: {  	s0 =	sadd.s32 $0x8F2B, s0  }
0xc4: {  	[sflag:s0] =	ssyncadd.remote.s32 $0x1  }
0xc5: {  	_ =	sfence.sel $0xFFFF  }
0xc6: {  	[dreg:$0x0] =	wrdreg $0xFFFFFFFF;
	(pc) =	sbr.abs _section_cstart, $3  }
0xc7: {  	[dreg:$0x1] =	wrdreg $0xFFFFFFFF  }
0xc8: {  	_ =	task.clear_ibuf [dreg:s8], $0x2FFFF;
	_ =	strace $0x9FFFFFFF  }
0xc9: {  	(tm) =	ssettm $0x7FFFFFFF  }
tec
execute0_lowered:
.L_overlay_start_1:
0x0: {  	(tag) =	ssettag $0x1  }
0x1: {  	s3 =	rddreg [dreg:$0x0]  }
0x2: {  	s1 =	srdreg.scid;
	s4 =	rddreg [dreg:$0x1]  }
0x3: {  	s0 =	stileid.u32;
	s6 =	rddreg [dreg:$0x2]  }
0x4: {  	s2 =	simm.s32 $0x0;
	s10 =	simm.s32 $0x1100;
	s11 =	simm.s32 $0x1900  }
0x5: {  	s12 =	simm.s32 $0x2100;
	s13 =	simm.s32 $0x2900;
	s14 =	simm.s32 $0x3100  }
0x6: {  	s15 =	simm.s32 $0x3900;
	s16 =	simm.s32 $0x4100;
	s17 =	simm.s32 $0x4900  }
0x7: {  	s18 =	simm.s32 $0x5100;
	s19 =	simm.s32 $0x5900;
	s20 =	simm.s32 $0x6100  }
0x8: {  	s21 =	simm.s32 $0x6900;
	s22 =	simm.s32 $0x7100;
	s23 =	simm.s32 $0x7900  }
0x9: {  	s24 =	simm.s32 $0x8100;
	s5 =	sand.u32 $0x1, s1;
	s31 =	sshll.u32 s0, $0x1  }
0xa: {  	s25 =	simm.s32 $0x8900;
	s26 =	simm.s32 $0x1;
	s7 =	sor.u32 s5, s31  }
0xb: {  	s1 =	rddreg [dreg:$0x3];
	s5 =	ssub.s32 $0x2, s5;
	s8 =	smul.u32 $0x12, s7  }
0xc: {  	[smem:$0x7FF] =	sst s2;
	s7 =	smul.u32 $0x1200, s7;
	s9 =	sshrl.u32 s5, $0x1  }
0xd: {  	v2 =	vlaneseq.u32;
	s3 =	sadd.s32 $0x4000, s3;
	_ =	strace $0x80000047;
	s9 =	ssub.s32 s5, s9  }
0xe: {  	vm0 =	vmmov $0xffff;
	v1 =	vshrl.u32 v2, $0x3;
	s4 =	sadd.s32 s4, s8;
	s5 =	sadd.s32 s6, s7;
	s6 =	smax.u32 s9, $0x1  }
0xf: {  	v0 =	vand.u32 $0x7, v2;
	v2 =	vor.u32 $0x8, v2;
	v1 =	vmul.u32 $0x8, v1;
	s7 =	simm.s32 $0x2;
	s8 =	simm.s32 $0x100;
	s9 =	simm.s32 $0x900  }
.LBB2_1:
0x10: {  	[tilespmem:s2], [sflag:$0x2] =	stream.linear.gather [hbm4b:s4+s2], $0x90, $0x38;
	[tilespmem:$0x9100] =	vst v63  }
0x11: {  	_ =	swait.ge [sflag:s7], $0x90  }
0x12: {  	[sflag:s7] =	ssyncset.done $0x0  }
0x13: {  	[sflag:s7] =	ssyncadd.s32 $0xFFFFFF70  }
0x14: {  	v3 =	vld [tilespmem:$0x0];
	_ =	sdelay $0x4  }
0x15: {  	v4 =	vshll.u32 v3, $0x1  }
0x16: {  	v3 =	vand.u32 $0x7, v3;
	v4 =	vand.u32 $0xFFFFFFF0, v4  }
0x17: {  	v3 =	vor.u32 v3, v4  }
0x18: {  	v4 =	vperm.xlane v3, v0;
	_ =	sdelay $0x1  }
0x19: {  	v3 =	vperm.xlane v3, v2;
	v4 =	vadd.s32 v1, v4;
	_ =	sdelay $0x1  }
0x1a: {  	v3 =	vadd.s32 v1, v3;
	_ =	sdelay $0x2  }
0x1b: {  	[tilespmem:s8], [sflag:$0x1] =	stream.indirect_vreg.gather [hbm4b:s3+s2], $0x80, v4, vm0, $0xb8;
	[tilespmem:$0x9100] =	vst v63  }
0x1c: {  	_ = 	snop  }
0x1d: {  	[tilespmem:s9], [sflag:$0x1] =	stream.indirect_vreg.gather [hbm4b:s3+s2], $0x80, v3, vm0, $0xb8;
	[tilespmem:$0x9100] =	vst v63  }
0x1e: {  	v3 =	vld [tilespmem:$0x10];
	_ =	sdelay $0x4  }
0x1f: {  	v56 =	vshll.u32 v3, $0x1  }
0x20: {  	v3 =	vand.u32 $0x7, v3;
	v4 =	vand.u32 $0xFFFFFFF0, v56  }
0x21: {  	v3 =	vor.u32 v3, v4  }
0x22: {  	v4 =	vperm.xlane v3, v0;
	_ =	sdelay $0x1  }
0x23: {  	v3 =	vperm.xlane v3, v2;
	v4 =	vadd.s32 v1, v4;
	_ =	sdelay $0x1  }
0x24: {  	v3 =	vadd.s32 v1, v3;
	_ =	sdelay $0x2  }
0x25: {  	[tilespmem:s10], [sflag:$0x1] =	stream.indirect_vreg.gather [hbm4b:s3+s2], $0x80, v4, vm0, $0xb8;
	[tilespmem:$0x9100] =	vst v63  }
0x26: {  	_ = 	snop  }
0x27: {  	[tilespmem:s11], [sflag:$0x1] =	stream.indirect_vreg.gather [hbm4b:s3+s2], $0x80, v3, vm0, $0xb8;
	[tilespmem:$0x9100] =	vst v63  }
0x28: {  	v3 =	vld [tilespmem:$0x20];
	_ =	sdelay $0x4  }
0x29: {  	v57 =	vshll.u32 v3, $0x1  }
0x2a: {  	v3 =	vand.u32 $0x7, v3;
	v4 =	vand.u32 $0xFFFFFFF0, v57  }
0x2b: {  	v3 =	vor.u32 v3, v4  }
0x2c: {  	v4 =	vperm.xlane v3, v0;
	_ =	sdelay $0x1  }
0x2d: {  	v3 =	vperm.xlane v3, v2;
	v4 =	vadd.s32 v1, v4;
	_ =	sdelay $0x1  }
0x2e: {  	v3 =	vadd.s32 v1, v3;
	_ =	sdelay $0x2  }
0x2f: {  	[tilespmem:s12], [sflag:$0x1] =	stream.indirect_vreg.gather [hbm4b:s3+s2], $0x80, v4, vm0, $0xb8;
	[tilespmem:$0x9100] =	vst v63  }
0x30: {  	_ = 	snop  }
0x31: {  	[tilespmem:s13], [sflag:$0x1] =	stream.indirect_vreg.gather [hbm4b:s3+s2], $0x80, v3, vm0, $0xb8;
	[tilespmem:$0x9100] =	vst v63  }
0x32: {  	v3 =	vld [tilespmem:$0x30];
	_ =	sdelay $0x4  }
0x33: {  	v58 =	vshll.u32 v3, $0x1  }
0x34: {  	v3 =	vand.u32 $0x7, v3;
	v4 =	vand.u32 $0xFFFFFFF0, v58  }
0x35: {  	v3 =	vor.u32 v3, v4  }
0x36: {  	v4 =	vperm.xlane v3, v0;
	_ =	sdelay $0x1  }
0x37: {  	v3 =	vperm.xlane v3, v2;
	v4 =	vadd.s32 v1, v4;
	_ =	sdelay $0x1  }
0x38: {  	v3 =	vadd.s32 v1, v3;
	_ =	sdelay $0x2  }
0x39: {  	[tilespmem:s14], [sflag:$0x1] =	stream.indirect_vreg.gather [hbm4b:s3+s2], $0x80, v4, vm0, $0xb8;
	[tilespmem:$0x9100] =	vst v63  }
0x3a: {  	_ = 	snop  }
0x3b: {  	[tilespmem:s15], [sflag:$0x1] =	stream.indirect_vreg.gather [hbm4b:s3+s2], $0x80, v3, vm0, $0xb8;
	[tilespmem:$0x9100] =	vst v63  }
0x3c: {  	v3 =	vld [tilespmem:$0x40];
	_ =	sdelay $0x4  }
0x3d: {  	v59 =	vshll.u32 v3, $0x1  }
0x3e: {  	v3 =	vand.u32 $0x7, v3;
	v4 =	vand.u32 $0xFFFFFFF0, v59  }
0x3f: {  	v3 =	vor.u32 v3, v4  }
0x40: {  	v4 =	vperm.xlane v3, v0;
	_ =	sdelay $0x1  }
0x41: {  	v3 =	vperm.xlane v3, v2;
	v4 =	vadd.s32 v1, v4;
	_ =	sdelay $0x1  }
0x42: {  	v3 =	vadd.s32 v1, v3;
	_ =	sdelay $0x2  }
0x43: {  	[tilespmem:s16], [sflag:$0x1] =	stream.indirect_vreg.gather [hbm4b:s3+s2], $0x80, v4, vm0, $0xb8;
	[tilespmem:$0x9100] =	vst v63  }
0x44: {  	_ = 	snop  }
0x45: {  	[tilespmem:s17], [sflag:$0x1] =	stream.indirect_vreg.gather [hbm4b:s3+s2], $0x80, v3, vm0, $0xb8;
	[tilespmem:$0x9100] =	vst v63  }
0x46: {  	v3 =	vld [tilespmem:$0x50];
	_ =	sdelay $0x4  }
0x47: {  	v60 =	vshll.u32 v3, $0x1  }
0x48: {  	v3 =	vand.u32 $0x7, v3;
	v4 =	vand.u32 $0xFFFFFFF0, v60  }
0x49: {  	v3 =	vor.u32 v3, v4  }
0x4a: {  	v4 =	vperm.xlane v3, v0;
	_ =	sdelay $0x1  }
0x4b: {  	v3 =	vperm.xlane v3, v2;
	v4 =	vadd.s32 v1, v4;
	_ =	sdelay $0x1  }
0x4c: {  	v3 =	vadd.s32 v1, v3;
	_ =	sdelay $0x2  }
0x4d: {  	[tilespmem:s18], [sflag:$0x1] =	stream.indirect_vreg.gather [hbm4b:s3+s2], $0x80, v4, vm0, $0xb8;
	[tilespmem:$0x9100] =	vst v63  }
0x4e: {  	_ = 	snop  }
0x4f: {  	[tilespmem:s19], [sflag:$0x1] =	stream.indirect_vreg.gather [hbm4b:s3+s2], $0x80, v3, vm0, $0xb8;
	[tilespmem:$0x9100] =	vst v63  }
0x50: {  	v3 =	vld [tilespmem:$0x60];
	_ =	sdelay $0x4  }
0x51: {  	v61 =	vshll.u32 v3, $0x1  }
0x52: {  	v3 =	vand.u32 $0x7, v3;
	v4 =	vand.u32 $0xFFFFFFF0, v61  }
0x53: {  	v3 =	vor.u32 v3, v4  }
0x54: {  	v4 =	vperm.xlane v3, v0;
	_ =	sdelay $0x1  }
0x55: {  	v3 =	vperm.xlane v3, v2;
	v4 =	vadd.s32 v1, v4;
	_ =	sdelay $0x1  }
0x56: {  	v3 =	vadd.s32 v1, v3;
	_ =	sdelay $0x2  }
0x57: {  	[tilespmem:s20], [sflag:$0x1] =	stream.indirect_vreg.gather [hbm4b:s3+s2], $0x80, v4, vm0, $0xb8;
	[tilespmem:$0x9100] =	vst v63  }
0x58: {  	_ = 	snop  }
0x59: {  	[tilespmem:s21], [sflag:$0x1] =	stream.indirect_vreg.gather [hbm4b:s3+s2], $0x80, v3, vm0, $0xb8;
	[tilespmem:$0x9100] =	vst v63  }
0x5a: {  	v3 =	vld [tilespmem:$0x70];
	_ =	sdelay $0x4  }
0x5b: {  	v62 =	vshll.u32 v3, $0x1  }
0x5c: {  	v3 =	vand.u32 $0x7, v3;
	v4 =	vand.u32 $0xFFFFFFF0, v62  }
0x5d: {  	v3 =	vor.u32 v3, v4  }
0x5e: {  	v4 =	vperm.xlane v3, v0;
	_ =	sdelay $0x1  }
0x5f: {  	v3 =	vperm.xlane v3, v2;
	v4 =	vadd.s32 v1, v4;
	_ =	sdelay $0x1  }
0x60: {  	v3 =	vadd.s32 v1, v3;
	_ =	sdelay $0x2  }
0x61: {  	[tilespmem:s22], [sflag:$0x1] =	stream.indirect_vreg.gather [hbm4b:s3+s2], $0x80, v4, vm0, $0xb8;
	[tilespmem:$0x9100] =	vst v63  }
0x62: {  	_ = 	snop  }
0x63: {  	[tilespmem:s23], [sflag:$0x1] =	stream.indirect_vreg.gather [hbm4b:s3+s2], $0x80, v3, vm0, $0xb8;
	[tilespmem:$0x9100] =	vst v63  }
0x64: {  	v3 =	vld [tilespmem:$0x80];
	_ =	sdelay $0x4  }
0x65: {  	v63 =	vshll.u32 v3, $0x1  }
0x66: {  	v3 =	vand.u32 $0x7, v3;
	v4 =	vand.u32 $0xFFFFFFF0, v63  }
0x67: {  	v3 =	vor.u32 v3, v4  }
0x68: {  	v4 =	vperm.xlane v3, v0;
	_ =	sdelay $0x1  }
0x69: {  	v3 =	vperm.xlane v3, v2;
	v4 =	vadd.s32 v1, v4;
	_ =	sdelay $0x1  }
0x6a: {  	v3 =	vadd.s32 v1, v3;
	_ =	sdelay $0x2  }
0x6b: {  	[tilespmem:s24], [sflag:$0x1] =	stream.indirect_vreg.gather [hbm4b:s3+s2], $0x80, v4, vm0, $0xb8;
	[tilespmem:$0x9100] =	vst v63  }
0x6c: {  	_ = 	snop  }
0x6d: {  	[tilespmem:s25], [sflag:$0x1] =	stream.indirect_vreg.gather [hbm4b:s3+s2], $0x80, v3, vm0, $0xb8;
	[tilespmem:$0x9100] =	vst v63  }
0x6e: {  	_ =	swait.ge [sflag:s26], $0x9000  }
0x6f: {  	p0 =	sne.s32 s6, $0x1;
	[sflag:s26] =	ssyncset.done $0x0  }
.Ltmp0:
0x70: {  	[sflag:s26] =	ssyncadd.s32 $0xFFFF7000;
	(pc) =	sbr.rel @p0 .LBB2_1-.Ltmp0, $4  }
0x71: {  	[hbm4b:s5+s2] =	stream.linear.scatter [tilespmem:s8], [sflag:$0x2], $0x9000, $0x38;
	[tilespmem:$0x9100] =	vst v63  }
0x72: {  	_ =	swait.ge [sflag:s7], $0x9000  }
0x73: {  	[sflag:s7] =	ssyncset.done $0x0  }
0x74: {  	s6 =	sadd.s32 $0xFFFFFFFF, s6;
	[sflag:s7] =	ssyncadd.s32 $0xFFFF7000  }
0x75: {  	_ =	sfence.sel $0x180000  }
0x76: {  	[bflag:$0x0] =	sbarrier.arrive $0xFFFF  }
0x77: {  	p0 =	sne.s32 s0, $0x0;
	_ =	strace $0x90000047  }
0x78: {  	s0 =	sadd.s32 @!p0 $0x100000, s1;
	[bflag:$0x2] =	sbarrier.arrive $0xFFFF  }
0x79: {  	[sflag:s0] =	ssyncadd.tile.s32 @!p0 $0x1;
	_ =	shalt  }
.Lfunc_end2:
_tile_overlayer_lowered:
.L_overlay_start_2:
0x7a: {  	(tag) =	ssettag $0x2  }
0x7b: {  	s0 =	rddreg [dreg:$0x0];
	s2 =	stileid.u32  }
0x7c: {  	s1 =	rddreg [dreg:$0x1];
	p0 =	sne.s32 s2, $0x0  }
0x7d: {  	s3 =	rddreg [dreg:$0x2];
	[bflag:$0x3] =	sbarrier.arrive $0xFFFF;
	s2 =	simm.s32 @!p0 $0x1C02  }
0x7e: {  	[timem:s3], [sflag:s2] =	dma.local @!p0 [hbm:s0], s1  }
0x7f: {  	s0 =	simm.s32 @!p0 $0x2  }
0x80: {  	_ =	swait.ge @!p0 [sflag:s0], s1  }
0x81: {  	s1 =	ssub.s32 @!p0 $0x0, s1;
	[sflag:s0] =	ssyncset.done @!p0 $0x0  }
0x82: {  	[sflag:s0] =	ssyncadd.s32 @!p0 s1  }
0x83: {  	[bflag:$0x3] =	sbarrier.arrive $0xFFFF  }
0x84: {  	_ =	shalt  }

// kernel: kernel.22.cloned.1.call-start
scs
__scs_entry_jumppad:
0x0: {  	(pc) =	sbr.rel $0x88, $3  }
0x1: {  	(tag) =	ssettag $0x0;
	lr =	simm.s32 $0x1  }
0x2: {  	[smem:$0x3F9B] =	sst lr;
	_ =	strace $0xD0000000  }
0x3: {  	_ = 	snop  }
0x4: {  	_ = 	snop  }
0x5: {  	_ = 	snop  }
0x6: {  	_ = 	snop  }
0x7: {  	_ = 	snop  }
__scs_overlays_trampoline_lowered:
0x8: {  	[smem:$0x3FAA] =	sst s0  }
0x9: {  	[smem:$0x3FAB] =	sst s1  }
0xa: {  	[smem:$0x3FAC] =	sst s2  }
0xb: {  	[smem:$0x3FAD] =	sst s3  }
0xc: {  	[smem:$0x3FAE] =	sst s4  }
0xd: {  	[smem:$0x3FAF] =	sst s5  }
0xe: {  	[smem:$0x3FB0] =	sst s6  }
0xf: {  	[smem:$0x3FB1] =	sst s7  }
0x10: {  	[smem:$0x3FB2] =	sst s8  }
0x11: {  	[smem:$0x3FB3] =	sst s9;
	s0 =	simm.s32 @!p0 $0x0  }
0x12: {  	s1 =	sld [smem:$0x3F99];
	s0 =	simm.s32 @p0 $0x1  }
0x13: {  	[smem:$0x3FB4] =	sst s0;
	s0 =	simm.s32 @!p1 $0x0  }
0x14: {  	s2 =	sld [smem:$0x3F98];
	s0 =	simm.s32 @p1 $0x1  }
0x15: {  	[smem:$0x3FB5] =	sst s0;
	s0 =	simm.s32 @!p2 $0x0  }
0x16: {  	s3 =	sld [smem:$0x3FDB];
	s0 =	simm.s32 @p2 $0x1  }
0x17: {  	s4 =	simm.s32 $0x1BF5;
	[smem:$0x3FB7] =	sst s0  }
0x18: {  	s0 =	sld [smem:$0x3F9A];
	_ =	swait.ge [sflag:s4], $0x0  }
0x19: {  	s7 =	sld [smem:$0x3F9B]  }
0x1a: {  	s8 =	sadd.s32 $0xFFFFE003, lr  }
0x1b: {  	s9 =	sadd.s32 $0xFFFFFEF7, lr;
	s5 =	simm.s32 $0xFFFFFFFF;
	p2 =	slt.u32 s8, $0xFFFFF086  }
0x1c: {  	p1 =	slt.u32 s9, $0xF7A;
	s5 =	simm.s32 @!p2 $0x0  }
0x1d: {  	s5 =	simm.s32 @p1 $0x1;
	p0 =	seq.s32 s7, s2  }
0x1e: {  	s7 =	smul.u32 @!p0 $0xF7A, s2;
	p2 =	seq.s32 @!p0 s5, $0x0  }
0x1f: {  	s9 =	smul.u32 $0xF7A, s1;
	s8 =	simm.s32 @!p0 $0x1BF5;
	p2 =	por !p2, p0  }
0x20: {  	[sflag:s8] =	ssyncset.s32 @!p0 $0xFFFFF086;
	s6 =	sadd.s32 @!p0 s3, s7;
	s7 =	simm.s32 @!p0 $0x108  }
0x21: {  	s3 =	sadd.s32 s3, s9;
	s6 =	sadd.s32 @!p0 $0x88, s6;
	s7 =	simm.s32 @p2 $0x1082  }
0x22: {  	[simem:s7], [sflag:s8] =	dma.local @!p0 [hbm:s6], $0xF7A  }
0x23: {  	s9 =	sor.u32 $0xD0000000, s2;
	s6 =	simm.s32 $0x108;
	_ =	swait.ge @!p0 [sflag:s8], $0x0  }
0x24: {  	s3 =	sadd.s32 $0x88, s3;
	s6 =	simm.s32 @!p1 $0x1082;
	[sflag:s4] =	ssyncset.s32 $0xFFFFF086  }
0x25: {  	[simem:s6], [sflag:s4] =	dma.local [hbm:s3], $0xF7A  }
0x26: {  	[smem:$0x3F9B] =	sst s1;
	(tag) =	ssettag s2;
	_ =	strace s9  }
0x27: {  	s1 =	sld [smem:$0x3FAB]  }
0x28: {  	s2 =	sld [smem:$0x3FAC]  }
0x29: {  	s4 =	sld [smem:$0x3FAE]  }
0x2a: {  	p0 =	seq.s32 s5, $0x0;
	s5 =	sld [smem:$0x3FAF]  }
0x2b: {  	s6 =	sld [smem:$0x3FB0]  }
0x2c: {  	s7 =	sld [smem:$0x3FB1]  }
0x2d: {  	s3 =	simm.s32 $0x108;
	s8 =	sld [smem:$0x3FB2]  }
0x2e: {  	s3 =	simm.s32 @!p0 $0x1082;
	s9 =	sld [smem:$0x3FB3]  }
0x2f: {  	lr =	sadd.s32 s0, s3;
	s0 =	sld [smem:$0x3FAA]  }
0x30: {  	s3 =	sld [smem:$0x3FAD]  }
0x31: {  	[smem:$0x3FB6] =	sst s10  }
0x32: {  	s10 =	sld [smem:$0x3FB4];
	_ =	sdelay $0x3  }
0x33: {  	p0 =	seq.s32 s10, $0x1;
	s10 =	sld [smem:$0x3FB6];
	_ =	sdelay $0x3  }
0x34: {  	[smem:$0x3FB6] =	sst s10  }
0x35: {  	s10 =	sld [smem:$0x3FB5];
	_ =	sdelay $0x3  }
0x36: {  	p1 =	seq.s32 s10, $0x1;
	s10 =	sld [smem:$0x3FB6];
	_ =	sdelay $0x3  }
0x37: {  	[smem:$0x3FB6] =	sst s10  }
0x38: {  	s10 =	sld [smem:$0x3FB7]  }
0x39: {  	_ = 	snop;
	(pc) =	sbr.ind lr, $3  }
0x3a: {  	_ = 	snop  }
0x3b: {  	_ = 	snop  }
0x3c: {  	p2 =	seq.s32 s10, $0x1;
	s10 =	sld [smem:$0x3FB6]  }
0x3d: {  	_ =	shalt  }
0x3e: {  	_ =	shalt  }
0x3f: {  	_ =	shalt  }
0x40: {  	_ =	shalt  }
0x41: {  	_ =	shalt  }
0x42: {  	_ =	shalt  }
0x43: {  	_ =	shalt  }
0x44: {  	_ =	shalt  }
0x45: {  	_ =	shalt  }
0x46: {  	_ =	shalt  }
0x47: {  	_ =	shalt  }
0x48: {  	_ =	shalt  }
0x49: {  	_ =	shalt  }
0x4a: {  	_ =	shalt  }
0x4b: {  	_ =	shalt  }
0x4c: {  	_ =	shalt  }
0x4d: {  	_ =	shalt  }
0x4e: {  	_ =	shalt  }
0x4f: {  	_ =	shalt  }
0x50: {  	_ =	shalt  }
0x51: {  	_ =	shalt  }
0x52: {  	_ =	shalt  }
0x53: {  	_ =	shalt  }
0x54: {  	_ =	shalt  }
0x55: {  	_ =	shalt  }
0x56: {  	_ =	shalt  }
0x57: {  	_ =	shalt  }
0x58: {  	_ =	shalt  }
0x59: {  	_ =	shalt  }
0x5a: {  	_ =	shalt  }
0x5b: {  	_ =	shalt  }
0x5c: {  	_ =	shalt  }
0x5d: {  	_ =	shalt  }
0x5e: {  	_ =	shalt  }
0x5f: {  	_ =	shalt  }
0x60: {  	_ =	shalt  }
0x61: {  	_ =	shalt  }
0x62: {  	_ =	shalt  }
0x63: {  	_ =	shalt  }
0x64: {  	_ =	shalt  }
0x65: {  	_ =	shalt  }
0x66: {  	_ =	shalt  }
0x67: {  	_ =	shalt  }
0x68: {  	_ =	shalt  }
0x69: {  	_ =	shalt  }
0x6a: {  	_ =	shalt  }
0x6b: {  	_ =	shalt  }
0x6c: {  	_ =	shalt  }
0x6d: {  	_ =	shalt  }
0x6e: {  	_ =	shalt  }
0x6f: {  	_ =	shalt  }
0x70: {  	_ =	shalt  }
0x71: {  	_ =	shalt  }
0x72: {  	_ =	shalt  }
0x73: {  	_ =	shalt  }
0x74: {  	_ =	shalt  }
0x75: {  	_ =	shalt  }
0x76: {  	_ =	shalt  }
0x77: {  	_ =	shalt  }
0x78: {  	_ =	shalt  }
0x79: {  	_ =	shalt  }
0x7a: {  	_ =	shalt  }
0x7b: {  	_ =	shalt  }
0x7c: {  	_ =	shalt  }
0x7d: {  	_ =	shalt  }
0x7e: {  	_ =	shalt  }
0x7f: {  	_ =	shalt  }
0x80: {  	_ =	shalt  }
0x81: {  	_ =	shalt  }
0x82: {  	_ =	shalt  }
0x83: {  	_ =	shalt  }
0x84: {  	_ =	shalt  }
0x85: {  	_ =	shalt  }
0x86: {  	_ =	shalt  }
0x87: {  	_ =	shalt  }
.Lfunc_end0:
.L_simem_size_0:
called_computation.1_lowered:
.L_overlay_start_0:
0x88: {  	s2 =	sld [smem:$0x3FD9]  }
0x89: {  	s3 =	sld [smem:$0x3FFE];
	_ =	sdelay $0x1  }
0x8a: {  	s1 =	srdreg.scid  }
0x8b: {  	s0 =	sand.u32 $0x1, s1  }
0x8c: {  	s14 =	sshll.u32 s0, $0xA;
	s2 =	sadd.s32 s3, s2  }
0x8d: {  	s2 =	sadd.s32 s2, s14  }
0x8e: {  	[smem:$0x3FC2] =	sst s2  }
0x8f: {  	_ = 	snop  }
0x90: {  	s2 =	sld [smem:$0x3FD0];
	_ =	sdelay $0x2  }
0x91: {  	s15 =	simm.s32 $0xA;
	s4 =	simm.s32 $0x10  }
0x92: {  	[smem:s4], [sflag:s15] =	dma.local [hbm:s2], $0x1  }
0x93: {  	_ =	swait.eq [sflag:s15], $0x1  }
0x94: {  	[sflag:s15] =	ssyncset.done $0x0  }
0x95: {  	[sflag:s15] =	ssyncadd.s32 $0xFFFFFFFF  }
0x96: {  	s16 =	sld [smem:$0x10];
	(tm) =	ssettm $0x1  }
0x97: {  	s17 =	sld [smem:$0x3FFB];
	_ =	sdelay $0x3  }
0x98: {  	_ =	strace s17  }
0x99: {  	s3 =	sld [smem:$0x3FFC];
	_ =	sdelay $0x3  }
0x9a: {  	_ =	strace s3  }
0x9b: {  	s3 =	sld [smem:$0x3FFD];
	_ =	sdelay $0x3  }
0x9c: {  	_ =	strace s3  }
0x9d: {  	_ =	strace $0x8FFFFFFF  }
0x9e: {  	s18 =	sld [smem:$0x3FDB];
	_ =	sdelay $0x1  }
0x9f: {  	s19 =	simm.s32 $_scs_section_size  }
0xa0: {  	s5 =	simm.s32 $_size__tile_overlayer_lowered;
	s6 =	simm.s32 $_tile_overlayer_lowered  }
0xa1: {  	s22 =	simm.s32 $0x1BFF;
	s21 =	sshll.u32 s6, $0x1;
	s3 =	sadd.s32 s19, s18  }
0xa2: {  	s7 =	simm.s32 $0x0;
	s20 =	sshll.u32 s5, $0x1;
	s5 =	sadd.s32 s21, s3  }
0xa3: {  	[timem:s7], [sflag:s22] =	dma.local [hbm:s5], s20  }
0xa4: {  	_ =	swait.ge [sflag:s22], s20  }
0xa5: {  	s4 =	ssub.s32 $0x0, s20;
	[sflag:s22] =	ssyncset.done $0x0  }
0xa6: {  	[sflag:s22] =	ssyncadd.s32 s4;
	_ =	sdelay $0x1  }
0xa7: {  	s23 =	simm.s32 $0x1B8B  }
0xa8: {  	_ =	swait.ge [sflag:s23], $0x1  }
0xa9: {  	[sflag:s23] =	ssyncset.done $0x0  }
0xaa: {  	s25 =	simm.s32 $0x1B8E;
	s24 =	sld [smem:$0x3FFE];
	[sflag:s23] =	ssyncadd.s32 $0xFFFFFFFF  }
0xab: {  	s26 =	simm.s32 $execute0_lowered;
	[smem:$0x3FD2] =	sst s25  }
0xac: {  	s5 =	sshll.u32 s26, $0x1;
	_ =	strace $0x80000049;
	[dreg:$0x1] =	wrdreg $0xFFFFFFFF  }
0xad: {  	s28 =	simm.s32 $_size_execute0_lowered;
	s3 =	sadd.s32 s3, s5;
	[dreg:$0x0] =	wrdreg $0x0  }
0xae: {  	s5 =	sshll.u32 s28, $0x1;
	[dreg:$0x2] =	wrdreg s3  }
0xaf: {  	[dreg:$0x3] =	wrdreg s5  }
0xb0: {  	[dreg:$0x4] =	wrdreg $0xC0  }
0xb1: {  	_ =	task [dreg:s7], $0x5FFFF  }
0xb2: {  	[dreg:$0x1] =	wrdreg $0xFFFFFFFF  }
0xb3: {  	[dreg:$0x0] =	wrdreg $0x60  }
0xb4: {  	[dreg:$0x2] =	wrdreg s24  }
0xb5: {  	[dreg:$0x3] =	wrdreg s16  }
0xb6: {  	[dreg:$0x4] =	wrdreg $0x9  }
0xb7: {  	_ =	task.clear_ibuf [dreg:s7], $0x5FFFF;
	_ =	strace $0x90000049  }
0xb8: {  	s29 =	simm.s32 $0x9;
	_ =	strace $0x8000004B  }
0xb9: {  	_ =	swait.ge [sflag:s29], $0x1  }
0xba: {  	[sflag:s29] =	ssyncadd.s32 $0xFFFFFFFF  }
0xbb: {  	_ =	strace $0x9000004B  }
0xbc: {  	_ =	sfence  }
0xbd: {  	s30 =	sld [smem:$0x0];
	_ =	sdelay $0x2  }
0xbe: {  	s31 =	sshll.u32 s1, $0xD;
	s1 =	sshrl.u32 s1, $0x2  }
0xbf: {  	s3 =	sand.u32 $0x4000, s31;
	s1 =	sadd.s32 s1, s30  }
0xc0: {  	s0 =	sor.u32 s3, s0;
	s1 =	sshll.u32 s1, $0x11  }
0xc1: {  	s0 =	sor.u32 s1, s0  }
0xc2: {  	s0 =	sadd.s32 $0x8F2B, s0  }
0xc3: {  	[sflag:s0] =	ssyncadd.remote.s32 $0x1  }
0xc4: {  	_ =	sfence.sel $0xFFFF  }
0xc5: {  	[dreg:$0x0] =	wrdreg $0xFFFFFFFF;
	(pc) =	sbr.abs _section_cstart, $3  }
0xc6: {  	[dreg:$0x1] =	wrdreg $0xFFFFFFFF  }
0xc7: {  	_ =	task.clear_ibuf [dreg:s7], $0x2FFFF;
	_ =	strace $0x9FFFFFFF  }
0xc8: {  	(tm) =	ssettm $0x7FFFFFFF  }
0xc9: {  	_ =	shalt  }
tec
execute0_lowered:
.L_overlay_start_1:
0x0: {  	(tag) =	ssettag $0x1  }
0x1: {  	s4 =	rddreg [dreg:$0x0];
	s1 =	srdreg.scid  }
0x2: {  	s0 =	stileid.u32;
	s5 =	rddreg [dreg:$0x1];
	s2 =	simm.s32 $0x0  }
0x3: {  	s9 =	simm.s32 $0x900;
	s10 =	simm.s32 $0x1100;
	s11 =	simm.s32 $0x1900  }
0x4: {  	s12 =	simm.s32 $0x2100;
	s13 =	simm.s32 $0x2900;
	s14 =	simm.s32 $0x3100  }
0x5: {  	s15 =	simm.s32 $0x3900;
	s16 =	simm.s32 $0x4100;
	s17 =	simm.s32 $0x4900  }
0x6: {  	s18 =	simm.s32 $0x5100;
	s19 =	simm.s32 $0x5900;
	s20 =	simm.s32 $0x6100  }
0x7: {  	s21 =	simm.s32 $0x6900;
	s22 =	simm.s32 $0x7100;
	s23 =	simm.s32 $0x7900  }
0x8: {  	s24 =	simm.s32 $0x8100;
	s3 =	sand.u32 $0x1, s1;
	s6 =	sshll.u32 s0, $0x1  }
0x9: {  	s25 =	simm.s32 $0x8900;
	s1 =	rddreg [dreg:$0x2];
	s6 =	sor.u32 s3, s6  }
0xa: {  	s26 =	simm.s32 $0x1;
	[smem:$0x7FF] =	sst s2;
	s7 =	smul.u32 $0x12, s6  }
0xb: {  	_ =	strace $0x8000004A;
	s8 =	ssub.s32 $0x2, s3;
	s6 =	smul.u32 $0x1200, s6  }
0xc: {  	v2 =	vlaneseq.u32;
	s3 =	sadd.s32 $0xC000, s4;
	s31 =	sshrl.u32 s8, $0x1;
	s4 =	sadd.s32 s7, s4  }
0xd: {  	vm0 =	vmmov $0xffff;
	v1 =	vshrl.u32 v2, $0x3;
	s7 =	ssub.s32 s8, s31;
	s5 =	sadd.s32 s5, s6;
	s8 =	simm.s32 $0x100  }
0xe: {  	v0 =	vand.u32 $0x7, v2;
	v2 =	vor.u32 $0x8, v2;
	v1 =	vmul.u32 $0x8, v1;
	s4 =	sadd.s32 $0x4000, s4;
	s6 =	smax.u32 s7, $0x1;
	s7 =	simm.s32 $0x2  }
.LBB2_1:
0xf: {  	[tilespmem:s2], [sflag:$0x2] =	stream.linear.gather [hbm4b:s4+s2], $0x90, $0x38;
	[tilespmem:$0x9100] =	vst v63  }
0x10: {  	_ =	swait.ge [sflag:s7], $0x90  }
0x11: {  	[sflag:s7] =	ssyncset.done $0x0  }
0x12: {  	[sflag:s7] =	ssyncadd.s32 $0xFFFFFF70  }
0x13: {  	v3 =	vld [tilespmem:$0x0];
	_ =	sdelay $0x4  }
0x14: {  	v4 =	vshll.u32 v3, $0x1  }
0x15: {  	v3 =	vand.u32 $0x7, v3;
	v4 =	vand.u32 $0xFFFFFFF0, v4  }
0x16: {  	v3 =	vor.u32 v3, v4  }
0x17: {  	v4 =	vperm.xlane v3, v0;
	_ =	sdelay $0x1  }
0x18: {  	v3 =	vperm.xlane v3, v2;
	v4 =	vadd.s32 v1, v4;
	_ =	sdelay $0x1  }
0x19: {  	v3 =	vadd.s32 v1, v3;
	_ =	sdelay $0x2  }
0x1a: {  	[tilespmem:s8], [sflag:$0x1] =	stream.indirect_vreg.gather [hbm4b:s3+s2], $0x80, v4, vm0, $0xb8;
	[tilespmem:$0x9100] =	vst v63  }
0x1b: {  	_ = 	snop  }
0x1c: {  	[tilespmem:s9], [sflag:$0x1] =	stream.indirect_vreg.gather [hbm4b:s3+s2], $0x80, v3, vm0, $0xb8;
	[tilespmem:$0x9100] =	vst v63  }
0x1d: {  	v3 =	vld [tilespmem:$0x10];
	_ =	sdelay $0x4  }
0x1e: {  	v56 =	vshll.u32 v3, $0x1  }
0x1f: {  	v3 =	vand.u32 $0x7, v3;
	v4 =	vand.u32 $0xFFFFFFF0, v56  }
0x20: {  	v3 =	vor.u32 v3, v4  }
0x21: {  	v4 =	vperm.xlane v3, v0;
	_ =	sdelay $0x1  }
0x22: {  	v3 =	vperm.xlane v3, v2;
	v4 =	vadd.s32 v1, v4;
	_ =	sdelay $0x1  }
0x23: {  	v3 =	vadd.s32 v1, v3;
	_ =	sdelay $0x2  }
0x24: {  	[tilespmem:s10], [sflag:$0x1] =	stream.indirect_vreg.gather [hbm4b:s3+s2], $0x80, v4, vm0, $0xb8;
	[tilespmem:$0x9100] =	vst v63  }
0x25: {  	_ = 	snop  }
0x26: {  	[tilespmem:s11], [sflag:$0x1] =	stream.indirect_vreg.gather [hbm4b:s3+s2], $0x80, v3, vm0, $0xb8;
	[tilespmem:$0x9100] =	vst v63  }
0x27: {  	v3 =	vld [tilespmem:$0x20];
	_ =	sdelay $0x4  }
0x28: {  	v57 =	vshll.u32 v3, $0x1  }
0x29: {  	v3 =	vand.u32 $0x7, v3;
	v4 =	vand.u32 $0xFFFFFFF0, v57  }
0x2a: {  	v3 =	vor.u32 v3, v4  }
0x2b: {  	v4 =	vperm.xlane v3, v0;
	_ =	sdelay $0x1  }
0x2c: {  	v3 =	vperm.xlane v3, v2;
	v4 =	vadd.s32 v1, v4;
	_ =	sdelay $0x1  }
0x2d: {  	v3 =	vadd.s32 v1, v3;
	_ =	sdelay $0x2  }
0x2e: {  	[tilespmem:s12], [sflag:$0x1] =	stream.indirect_vreg.gather [hbm4b:s3+s2], $0x80, v4, vm0, $0xb8;
	[tilespmem:$0x9100] =	vst v63  }
0x2f: {  	_ = 	snop  }
0x30: {  	[tilespmem:s13], [sflag:$0x1] =	stream.indirect_vreg.gather [hbm4b:s3+s2], $0x80, v3, vm0, $0xb8;
	[tilespmem:$0x9100] =	vst v63  }
0x31: {  	v3 =	vld [tilespmem:$0x30];
	_ =	sdelay $0x4  }
0x32: {  	v58 =	vshll.u32 v3, $0x1  }
0x33: {  	v3 =	vand.u32 $0x7, v3;
	v4 =	vand.u32 $0xFFFFFFF0, v58  }
0x34: {  	v3 =	vor.u32 v3, v4  }
0x35: {  	v4 =	vperm.xlane v3, v0;
	_ =	sdelay $0x1  }
0x36: {  	v3 =	vperm.xlane v3, v2;
	v4 =	vadd.s32 v1, v4;
	_ =	sdelay $0x1  }
0x37: {  	v3 =	vadd.s32 v1, v3;
	_ =	sdelay $0x2  }
0x38: {  	[tilespmem:s14], [sflag:$0x1] =	stream.indirect_vreg.gather [hbm4b:s3+s2], $0x80, v4, vm0, $0xb8;
	[tilespmem:$0x9100] =	vst v63  }
0x39: {  	_ = 	snop  }
0x3a: {  	[tilespmem:s15], [sflag:$0x1] =	stream.indirect_vreg.gather [hbm4b:s3+s2], $0x80, v3, vm0, $0xb8;
	[tilespmem:$0x9100] =	vst v63  }
0x3b: {  	v3 =	vld [tilespmem:$0x40];
	_ =	sdelay $0x4  }
0x3c: {  	v59 =	vshll.u32 v3, $0x1  }
0x3d: {  	v3 =	vand.u32 $0x7, v3;
	v4 =	vand.u32 $0xFFFFFFF0, v59  }
0x3e: {  	v3 =	vor.u32 v3, v4  }
0x3f: {  	v4 =	vperm.xlane v3, v0;
	_ =	sdelay $0x1  }
0x40: {  	v3 =	vperm.xlane v3, v2;
	v4 =	vadd.s32 v1, v4;
	_ =	sdelay $0x1  }
0x41: {  	v3 =	vadd.s32 v1, v3;
	_ =	sdelay $0x2  }
0x42: {  	[tilespmem:s16], [sflag:$0x1] =	stream.indirect_vreg.gather [hbm4b:s3+s2], $0x80, v4, vm0, $0xb8;
	[tilespmem:$0x9100] =	vst v63  }
0x43: {  	_ = 	snop  }
0x44: {  	[tilespmem:s17], [sflag:$0x1] =	stream.indirect_vreg.gather [hbm4b:s3+s2], $0x80, v3, vm0, $0xb8;
	[tilespmem:$0x9100] =	vst v63  }
0x45: {  	v3 =	vld [tilespmem:$0x50];
	_ =	sdelay $0x4  }
0x46: {  	v60 =	vshll.u32 v3, $0x1  }
0x47: {  	v3 =	vand.u32 $0x7, v3;
	v4 =	vand.u32 $0xFFFFFFF0, v60  }
0x48: {  	v3 =	vor.u32 v3, v4  }
0x49: {  	v4 =	vperm.xlane v3, v0;
	_ =	sdelay $0x1  }
0x4a: {  	v3 =	vperm.xlane v3, v2;
	v4 =	vadd.s32 v1, v4;
	_ =	sdelay $0x1  }
0x4b: {  	v3 =	vadd.s32 v1, v3;
	_ =	sdelay $0x2  }
0x4c: {  	[tilespmem:s18], [sflag:$0x1] =	stream.indirect_vreg.gather [hbm4b:s3+s2], $0x80, v4, vm0, $0xb8;
	[tilespmem:$0x9100] =	vst v63  }
0x4d: {  	_ = 	snop  }
0x4e: {  	[tilespmem:s19], [sflag:$0x1] =	stream.indirect_vreg.gather [hbm4b:s3+s2], $0x80, v3, vm0, $0xb8;
	[tilespmem:$0x9100] =	vst v63  }
0x4f: {  	v3 =	vld [tilespmem:$0x60];
	_ =	sdelay $0x4  }
0x50: {  	v61 =	vshll.u32 v3, $0x1  }
0x51: {  	v3 =	vand.u32 $0x7, v3;
	v4 =	vand.u32 $0xFFFFFFF0, v61  }
0x52: {  	v3 =	vor.u32 v3, v4  }
0x53: {  	v4 =	vperm.xlane v3, v0;
	_ =	sdelay $0x1  }
0x54: {  	v3 =	vperm.xlane v3, v2;
	v4 =	vadd.s32 v1, v4;
	_ =	sdelay $0x1  }
0x55: {  	v3 =	vadd.s32 v1, v3;
	_ =	sdelay $0x2  }
0x56: {  	[tilespmem:s20], [sflag:$0x1] =	stream.indirect_vreg.gather [hbm4b:s3+s2], $0x80, v4, vm0, $0xb8;
	[tilespmem:$0x9100] =	vst v63  }
0x57: {  	_ = 	snop  }
0x58: {  	[tilespmem:s21], [sflag:$0x1] =	stream.indirect_vreg.gather [hbm4b:s3+s2], $0x80, v3, vm0, $0xb8;
	[tilespmem:$0x9100] =	vst v63  }
0x59: {  	v3 =	vld [tilespmem:$0x70];
	_ =	sdelay $0x4  }
0x5a: {  	v62 =	vshll.u32 v3, $0x1  }
0x5b: {  	v3 =	vand.u32 $0x7, v3;
	v4 =	vand.u32 $0xFFFFFFF0, v62  }
0x5c: {  	v3 =	vor.u32 v3, v4  }
0x5d: {  	v4 =	vperm.xlane v3, v0;
	_ =	sdelay $0x1  }
0x5e: {  	v3 =	vperm.xlane v3, v2;
	v4 =	vadd.s32 v1, v4;
	_ =	sdelay $0x1  }
0x5f: {  	v3 =	vadd.s32 v1, v3;
	_ =	sdelay $0x2  }
0x60: {  	[tilespmem:s22], [sflag:$0x1] =	stream.indirect_vreg.gather [hbm4b:s3+s2], $0x80, v4, vm0, $0xb8;
	[tilespmem:$0x9100] =	vst v63  }
0x61: {  	_ = 	snop  }
0x62: {  	[tilespmem:s23], [sflag:$0x1] =	stream.indirect_vreg.gather [hbm4b:s3+s2], $0x80, v3, vm0, $0xb8;
	[tilespmem:$0x9100] =	vst v63  }
0x63: {  	v3 =	vld [tilespmem:$0x80];
	_ =	sdelay $0x4  }
0x64: {  	v63 =	vshll.u32 v3, $0x1  }
0x65: {  	v3 =	vand.u32 $0x7, v3;
	v4 =	vand.u32 $0xFFFFFFF0, v63  }
0x66: {  	v3 =	vor.u32 v3, v4  }
0x67: {  	v4 =	vperm.xlane v3, v0;
	_ =	sdelay $0x1  }
0x68: {  	v3 =	vperm.xlane v3, v2;
	v4 =	vadd.s32 v1, v4;
	_ =	sdelay $0x1  }
0x69: {  	v3 =	vadd.s32 v1, v3;
	_ =	sdelay $0x2  }
0x6a: {  	[tilespmem:s24], [sflag:$0x1] =	stream.indirect_vreg.gather [hbm4b:s3+s2], $0x80, v4, vm0, $0xb8;
	[tilespmem:$0x9100] =	vst v63  }
0x6b: {  	_ = 	snop  }
0x6c: {  	[tilespmem:s25], [sflag:$0x1] =	stream.indirect_vreg.gather [hbm4b:s3+s2], $0x80, v3, vm0, $0xb8;
	[tilespmem:$0x9100] =	vst v63  }
0x6d: {  	_ =	swait.ge [sflag:s26], $0x9000  }
0x6e: {  	p0 =	sne.s32 s6, $0x1;
	[sflag:s26] =	ssyncset.done $0x0  }
.Ltmp0:
0x6f: {  	[sflag:s26] =	ssyncadd.s32 $0xFFFF7000;
	(pc) =	sbr.rel @p0 .LBB2_1-.Ltmp0, $4  }
0x70: {  	[hbm4b:s5+s2] =	stream.linear.scatter [tilespmem:s8], [sflag:$0x2], $0x9000, $0x38;
	[tilespmem:$0x9100] =	vst v63  }
0x71: {  	_ =	swait.ge [sflag:s7], $0x9000  }
0x72: {  	[sflag:s7] =	ssyncset.done $0x0  }
0x73: {  	s6 =	sadd.s32 $0xFFFFFFFF, s6;
	[sflag:s7] =	ssyncadd.s32 $0xFFFF7000  }
0x74: {  	_ =	sfence.sel $0x180000  }
0x75: {  	[bflag:$0x0] =	sbarrier.arrive $0xFFFF  }
0x76: {  	p0 =	sne.s32 s0, $0x0;
	_ =	strace $0x9000004A  }
0x77: {  	s0 =	sadd.s32 @!p0 $0x100000, s1;
	[bflag:$0x2] =	sbarrier.arrive $0xFFFF  }
0x78: {  	[sflag:s0] =	ssyncadd.tile.s32 @!p0 $0x1;
	_ =	shalt  }
.Lfunc_end2:
_tile_overlayer_lowered:
.L_overlay_start_2:
0x79: {  	(tag) =	ssettag $0x2  }
0x7a: {  	s0 =	rddreg [dreg:$0x0];
	s2 =	stileid.u32  }
0x7b: {  	s1 =	rddreg [dreg:$0x1];
	p0 =	sne.s32 s2, $0x0  }
0x7c: {  	s3 =	rddreg [dreg:$0x2];
	[bflag:$0x3] =	sbarrier.arrive $0xFFFF;
	s2 =	simm.s32 @!p0 $0x1C02  }
0x7d: {  	[timem:s3], [sflag:s2] =	dma.local @!p0 [hbm:s0], s1  }
0x7e: {  	s0 =	simm.s32 @!p0 $0x2  }
0x7f: {  	_ =	swait.ge @!p0 [sflag:s0], s1  }
0x80: {  	s1 =	ssub.s32 @!p0 $0x0, s1;
	[sflag:s0] =	ssyncset.done @!p0 $0x0  }
0x81: {  	[sflag:s0] =	ssyncadd.s32 @!p0 s1  }
0x82: {  	[bflag:$0x3] =	sbarrier.arrive $0xFFFF  }
0x83: {  	_ =	shalt  }

// kernel: kernel.25.cloned.1.call-start
scs
__scs_entry_jumppad:
0x0: {  	(pc) =	sbr.rel $0x88, $3  }
0x1: {  	(tag) =	ssettag $0x0;
	lr =	simm.s32 $0x1  }
0x2: {  	[smem:$0x3F9B] =	sst lr;
	_ =	strace $0xD0000000  }
0x3: {  	_ = 	snop  }
0x4: {  	_ = 	snop  }
0x5: {  	_ = 	snop  }
0x6: {  	_ = 	snop  }
0x7: {  	_ = 	snop  }
__scs_overlays_trampoline_lowered:
0x8: {  	[smem:$0x3FAA] =	sst s0  }
0x9: {  	[smem:$0x3FAB] =	sst s1  }
0xa: {  	[smem:$0x3FAC] =	sst s2  }
0xb: {  	[smem:$0x3FAD] =	sst s3  }
0xc: {  	[smem:$0x3FAE] =	sst s4  }
0xd: {  	[smem:$0x3FAF] =	sst s5  }
0xe: {  	[smem:$0x3FB0] =	sst s6  }
0xf: {  	[smem:$0x3FB1] =	sst s7  }
0x10: {  	[smem:$0x3FB2] =	sst s8  }
0x11: {  	[smem:$0x3FB3] =	sst s9;
	s0 =	simm.s32 @!p0 $0x0  }
0x12: {  	s1 =	sld [smem:$0x3F99];
	s0 =	simm.s32 @p0 $0x1  }
0x13: {  	[smem:$0x3FB4] =	sst s0;
	s0 =	simm.s32 @!p1 $0x0  }
0x14: {  	s2 =	sld [smem:$0x3F98];
	s0 =	simm.s32 @p1 $0x1  }
0x15: {  	[smem:$0x3FB5] =	sst s0;
	s0 =	simm.s32 @!p2 $0x0  }
0x16: {  	s3 =	sld [smem:$0x3FDB];
	s0 =	simm.s32 @p2 $0x1  }
0x17: {  	s4 =	simm.s32 $0x1BF5;
	[smem:$0x3FB7] =	sst s0  }
0x18: {  	s0 =	sld [smem:$0x3F9A];
	_ =	swait.ge [sflag:s4], $0x0  }
0x19: {  	s7 =	sld [smem:$0x3F9B]  }
0x1a: {  	s8 =	sadd.s32 $0xFFFFE003, lr  }
0x1b: {  	s9 =	sadd.s32 $0xFFFFFEF7, lr;
	s5 =	simm.s32 $0xFFFFFFFF;
	p2 =	slt.u32 s8, $0xFFFFF086  }
0x1c: {  	p1 =	slt.u32 s9, $0xF7A;
	s5 =	simm.s32 @!p2 $0x0  }
0x1d: {  	s5 =	simm.s32 @p1 $0x1;
	p0 =	seq.s32 s7, s2  }
0x1e: {  	s7 =	smul.u32 @!p0 $0xF7A, s2;
	p2 =	seq.s32 @!p0 s5, $0x0  }
0x1f: {  	s9 =	smul.u32 $0xF7A, s1;
	s8 =	simm.s32 @!p0 $0x1BF5;
	p2 =	por !p2, p0  }
0x20: {  	[sflag:s8] =	ssyncset.s32 @!p0 $0xFFFFF086;
	s6 =	sadd.s32 @!p0 s3, s7;
	s7 =	simm.s32 @!p0 $0x108  }
0x21: {  	s3 =	sadd.s32 s3, s9;
	s6 =	sadd.s32 @!p0 $0x88, s6;
	s7 =	simm.s32 @p2 $0x1082  }
0x22: {  	[simem:s7], [sflag:s8] =	dma.local @!p0 [hbm:s6], $0xF7A  }
0x23: {  	s9 =	sor.u32 $0xD0000000, s2;
	s6 =	simm.s32 $0x108;
	_ =	swait.ge @!p0 [sflag:s8], $0x0  }
0x24: {  	s3 =	sadd.s32 $0x88, s3;
	s6 =	simm.s32 @!p1 $0x1082;
	[sflag:s4] =	ssyncset.s32 $0xFFFFF086  }
0x25: {  	[simem:s6], [sflag:s4] =	dma.local [hbm:s3], $0xF7A  }
0x26: {  	[smem:$0x3F9B] =	sst s1;
	(tag) =	ssettag s2;
	_ =	strace s9  }
0x27: {  	s1 =	sld [smem:$0x3FAB]  }
0x28: {  	s2 =	sld [smem:$0x3FAC]  }
0x29: {  	s4 =	sld [smem:$0x3FAE]  }
0x2a: {  	p0 =	seq.s32 s5, $0x0;
	s5 =	sld [smem:$0x3FAF]  }
0x2b: {  	s6 =	sld [smem:$0x3FB0]  }
0x2c: {  	s7 =	sld [smem:$0x3FB1]  }
0x2d: {  	s3 =	simm.s32 $0x108;
	s8 =	sld [smem:$0x3FB2]  }
0x2e: {  	s3 =	simm.s32 @!p0 $0x1082;
	s9 =	sld [smem:$0x3FB3]  }
0x2f: {  	lr =	sadd.s32 s0, s3;
	s0 =	sld [smem:$0x3FAA]  }
0x30: {  	s3 =	sld [smem:$0x3FAD]  }
0x31: {  	[smem:$0x3FB6] =	sst s10  }
0x32: {  	s10 =	sld [smem:$0x3FB4];
	_ =	sdelay $0x3  }
0x33: {  	p0 =	seq.s32 s10, $0x1;
	s10 =	sld [smem:$0x3FB6];
	_ =	sdelay $0x3  }
0x34: {  	[smem:$0x3FB6] =	sst s10  }
0x35: {  	s10 =	sld [smem:$0x3FB5];
	_ =	sdelay $0x3  }
0x36: {  	p1 =	seq.s32 s10, $0x1;
	s10 =	sld [smem:$0x3FB6];
	_ =	sdelay $0x3  }
0x37: {  	[smem:$0x3FB6] =	sst s10  }
0x38: {  	s10 =	sld [smem:$0x3FB7]  }
0x39: {  	_ = 	snop;
	(pc) =	sbr.ind lr, $3  }
0x3a: {  	_ = 	snop  }
0x3b: {  	_ = 	snop  }
0x3c: {  	p2 =	seq.s32 s10, $0x1;
	s10 =	sld [smem:$0x3FB6]  }
0x3d: {  	_ =	shalt  }
0x3e: {  	_ =	shalt  }
0x3f: {  	_ =	shalt  }
0x40: {  	_ =	shalt  }
0x41: {  	_ =	shalt  }
0x42: {  	_ =	shalt  }
0x43: {  	_ =	shalt  }
0x44: {  	_ =	shalt  }
0x45: {  	_ =	shalt  }
0x46: {  	_ =	shalt  }
0x47: {  	_ =	shalt  }
0x48: {  	_ =	shalt  }
0x49: {  	_ =	shalt  }
0x4a: {  	_ =	shalt  }
0x4b: {  	_ =	shalt  }
0x4c: {  	_ =	shalt  }
0x4d: {  	_ =	shalt  }
0x4e: {  	_ =	shalt  }
0x4f: {  	_ =	shalt  }
0x50: {  	_ =	shalt  }
0x51: {  	_ =	shalt  }
0x52: {  	_ =	shalt  }
0x53: {  	_ =	shalt  }
0x54: {  	_ =	shalt  }
0x55: {  	_ =	shalt  }
0x56: {  	_ =	shalt  }
0x57: {  	_ =	shalt  }
0x58: {  	_ =	shalt  }
0x59: {  	_ =	shalt  }
0x5a: {  	_ =	shalt  }
0x5b: {  	_ =	shalt  }
0x5c: {  	_ =	shalt  }
0x5d: {  	_ =	shalt  }
0x5e: {  	_ =	shalt  }
0x5f: {  	_ =	shalt  }
0x60: {  	_ =	shalt  }
0x61: {  	_ =	shalt  }
0x62: {  	_ =	shalt  }
0x63: {  	_ =	shalt  }
0x64: {  	_ =	shalt  }
0x65: {  	_ =	shalt  }
0x66: {  	_ =	shalt  }
0x67: {  	_ =	shalt  }
0x68: {  	_ =	shalt  }
0x69: {  	_ =	shalt  }
0x6a: {  	_ =	shalt  }
0x6b: {  	_ =	shalt  }
0x6c: {  	_ =	shalt  }
0x6d: {  	_ =	shalt  }
0x6e: {  	_ =	shalt  }
0x6f: {  	_ =	shalt  }
0x70: {  	_ =	shalt  }
0x71: {  	_ =	shalt  }
0x72: {  	_ =	shalt  }
0x73: {  	_ =	shalt  }
0x74: {  	_ =	shalt  }
0x75: {  	_ =	shalt  }
0x76: {  	_ =	shalt  }
0x77: {  	_ =	shalt  }
0x78: {  	_ =	shalt  }
0x79: {  	_ =	shalt  }
0x7a: {  	_ =	shalt  }
0x7b: {  	_ =	shalt  }
0x7c: {  	_ =	shalt  }
0x7d: {  	_ =	shalt  }
0x7e: {  	_ =	shalt  }
0x7f: {  	_ =	shalt  }
0x80: {  	_ =	shalt  }
0x81: {  	_ =	shalt  }
0x82: {  	_ =	shalt  }
0x83: {  	_ =	shalt  }
0x84: {  	_ =	shalt  }
0x85: {  	_ =	shalt  }
0x86: {  	_ =	shalt  }
0x87: {  	_ =	shalt  }
.Lfunc_end0:
.L_simem_size_0:
called_computation.2_lowered:
.L_overlay_start_0:
0x88: {  	s2 =	sld [smem:$0x3FD9]  }
0x89: {  	s3 =	sld [smem:$0x3FFE];
	_ =	sdelay $0x1  }
0x8a: {  	s1 =	srdreg.scid  }
0x8b: {  	s0 =	sand.u32 $0x1, s1  }
0x8c: {  	s14 =	sshll.u32 s0, $0xA;
	s2 =	sadd.s32 s3, s2  }
0x8d: {  	s2 =	sadd.s32 s2, s14  }
0x8e: {  	[smem:$0x3FC2] =	sst s2  }
0x8f: {  	_ = 	snop  }
0x90: {  	s2 =	sld [smem:$0x3FD0];
	_ =	sdelay $0x2  }
0x91: {  	s15 =	simm.s32 $0xA;
	s4 =	simm.s32 $0x10  }
0x92: {  	[smem:s4], [sflag:s15] =	dma.local [hbm:s2], $0x1  }
0x93: {  	_ =	swait.eq [sflag:s15], $0x1  }
0x94: {  	[sflag:s15] =	ssyncset.done $0x0  }
0x95: {  	[sflag:s15] =	ssyncadd.s32 $0xFFFFFFFF  }
0x96: {  	s16 =	sld [smem:$0x10];
	(tm) =	ssettm $0x1  }
0x97: {  	s17 =	sld [smem:$0x3FFB];
	_ =	sdelay $0x3  }
0x98: {  	_ =	strace s17  }
0x99: {  	s3 =	sld [smem:$0x3FFC];
	_ =	sdelay $0x3  }
0x9a: {  	_ =	strace s3  }
0x9b: {  	s3 =	sld [smem:$0x3FFD];
	_ =	sdelay $0x3  }
0x9c: {  	_ =	strace s3  }
0x9d: {  	_ =	strace $0x8FFFFFFF  }
0x9e: {  	s18 =	sld [smem:$0x3FDB];
	_ =	sdelay $0x1  }
0x9f: {  	s19 =	simm.s32 $_scs_section_size  }
0xa0: {  	s5 =	simm.s32 $_size__tile_overlayer_lowered;
	s6 =	simm.s32 $_tile_overlayer_lowered  }
0xa1: {  	s22 =	simm.s32 $0x1BFF;
	s21 =	sshll.u32 s6, $0x1;
	s3 =	sadd.s32 s19, s18  }
0xa2: {  	s7 =	simm.s32 $0x0;
	s20 =	sshll.u32 s5, $0x1;
	s5 =	sadd.s32 s21, s3  }
0xa3: {  	[timem:s7], [sflag:s22] =	dma.local [hbm:s5], s20  }
0xa4: {  	_ =	swait.ge [sflag:s22], s20  }
0xa5: {  	s4 =	ssub.s32 $0x0, s20;
	[sflag:s22] =	ssyncset.done $0x0  }
0xa6: {  	[sflag:s22] =	ssyncadd.s32 s4;
	_ =	sdelay $0x1  }
0xa7: {  	s23 =	simm.s32 $0x1B8B  }
0xa8: {  	_ =	swait.ge [sflag:s23], $0x1  }
0xa9: {  	[sflag:s23] =	ssyncset.done $0x0  }
0xaa: {  	s25 =	simm.s32 $0x1B8E;
	s24 =	sld [smem:$0x3FFE];
	[sflag:s23] =	ssyncadd.s32 $0xFFFFFFFF  }
0xab: {  	s26 =	simm.s32 $execute0_lowered;
	[smem:$0x3FD2] =	sst s25  }
0xac: {  	s5 =	sshll.u32 s26, $0x1;
	_ =	strace $0x8000004C;
	[dreg:$0x1] =	wrdreg $0xFFFFFFFF  }
0xad: {  	s28 =	simm.s32 $_size_execute0_lowered;
	s3 =	sadd.s32 s3, s5;
	[dreg:$0x0] =	wrdreg $0x0  }
0xae: {  	s5 =	sshll.u32 s28, $0x1;
	[dreg:$0x2] =	wrdreg s3  }
0xaf: {  	[dreg:$0x3] =	wrdreg s5  }
0xb0: {  	[dreg:$0x4] =	wrdreg $0xC0  }
0xb1: {  	_ =	task [dreg:s7], $0x5FFFF  }
0xb2: {  	[dreg:$0x1] =	wrdreg $0xFFFFFFFF  }
0xb3: {  	[dreg:$0x0] =	wrdreg $0x60  }
0xb4: {  	[dreg:$0x2] =	wrdreg s24  }
0xb5: {  	[dreg:$0x3] =	wrdreg s16  }
0xb6: {  	[dreg:$0x4] =	wrdreg $0x9  }
0xb7: {  	_ =	task.clear_ibuf [dreg:s7], $0x5FFFF;
	_ =	strace $0x9000004C  }
0xb8: {  	s29 =	simm.s32 $0x9;
	_ =	strace $0x8000004E  }
0xb9: {  	_ =	swait.ge [sflag:s29], $0x1  }
0xba: {  	[sflag:s29] =	ssyncadd.s32 $0xFFFFFFFF  }
0xbb: {  	_ =	strace $0x9000004E  }
0xbc: {  	_ =	sfence  }
0xbd: {  	s30 =	sld [smem:$0x0];
	_ =	sdelay $0x2  }
0xbe: {  	s31 =	sshll.u32 s1, $0xD;
	s1 =	sshrl.u32 s1, $0x2  }
0xbf: {  	s3 =	sand.u32 $0x4000, s31;
	s1 =	sadd.s32 s1, s30  }
0xc0: {  	s0 =	sor.u32 s3, s0;
	s1 =	sshll.u32 s1, $0x11  }
0xc1: {  	s0 =	sor.u32 s1, s0  }
0xc2: {  	s0 =	sadd.s32 $0x8F2B, s0  }
0xc3: {  	[sflag:s0] =	ssyncadd.remote.s32 $0x1  }
0xc4: {  	_ =	sfence.sel $0xFFFF  }
0xc5: {  	[dreg:$0x0] =	wrdreg $0xFFFFFFFF;
	(pc) =	sbr.abs _section_cstart, $3  }
0xc6: {  	[dreg:$0x1] =	wrdreg $0xFFFFFFFF  }
0xc7: {  	_ =	task.clear_ibuf [dreg:s7], $0x2FFFF;
	_ =	strace $0x9FFFFFFF  }
0xc8: {  	(tm) =	ssettm $0x7FFFFFFF  }
0xc9: {  	_ =	shalt  }
tec
execute0_lowered:
.L_overlay_start_1:
0x0: {  	(tag) =	ssettag $0x1  }
0x1: {  	s4 =	rddreg [dreg:$0x0];
	s1 =	srdreg.scid  }
0x2: {  	s0 =	stileid.u32;
	s5 =	rddreg [dreg:$0x1];
	s2 =	simm.s32 $0x0  }
0x3: {  	s9 =	simm.s32 $0x900;
	s10 =	simm.s32 $0x1100;
	s11 =	simm.s32 $0x1900  }
0x4: {  	s12 =	simm.s32 $0x2100;
	s13 =	simm.s32 $0x2900;
	s14 =	simm.s32 $0x3100  }
0x5: {  	s15 =	simm.s32 $0x3900;
	s16 =	simm.s32 $0x4100;
	s17 =	simm.s32 $0x4900  }
0x6: {  	s18 =	simm.s32 $0x5100;
	s19 =	simm.s32 $0x5900;
	s20 =	simm.s32 $0x6100  }
0x7: {  	s21 =	simm.s32 $0x6900;
	s22 =	simm.s32 $0x7100;
	s23 =	simm.s32 $0x7900  }
0x8: {  	s24 =	simm.s32 $0x8100;
	s3 =	sand.u32 $0x1, s1;
	s6 =	sshll.u32 s0, $0x1  }
0x9: {  	s25 =	simm.s32 $0x8900;
	s1 =	rddreg [dreg:$0x2];
	s6 =	sor.u32 s3, s6  }
0xa: {  	s26 =	simm.s32 $0x1;
	[smem:$0x7FF] =	sst s2;
	s7 =	smul.u32 $0x12, s6  }
0xb: {  	_ =	strace $0x8000004D;
	s8 =	ssub.s32 $0x2, s3;
	s6 =	smul.u32 $0x1200, s6  }
0xc: {  	v2 =	vlaneseq.u32;
	s3 =	sadd.s32 $0x14000, s4;
	s31 =	sshrl.u32 s8, $0x1;
	s4 =	sadd.s32 s7, s4  }
0xd: {  	vm0 =	vmmov $0xffff;
	v1 =	vshrl.u32 v2, $0x3;
	s7 =	ssub.s32 s8, s31;
	s5 =	sadd.s32 s5, s6;
	s8 =	simm.s32 $0x100  }
0xe: {  	v0 =	vand.u32 $0x7, v2;
	v2 =	vor.u32 $0x8, v2;
	v1 =	vmul.u32 $0x8, v1;
	s4 =	sadd.s32 $0x4400, s4;
	s6 =	smax.u32 s7, $0x1;
	s7 =	simm.s32 $0x2  }
.LBB2_1:
0xf: {  	[tilespmem:s2], [sflag:$0x2] =	stream.linear.gather [hbm4b:s4+s2], $0x90, $0x38;
	[tilespmem:$0x9100] =	vst v63  }
0x10: {  	_ =	swait.ge [sflag:s7], $0x90  }
0x11: {  	[sflag:s7] =	ssyncset.done $0x0  }
0x12: {  	[sflag:s7] =	ssyncadd.s32 $0xFFFFFF70  }
0x13: {  	v3 =	vld [tilespmem:$0x0];
	_ =	sdelay $0x4  }
0x14: {  	v4 =	vshll.u32 v3, $0x1  }
0x15: {  	v3 =	vand.u32 $0x7, v3;
	v4 =	vand.u32 $0xFFFFFFF0, v4  }
0x16: {  	v3 =	vor.u32 v3, v4  }
0x17: {  	v4 =	vperm.xlane v3, v0;
	_ =	sdelay $0x1  }
0x18: {  	v3 =	vperm.xlane v3, v2;
	v4 =	vadd.s32 v1, v4;
	_ =	sdelay $0x1  }
0x19: {  	v3 =	vadd.s32 v1, v3;
	_ =	sdelay $0x2  }
0x1a: {  	[tilespmem:s8], [sflag:$0x1] =	stream.indirect_vreg.gather [hbm4b:s3+s2], $0x80, v4, vm0, $0xb8;
	[tilespmem:$0x9100] =	vst v63  }
0x1b: {  	_ = 	snop  }
0x1c: {  	[tilespmem:s9], [sflag:$0x1] =	stream.indirect_vreg.gather [hbm4b:s3+s2], $0x80, v3, vm0, $0xb8;
	[tilespmem:$0x9100] =	vst v63  }
0x1d: {  	v3 =	vld [tilespmem:$0x10];
	_ =	sdelay $0x4  }
0x1e: {  	v56 =	vshll.u32 v3, $0x1  }
0x1f: {  	v3 =	vand.u32 $0x7, v3;
	v4 =	vand.u32 $0xFFFFFFF0, v56  }
0x20: {  	v3 =	vor.u32 v3, v4  }
0x21: {  	v4 =	vperm.xlane v3, v0;
	_ =	sdelay $0x1  }
0x22: {  	v3 =	vperm.xlane v3, v2;
	v4 =	vadd.s32 v1, v4;
	_ =	sdelay $0x1  }
0x23: {  	v3 =	vadd.s32 v1, v3;
	_ =	sdelay $0x2  }
0x24: {  	[tilespmem:s10], [sflag:$0x1] =	stream.indirect_vreg.gather [hbm4b:s3+s2], $0x80, v4, vm0, $0xb8;
	[tilespmem:$0x9100] =	vst v63  }
0x25: {  	_ = 	snop  }
0x26: {  	[tilespmem:s11], [sflag:$0x1] =	stream.indirect_vreg.gather [hbm4b:s3+s2], $0x80, v3, vm0, $0xb8;
	[tilespmem:$0x9100] =	vst v63  }
0x27: {  	v3 =	vld [tilespmem:$0x20];
	_ =	sdelay $0x4  }
0x28: {  	v57 =	vshll.u32 v3, $0x1  }
0x29: {  	v3 =	vand.u32 $0x7, v3;
	v4 =	vand.u32 $0xFFFFFFF0, v57  }
0x2a: {  	v3 =	vor.u32 v3, v4  }
0x2b: {  	v4 =	vperm.xlane v3, v0;
	_ =	sdelay $0x1  }
0x2c: {  	v3 =	vperm.xlane v3, v2;
	v4 =	vadd.s32 v1, v4;
	_ =	sdelay $0x1  }
0x2d: {  	v3 =	vadd.s32 v1, v3;
	_ =	sdelay $0x2  }
0x2e: {  	[tilespmem:s12], [sflag:$0x1] =	stream.indirect_vreg.gather [hbm4b:s3+s2], $0x80, v4, vm0, $0xb8;
	[tilespmem:$0x9100] =	vst v63  }
0x2f: {  	_ = 	snop  }
0x30: {  	[tilespmem:s13], [sflag:$0x1] =	stream.indirect_vreg.gather [hbm4b:s3+s2], $0x80, v3, vm0, $0xb8;
	[tilespmem:$0x9100] =	vst v63  }
0x31: {  	v3 =	vld [tilespmem:$0x30];
	_ =	sdelay $0x4  }
0x32: {  	v58 =	vshll.u32 v3, $0x1  }
0x33: {  	v3 =	vand.u32 $0x7, v3;
	v4 =	vand.u32 $0xFFFFFFF0, v58  }
0x34: {  	v3 =	vor.u32 v3, v4  }
0x35: {  	v4 =	vperm.xlane v3, v0;
	_ =	sdelay $0x1  }
0x36: {  	v3 =	vperm.xlane v3, v2;
	v4 =	vadd.s32 v1, v4;
	_ =	sdelay $0x1  }
0x37: {  	v3 =	vadd.s32 v1, v3;
	_ =	sdelay $0x2  }
0x38: {  	[tilespmem:s14], [sflag:$0x1] =	stream.indirect_vreg.gather [hbm4b:s3+s2], $0x80, v4, vm0, $0xb8;
	[tilespmem:$0x9100] =	vst v63  }
0x39: {  	_ = 	snop  }
0x3a: {  	[tilespmem:s15], [sflag:$0x1] =	stream.indirect_vreg.gather [hbm4b:s3+s2], $0x80, v3, vm0, $0xb8;
	[tilespmem:$0x9100] =	vst v63  }
0x3b: {  	v3 =	vld [tilespmem:$0x40];
	_ =	sdelay $0x4  }
0x3c: {  	v59 =	vshll.u32 v3, $0x1  }
0x3d: {  	v3 =	vand.u32 $0x7, v3;
	v4 =	vand.u32 $0xFFFFFFF0, v59  }
0x3e: {  	v3 =	vor.u32 v3, v4  }
0x3f: {  	v4 =	vperm.xlane v3, v0;
	_ =	sdelay $0x1  }
0x40: {  	v3 =	vperm.xlane v3, v2;
	v4 =	vadd.s32 v1, v4;
	_ =	sdelay $0x1  }
0x41: {  	v3 =	vadd.s32 v1, v3;
	_ =	sdelay $0x2  }
0x42: {  	[tilespmem:s16], [sflag:$0x1] =	stream.indirect_vreg.gather [hbm4b:s3+s2], $0x80, v4, vm0, $0xb8;
	[tilespmem:$0x9100] =	vst v63  }
0x43: {  	_ = 	snop  }
0x44: {  	[tilespmem:s17], [sflag:$0x1] =	stream.indirect_vreg.gather [hbm4b:s3+s2], $0x80, v3, vm0, $0xb8;
	[tilespmem:$0x9100] =	vst v63  }
0x45: {  	v3 =	vld [tilespmem:$0x50];
	_ =	sdelay $0x4  }
0x46: {  	v60 =	vshll.u32 v3, $0x1  }
0x47: {  	v3 =	vand.u32 $0x7, v3;
	v4 =	vand.u32 $0xFFFFFFF0, v60  }
0x48: {  	v3 =	vor.u32 v3, v4  }
0x49: {  	v4 =	vperm.xlane v3, v0;
	_ =	sdelay $0x1  }
0x4a: {  	v3 =	vperm.xlane v3, v2;
	v4 =	vadd.s32 v1, v4;
	_ =	sdelay $0x1  }
0x4b: {  	v3 =	vadd.s32 v1, v3;
	_ =	sdelay $0x2  }
0x4c: {  	[tilespmem:s18], [sflag:$0x1] =	stream.indirect_vreg.gather [hbm4b:s3+s2], $0x80, v4, vm0, $0xb8;
	[tilespmem:$0x9100] =	vst v63  }
0x4d: {  	_ = 	snop  }
0x4e: {  	[tilespmem:s19], [sflag:$0x1] =	stream.indirect_vreg.gather [hbm4b:s3+s2], $0x80, v3, vm0, $0xb8;
	[tilespmem:$0x9100] =	vst v63  }
0x4f: {  	v3 =	vld [tilespmem:$0x60];
	_ =	sdelay $0x4  }
0x50: {  	v61 =	vshll.u32 v3, $0x1  }
0x51: {  	v3 =	vand.u32 $0x7, v3;
	v4 =	vand.u32 $0xFFFFFFF0, v61  }
0x52: {  	v3 =	vor.u32 v3, v4  }
0x53: {  	v4 =	vperm.xlane v3, v0;
	_ =	sdelay $0x1  }
0x54: {  	v3 =	vperm.xlane v3, v2;
	v4 =	vadd.s32 v1, v4;
	_ =	sdelay $0x1  }
0x55: {  	v3 =	vadd.s32 v1, v3;
	_ =	sdelay $0x2  }
0x56: {  	[tilespmem:s20], [sflag:$0x1] =	stream.indirect_vreg.gather [hbm4b:s3+s2], $0x80, v4, vm0, $0xb8;
	[tilespmem:$0x9100] =	vst v63  }
0x57: {  	_ = 	snop  }
0x58: {  	[tilespmem:s21], [sflag:$0x1] =	stream.indirect_vreg.gather [hbm4b:s3+s2], $0x80, v3, vm0, $0xb8;
	[tilespmem:$0x9100] =	vst v63  }
0x59: {  	v3 =	vld [tilespmem:$0x70];
	_ =	sdelay $0x4  }
0x5a: {  	v62 =	vshll.u32 v3, $0x1  }
0x5b: {  	v3 =	vand.u32 $0x7, v3;
	v4 =	vand.u32 $0xFFFFFFF0, v62  }
0x5c: {  	v3 =	vor.u32 v3, v4  }
0x5d: {  	v4 =	vperm.xlane v3, v0;
	_ =	sdelay $0x1  }
0x5e: {  	v3 =	vperm.xlane v3, v2;
	v4 =	vadd.s32 v1, v4;
	_ =	sdelay $0x1  }
0x5f: {  	v3 =	vadd.s32 v1, v3;
	_ =	sdelay $0x2  }
0x60: {  	[tilespmem:s22], [sflag:$0x1] =	stream.indirect_vreg.gather [hbm4b:s3+s2], $0x80, v4, vm0, $0xb8;
	[tilespmem:$0x9100] =	vst v63  }
0x61: {  	_ = 	snop  }
0x62: {  	[tilespmem:s23], [sflag:$0x1] =	stream.indirect_vreg.gather [hbm4b:s3+s2], $0x80, v3, vm0, $0xb8;
	[tilespmem:$0x9100] =	vst v63  }
0x63: {  	v3 =	vld [tilespmem:$0x80];
	_ =	sdelay $0x4  }
0x64: {  	v63 =	vshll.u32 v3, $0x1  }
0x65: {  	v3 =	vand.u32 $0x7, v3;
	v4 =	vand.u32 $0xFFFFFFF0, v63  }
0x66: {  	v3 =	vor.u32 v3, v4  }
0x67: {  	v4 =	vperm.xlane v3, v0;
	_ =	sdelay $0x1  }
0x68: {  	v3 =	vperm.xlane v3, v2;
	v4 =	vadd.s32 v1, v4;
	_ =	sdelay $0x1  }
0x69: {  	v3 =	vadd.s32 v1, v3;
	_ =	sdelay $0x2  }
0x6a: {  	[tilespmem:s24], [sflag:$0x1] =	stream.indirect_vreg.gather [hbm4b:s3+s2], $0x80, v4, vm0, $0xb8;
	[tilespmem:$0x9100] =	vst v63  }
0x6b: {  	_ = 	snop  }
0x6c: {  	[tilespmem:s25], [sflag:$0x1] =	stream.indirect_vreg.gather [hbm4b:s3+s2], $0x80, v3, vm0, $0xb8;
	[tilespmem:$0x9100] =	vst v63  }
0x6d: {  	_ =	swait.ge [sflag:s26], $0x9000  }
0x6e: {  	p0 =	sne.s32 s6, $0x1;
	[sflag:s26] =	ssyncset.done $0x0  }
.Ltmp0:
0x6f: {  	[sflag:s26] =	ssyncadd.s32 $0xFFFF7000;
	(pc) =	sbr.rel @p0 .LBB2_1-.Ltmp0, $4  }
0x70: {  	[hbm4b:s5+s2] =	stream.linear.scatter [tilespmem:s8], [sflag:$0x2], $0x9000, $0x38;
	[tilespmem:$0x9100] =	vst v63  }
0x71: {  	_ =	swait.ge [sflag:s7], $0x9000  }
0x72: {  	[sflag:s7] =	ssyncset.done $0x0  }
0x73: {  	s6 =	sadd.s32 $0xFFFFFFFF, s6;
	[sflag:s7] =	ssyncadd.s32 $0xFFFF7000  }
0x74: {  	_ =	sfence.sel $0x180000  }
0x75: {  	[bflag:$0x0] =	sbarrier.arrive $0xFFFF  }
0x76: {  	p0 =	sne.s32 s0, $0x0;
	_ =	strace $0x9000004D  }
0x77: {  	s0 =	sadd.s32 @!p0 $0x100000, s1;
	[bflag:$0x2] =	sbarrier.arrive $0xFFFF  }
0x78: {  	[sflag:s0] =	ssyncadd.tile.s32 @!p0 $0x1;
	_ =	shalt  }
.Lfunc_end2:
_tile_overlayer_lowered:
.L_overlay_start_2:
0x79: {  	(tag) =	ssettag $0x2  }
0x7a: {  	s0 =	rddreg [dreg:$0x0];
	s2 =	stileid.u32  }
0x7b: {  	s1 =	rddreg [dreg:$0x1];
	p0 =	sne.s32 s2, $0x0  }
0x7c: {  	s3 =	rddreg [dreg:$0x2];
	[bflag:$0x3] =	sbarrier.arrive $0xFFFF;
	s2 =	simm.s32 @!p0 $0x1C02  }
0x7d: {  	[timem:s3], [sflag:s2] =	dma.local @!p0 [hbm:s0], s1  }
0x7e: {  	s0 =	simm.s32 @!p0 $0x2  }
0x7f: {  	_ =	swait.ge @!p0 [sflag:s0], s1  }
0x80: {  	s1 =	ssub.s32 @!p0 $0x0, s1;
	[sflag:s0] =	ssyncset.done @!p0 $0x0  }
0x81: {  	[sflag:s0] =	ssyncadd.s32 @!p0 s1  }
0x82: {  	[bflag:$0x3] =	sbarrier.arrive $0xFFFF  }
0x83: {  	_ =	shalt  }

// kernel: kernel.28.cloned.1.call-start
scs
__scs_entry_jumppad:
0x0: {  	(pc) =	sbr.rel $0x88, $3  }
0x1: {  	(tag) =	ssettag $0x0;
	lr =	simm.s32 $0x1  }
0x2: {  	[smem:$0x3F9B] =	sst lr;
	_ =	strace $0xD0000000  }
0x3: {  	_ = 	snop  }
0x4: {  	_ = 	snop  }
0x5: {  	_ = 	snop  }
0x6: {  	_ = 	snop  }
0x7: {  	_ = 	snop  }
__scs_overlays_trampoline_lowered:
0x8: {  	[smem:$0x3FAA] =	sst s0  }
0x9: {  	[smem:$0x3FAB] =	sst s1  }
0xa: {  	[smem:$0x3FAC] =	sst s2  }
0xb: {  	[smem:$0x3FAD] =	sst s3  }
0xc: {  	[smem:$0x3FAE] =	sst s4  }
0xd: {  	[smem:$0x3FAF] =	sst s5  }
0xe: {  	[smem:$0x3FB0] =	sst s6  }
0xf: {  	[smem:$0x3FB1] =	sst s7  }
0x10: {  	[smem:$0x3FB2] =	sst s8  }
0x11: {  	[smem:$0x3FB3] =	sst s9;
	s0 =	simm.s32 @!p0 $0x0  }
0x12: {  	s1 =	sld [smem:$0x3F99];
	s0 =	simm.s32 @p0 $0x1  }
0x13: {  	[smem:$0x3FB4] =	sst s0;
	s0 =	simm.s32 @!p1 $0x0  }
0x14: {  	s2 =	sld [smem:$0x3F98];
	s0 =	simm.s32 @p1 $0x1  }
0x15: {  	[smem:$0x3FB5] =	sst s0;
	s0 =	simm.s32 @!p2 $0x0  }
0x16: {  	s3 =	sld [smem:$0x3FDB];
	s0 =	simm.s32 @p2 $0x1  }
0x17: {  	s4 =	simm.s32 $0x1BF5;
	[smem:$0x3FB7] =	sst s0  }
0x18: {  	s0 =	sld [smem:$0x3F9A];
	_ =	swait.ge [sflag:s4], $0x0  }
0x19: {  	s7 =	sld [smem:$0x3F9B]  }
0x1a: {  	s8 =	sadd.s32 $0xFFFFE003, lr  }
0x1b: {  	s9 =	sadd.s32 $0xFFFFFEF7, lr;
	s5 =	simm.s32 $0xFFFFFFFF;
	p2 =	slt.u32 s8, $0xFFFFF086  }
0x1c: {  	p1 =	slt.u32 s9, $0xF7A;
	s5 =	simm.s32 @!p2 $0x0  }
0x1d: {  	s5 =	simm.s32 @p1 $0x1;
	p0 =	seq.s32 s7, s2  }
0x1e: {  	s7 =	smul.u32 @!p0 $0xF7A, s2;
	p2 =	seq.s32 @!p0 s5, $0x0  }
0x1f: {  	s9 =	smul.u32 $0xF7A, s1;
	s8 =	simm.s32 @!p0 $0x1BF5;
	p2 =	por !p2, p0  }
0x20: {  	[sflag:s8] =	ssyncset.s32 @!p0 $0xFFFFF086;
	s6 =	sadd.s32 @!p0 s3, s7;
	s7 =	simm.s32 @!p0 $0x108  }
0x21: {  	s3 =	sadd.s32 s3, s9;
	s6 =	sadd.s32 @!p0 $0x88, s6;
	s7 =	simm.s32 @p2 $0x1082  }
0x22: {  	[simem:s7], [sflag:s8] =	dma.local @!p0 [hbm:s6], $0xF7A  }
0x23: {  	s9 =	sor.u32 $0xD0000000, s2;
	s6 =	simm.s32 $0x108;
	_ =	swait.ge @!p0 [sflag:s8], $0x0  }
0x24: {  	s3 =	sadd.s32 $0x88, s3;
	s6 =	simm.s32 @!p1 $0x1082;
	[sflag:s4] =	ssyncset.s32 $0xFFFFF086  }
0x25: {  	[simem:s6], [sflag:s4] =	dma.local [hbm:s3], $0xF7A  }
0x26: {  	[smem:$0x3F9B] =	sst s1;
	(tag) =	ssettag s2;
	_ =	strace s9  }
0x27: {  	s1 =	sld [smem:$0x3FAB]  }
0x28: {  	s2 =	sld [smem:$0x3FAC]  }
0x29: {  	s4 =	sld [smem:$0x3FAE]  }
0x2a: {  	p0 =	seq.s32 s5, $0x0;
	s5 =	sld [smem:$0x3FAF]  }
0x2b: {  	s6 =	sld [smem:$0x3FB0]  }
0x2c: {  	s7 =	sld [smem:$0x3FB1]  }
0x2d: {  	s3 =	simm.s32 $0x108;
	s8 =	sld [smem:$0x3FB2]  }
0x2e: {  	s3 =	simm.s32 @!p0 $0x1082;
	s9 =	sld [smem:$0x3FB3]  }
0x2f: {  	lr =	sadd.s32 s0, s3;
	s0 =	sld [smem:$0x3FAA]  }
0x30: {  	s3 =	sld [smem:$0x3FAD]  }
0x31: {  	[smem:$0x3FB6] =	sst s10  }
0x32: {  	s10 =	sld [smem:$0x3FB4];
	_ =	sdelay $0x3  }
0x33: {  	p0 =	seq.s32 s10, $0x1;
	s10 =	sld [smem:$0x3FB6];
	_ =	sdelay $0x3  }
0x34: {  	[smem:$0x3FB6] =	sst s10  }
0x35: {  	s10 =	sld [smem:$0x3FB5];
	_ =	sdelay $0x3  }
0x36: {  	p1 =	seq.s32 s10, $0x1;
	s10 =	sld [smem:$0x3FB6];
	_ =	sdelay $0x3  }
0x37: {  	[smem:$0x3FB6] =	sst s10  }
0x38: {  	s10 =	sld [smem:$0x3FB7]  }
0x39: {  	_ = 	snop;
	(pc) =	sbr.ind lr, $3  }
0x3a: {  	_ = 	snop  }
0x3b: {  	_ = 	snop  }
0x3c: {  	p2 =	seq.s32 s10, $0x1;
	s10 =	sld [smem:$0x3FB6]  }
0x3d: {  	_ =	shalt  }
0x3e: {  	_ =	shalt  }
0x3f: {  	_ =	shalt  }
0x40: {  	_ =	shalt  }
0x41: {  	_ =	shalt  }
0x42: {  	_ =	shalt  }
0x43: {  	_ =	shalt  }
0x44: {  	_ =	shalt  }
0x45: {  	_ =	shalt  }
0x46: {  	_ =	shalt  }
0x47: {  	_ =	shalt  }
0x48: {  	_ =	shalt  }
0x49: {  	_ =	shalt  }
0x4a: {  	_ =	shalt  }
0x4b: {  	_ =	shalt  }
0x4c: {  	_ =	shalt  }
0x4d: {  	_ =	shalt  }
0x4e: {  	_ =	shalt  }
0x4f: {  	_ =	shalt  }
0x50: {  	_ =	shalt  }
0x51: {  	_ =	shalt  }
0x52: {  	_ =	shalt  }
0x53: {  	_ =	shalt  }
0x54: {  	_ =	shalt  }
0x55: {  	_ =	shalt  }
0x56: {  	_ =	shalt  }
0x57: {  	_ =	shalt  }
0x58: {  	_ =	shalt  }
0x59: {  	_ =	shalt  }
0x5a: {  	_ =	shalt  }
0x5b: {  	_ =	shalt  }
0x5c: {  	_ =	shalt  }
0x5d: {  	_ =	shalt  }
0x5e: {  	_ =	shalt  }
0x5f: {  	_ =	shalt  }
0x60: {  	_ =	shalt  }
0x61: {  	_ =	shalt  }
0x62: {  	_ =	shalt  }
0x63: {  	_ =	shalt  }
0x64: {  	_ =	shalt  }
0x65: {  	_ =	shalt  }
0x66: {  	_ =	shalt  }
0x67: {  	_ =	shalt  }
0x68: {  	_ =	shalt  }
0x69: {  	_ =	shalt  }
0x6a: {  	_ =	shalt  }
0x6b: {  	_ =	shalt  }
0x6c: {  	_ =	shalt  }
0x6d: {  	_ =	shalt  }
0x6e: {  	_ =	shalt  }
0x6f: {  	_ =	shalt  }
0x70: {  	_ =	shalt  }
0x71: {  	_ =	shalt  }
0x72: {  	_ =	shalt  }
0x73: {  	_ =	shalt  }
0x74: {  	_ =	shalt  }
0x75: {  	_ =	shalt  }
0x76: {  	_ =	shalt  }
0x77: {  	_ =	shalt  }
0x78: {  	_ =	shalt  }
0x79: {  	_ =	shalt  }
0x7a: {  	_ =	shalt  }
0x7b: {  	_ =	shalt  }
0x7c: {  	_ =	shalt  }
0x7d: {  	_ =	shalt  }
0x7e: {  	_ =	shalt  }
0x7f: {  	_ =	shalt  }
0x80: {  	_ =	shalt  }
0x81: {  	_ =	shalt  }
0x82: {  	_ =	shalt  }
0x83: {  	_ =	shalt  }
0x84: {  	_ =	shalt  }
0x85: {  	_ =	shalt  }
0x86: {  	_ =	shalt  }
0x87: {  	_ =	shalt  }
.Lfunc_end0:
.L_simem_size_0:
called_computation.3_lowered:
.L_overlay_start_0:
0x88: {  	s2 =	sld [smem:$0x3FD9]  }
0x89: {  	s3 =	sld [smem:$0x3FFE];
	_ =	sdelay $0x1  }
0x8a: {  	s1 =	srdreg.scid  }
0x8b: {  	s0 =	sand.u32 $0x1, s1  }
0x8c: {  	s14 =	sshll.u32 s0, $0xA;
	s2 =	sadd.s32 s3, s2  }
0x8d: {  	s2 =	sadd.s32 s2, s14  }
0x8e: {  	[smem:$0x3FC2] =	sst s2  }
0x8f: {  	_ = 	snop  }
0x90: {  	s2 =	sld [smem:$0x3FD0];
	_ =	sdelay $0x2  }
0x91: {  	s15 =	simm.s32 $0xA;
	s4 =	simm.s32 $0x10  }
0x92: {  	[smem:s4], [sflag:s15] =	dma.local [hbm:s2], $0x1  }
0x93: {  	_ =	swait.eq [sflag:s15], $0x1  }
0x94: {  	[sflag:s15] =	ssyncset.done $0x0  }
0x95: {  	[sflag:s15] =	ssyncadd.s32 $0xFFFFFFFF  }
0x96: {  	s16 =	sld [smem:$0x10];
	(tm) =	ssettm $0x1  }
0x97: {  	s17 =	sld [smem:$0x3FFB];
	_ =	sdelay $0x3  }
0x98: {  	_ =	strace s17  }
0x99: {  	s3 =	sld [smem:$0x3FFC];
	_ =	sdelay $0x3  }
0x9a: {  	_ =	strace s3  }
0x9b: {  	s3 =	sld [smem:$0x3FFD];
	_ =	sdelay $0x3  }
0x9c: {  	_ =	strace s3  }
0x9d: {  	_ =	strace $0x8FFFFFFF  }
0x9e: {  	s18 =	sld [smem:$0x3FDB];
	_ =	sdelay $0x1  }
0x9f: {  	s19 =	simm.s32 $_scs_section_size  }
0xa0: {  	s5 =	simm.s32 $_size__tile_overlayer_lowered;
	s6 =	simm.s32 $_tile_overlayer_lowered  }
0xa1: {  	s22 =	simm.s32 $0x1BFF;
	s21 =	sshll.u32 s6, $0x1;
	s3 =	sadd.s32 s19, s18  }
0xa2: {  	s7 =	simm.s32 $0x0;
	s20 =	sshll.u32 s5, $0x1;
	s5 =	sadd.s32 s21, s3  }
0xa3: {  	[timem:s7], [sflag:s22] =	dma.local [hbm:s5], s20  }
0xa4: {  	_ =	swait.ge [sflag:s22], s20  }
0xa5: {  	s4 =	ssub.s32 $0x0, s20;
	[sflag:s22] =	ssyncset.done $0x0  }
0xa6: {  	[sflag:s22] =	ssyncadd.s32 s4;
	_ =	sdelay $0x1  }
0xa7: {  	s23 =	simm.s32 $0x1B8B  }
0xa8: {  	_ =	swait.ge [sflag:s23], $0x1  }
0xa9: {  	[sflag:s23] =	ssyncset.done $0x0  }
0xaa: {  	s25 =	simm.s32 $0x1B8E;
	s24 =	sld [smem:$0x3FFE];
	[sflag:s23] =	ssyncadd.s32 $0xFFFFFFFF  }
0xab: {  	s26 =	simm.s32 $execute0_lowered;
	[smem:$0x3FD2] =	sst s25  }
0xac: {  	s5 =	sshll.u32 s26, $0x1;
	_ =	strace $0x8000004F;
	[dreg:$0x1] =	wrdreg $0xFFFFFFFF  }
0xad: {  	s28 =	simm.s32 $_size_execute0_lowered;
	s3 =	sadd.s32 s3, s5;
	[dreg:$0x0] =	wrdreg $0x0  }
0xae: {  	s5 =	sshll.u32 s28, $0x1;
	[dreg:$0x2] =	wrdreg s3  }
0xaf: {  	[dreg:$0x3] =	wrdreg s5  }
0xb0: {  	[dreg:$0x4] =	wrdreg $0xC0  }
0xb1: {  	_ =	task [dreg:s7], $0x5FFFF  }
0xb2: {  	[dreg:$0x1] =	wrdreg $0xFFFFFFFF  }
0xb3: {  	[dreg:$0x0] =	wrdreg $0x60  }
0xb4: {  	[dreg:$0x2] =	wrdreg s24  }
0xb5: {  	[dreg:$0x3] =	wrdreg s16  }
0xb6: {  	[dreg:$0x4] =	wrdreg $0x9  }
0xb7: {  	_ =	task.clear_ibuf [dreg:s7], $0x5FFFF;
	_ =	strace $0x9000004F  }
0xb8: {  	s29 =	simm.s32 $0x9;
	_ =	strace $0x80000051  }
0xb9: {  	_ =	swait.ge [sflag:s29], $0x1  }
0xba: {  	[sflag:s29] =	ssyncadd.s32 $0xFFFFFFFF  }
0xbb: {  	_ =	strace $0x90000051  }
0xbc: {  	_ =	sfence  }
0xbd: {  	s30 =	sld [smem:$0x0];
	_ =	sdelay $0x2  }
0xbe: {  	s31 =	sshll.u32 s1, $0xD;
	s1 =	sshrl.u32 s1, $0x2  }
0xbf: {  	s3 =	sand.u32 $0x4000, s31;
	s1 =	sadd.s32 s1, s30  }
0xc0: {  	s0 =	sor.u32 s3, s0;
	s1 =	sshll.u32 s1, $0x11  }
0xc1: {  	s0 =	sor.u32 s1, s0  }
0xc2: {  	s0 =	sadd.s32 $0x8F2B, s0  }
0xc3: {  	[sflag:s0] =	ssyncadd.remote.s32 $0x1  }
0xc4: {  	_ =	sfence.sel $0xFFFF  }
0xc5: {  	[dreg:$0x0] =	wrdreg $0xFFFFFFFF;
	(pc) =	sbr.abs _section_cstart, $3  }
0xc6: {  	[dreg:$0x1] =	wrdreg $0xFFFFFFFF  }
0xc7: {  	_ =	task.clear_ibuf [dreg:s7], $0x2FFFF;
	_ =	strace $0x9FFFFFFF  }
0xc8: {  	(tm) =	ssettm $0x7FFFFFFF  }
0xc9: {  	_ =	shalt  }
tec
execute0_lowered:
.L_overlay_start_1:
0x0: {  	(tag) =	ssettag $0x1  }
0x1: {  	s4 =	rddreg [dreg:$0x0];
	s1 =	srdreg.scid  }
0x2: {  	s0 =	stileid.u32;
	s5 =	rddreg [dreg:$0x1];
	s2 =	simm.s32 $0x0  }
0x3: {  	s9 =	simm.s32 $0x900;
	s10 =	simm.s32 $0x1100;
	s11 =	simm.s32 $0x1900  }
0x4: {  	s12 =	simm.s32 $0x2100;
	s13 =	simm.s32 $0x2900;
	s14 =	simm.s32 $0x3100  }
0x5: {  	s15 =	simm.s32 $0x3900;
	s16 =	simm.s32 $0x4100;
	s17 =	simm.s32 $0x4900  }
0x6: {  	s18 =	simm.s32 $0x5100;
	s19 =	simm.s32 $0x5900;
	s20 =	simm.s32 $0x6100  }
0x7: {  	s21 =	simm.s32 $0x6900;
	s22 =	simm.s32 $0x7100;
	s23 =	simm.s32 $0x7900  }
0x8: {  	s24 =	simm.s32 $0x8100;
	s3 =	sand.u32 $0x1, s1;
	s6 =	sshll.u32 s0, $0x1  }
0x9: {  	s25 =	simm.s32 $0x8900;
	s1 =	rddreg [dreg:$0x2];
	s6 =	sor.u32 s3, s6  }
0xa: {  	s26 =	simm.s32 $0x1;
	[smem:$0x7FF] =	sst s2;
	s7 =	smul.u32 $0x12, s6  }
0xb: {  	_ =	strace $0x80000050;
	s8 =	ssub.s32 $0x2, s3;
	s6 =	smul.u32 $0x1200, s6  }
0xc: {  	v2 =	vlaneseq.u32;
	s3 =	sadd.s32 $0x1C000, s4;
	s31 =	sshrl.u32 s8, $0x1;
	s4 =	sadd.s32 s7, s4  }
0xd: {  	vm0 =	vmmov $0xffff;
	v1 =	vshrl.u32 v2, $0x3;
	s7 =	ssub.s32 s8, s31;
	s5 =	sadd.s32 s5, s6;
	s8 =	simm.s32 $0x100  }
0xe: {  	v0 =	vand.u32 $0x7, v2;
	v2 =	vor.u32 $0x8, v2;
	v1 =	vmul.u32 $0x8, v1;
	s4 =	sadd.s32 $0x4800, s4;
	s6 =	smax.u32 s7, $0x1;
	s7 =	simm.s32 $0x2  }
.LBB2_1:
0xf: {  	[tilespmem:s2], [sflag:$0x2] =	stream.linear.gather [hbm4b:s4+s2], $0x90, $0x38;
	[tilespmem:$0x9100] =	vst v63  }
0x10: {  	_ =	swait.ge [sflag:s7], $0x90  }
0x11: {  	[sflag:s7] =	ssyncset.done $0x0  }
0x12: {  	[sflag:s7] =	ssyncadd.s32 $0xFFFFFF70  }
0x13: {  	v3 =	vld [tilespmem:$0x0];
	_ =	sdelay $0x4  }
0x14: {  	v4 =	vshll.u32 v3, $0x1  }
0x15: {  	v3 =	vand.u32 $0x7, v3;
	v4 =	vand.u32 $0xFFFFFFF0, v4  }
0x16: {  	v3 =	vor.u32 v3, v4  }
0x17: {  	v4 =	vperm.xlane v3, v0;
	_ =	sdelay $0x1  }
0x18: {  	v3 =	vperm.xlane v3, v2;
	v4 =	vadd.s32 v1, v4;
	_ =	sdelay $0x1  }
0x19: {  	v3 =	vadd.s32 v1, v3;
	_ =	sdelay $0x2  }
0x1a: {  	[tilespmem:s8], [sflag:$0x1] =	stream.indirect_vreg.gather [hbm4b:s3+s2], $0x80, v4, vm0, $0xb8;
	[tilespmem:$0x9100] =	vst v63  }
0x1b: {  	_ = 	snop  }
0x1c: {  	[tilespmem:s9], [sflag:$0x1] =	stream.indirect_vreg.gather [hbm4b:s3+s2], $0x80, v3, vm0, $0xb8;
	[tilespmem:$0x9100] =	vst v63  }
0x1d: {  	v3 =	vld [tilespmem:$0x10];
	_ =	sdelay $0x4  }
0x1e: {  	v56 =	vshll.u32 v3, $0x1  }
0x1f: {  	v3 =	vand.u32 $0x7, v3;
	v4 =	vand.u32 $0xFFFFFFF0, v56  }
0x20: {  	v3 =	vor.u32 v3, v4  }
0x21: {  	v4 =	vperm.xlane v3, v0;
	_ =	sdelay $0x1  }
0x22: {  	v3 =	vperm.xlane v3, v2;
	v4 =	vadd.s32 v1, v4;
	_ =	sdelay $0x1  }
0x23: {  	v3 =	vadd.s32 v1, v3;
	_ =	sdelay $0x2  }
0x24: {  	[tilespmem:s10], [sflag:$0x1] =	stream.indirect_vreg.gather [hbm4b:s3+s2], $0x80, v4, vm0, $0xb8;
	[tilespmem:$0x9100] =	vst v63  }
0x25: {  	_ = 	snop  }
0x26: {  	[tilespmem:s11], [sflag:$0x1] =	stream.indirect_vreg.gather [hbm4b:s3+s2], $0x80, v3, vm0, $0xb8;
	[tilespmem:$0x9100] =	vst v63  }
0x27: {  	v3 =	vld [tilespmem:$0x20];
	_ =	sdelay $0x4  }
0x28: {  	v57 =	vshll.u32 v3, $0x1  }
0x29: {  	v3 =	vand.u32 $0x7, v3;
	v4 =	vand.u32 $0xFFFFFFF0, v57  }
0x2a: {  	v3 =	vor.u32 v3, v4  }
0x2b: {  	v4 =	vperm.xlane v3, v0;
	_ =	sdelay $0x1  }
0x2c: {  	v3 =	vperm.xlane v3, v2;
	v4 =	vadd.s32 v1, v4;
	_ =	sdelay $0x1  }
0x2d: {  	v3 =	vadd.s32 v1, v3;
	_ =	sdelay $0x2  }
0x2e: {  	[tilespmem:s12], [sflag:$0x1] =	stream.indirect_vreg.gather [hbm4b:s3+s2], $0x80, v4, vm0, $0xb8;
	[tilespmem:$0x9100] =	vst v63  }
0x2f: {  	_ = 	snop  }
0x30: {  	[tilespmem:s13], [sflag:$0x1] =	stream.indirect_vreg.gather [hbm4b:s3+s2], $0x80, v3, vm0, $0xb8;
	[tilespmem:$0x9100] =	vst v63  }
0x31: {  	v3 =	vld [tilespmem:$0x30];
	_ =	sdelay $0x4  }
0x32: {  	v58 =	vshll.u32 v3, $0x1  }
0x33: {  	v3 =	vand.u32 $0x7, v3;
	v4 =	vand.u32 $0xFFFFFFF0, v58  }
0x34: {  	v3 =	vor.u32 v3, v4  }
0x35: {  	v4 =	vperm.xlane v3, v0;
	_ =	sdelay $0x1  }
0x36: {  	v3 =	vperm.xlane v3, v2;
	v4 =	vadd.s32 v1, v4;
	_ =	sdelay $0x1  }
0x37: {  	v3 =	vadd.s32 v1, v3;
	_ =	sdelay $0x2  }
0x38: {  	[tilespmem:s14], [sflag:$0x1] =	stream.indirect_vreg.gather [hbm4b:s3+s2], $0x80, v4, vm0, $0xb8;
	[tilespmem:$0x9100] =	vst v63  }
0x39: {  	_ = 	snop  }
0x3a: {  	[tilespmem:s15], [sflag:$0x1] =	stream.indirect_vreg.gather [hbm4b:s3+s2], $0x80, v3, vm0, $0xb8;
	[tilespmem:$0x9100] =	vst v63  }
0x3b: {  	v3 =	vld [tilespmem:$0x40];
	_ =	sdelay $0x4  }
0x3c: {  	v59 =	vshll.u32 v3, $0x1  }
0x3d: {  	v3 =	vand.u32 $0x7, v3;
	v4 =	vand.u32 $0xFFFFFFF0, v59  }
0x3e: {  	v3 =	vor.u32 v3, v4  }
0x3f: {  	v4 =	vperm.xlane v3, v0;
	_ =	sdelay $0x1  }
0x40: {  	v3 =	vperm.xlane v3, v2;
	v4 =	vadd.s32 v1, v4;
	_ =	sdelay $0x1  }
0x41: {  	v3 =	vadd.s32 v1, v3;
	_ =	sdelay $0x2  }
0x42: {  	[tilespmem:s16], [sflag:$0x1] =	stream.indirect_vreg.gather [hbm4b:s3+s2], $0x80, v4, vm0, $0xb8;
	[tilespmem:$0x9100] =	vst v63  }
0x43: {  	_ = 	snop  }
0x44: {  	[tilespmem:s17], [sflag:$0x1] =	stream.indirect_vreg.gather [hbm4b:s3+s2], $0x80, v3, vm0, $0xb8;
	[tilespmem:$0x9100] =	vst v63  }
0x45: {  	v3 =	vld [tilespmem:$0x50];
	_ =	sdelay $0x4  }
0x46: {  	v60 =	vshll.u32 v3, $0x1  }
0x47: {  	v3 =	vand.u32 $0x7, v3;
	v4 =	vand.u32 $0xFFFFFFF0, v60  }
0x48: {  	v3 =	vor.u32 v3, v4  }
0x49: {  	v4 =	vperm.xlane v3, v0;
	_ =	sdelay $0x1  }
0x4a: {  	v3 =	vperm.xlane v3, v2;
	v4 =	vadd.s32 v1, v4;
	_ =	sdelay $0x1  }
0x4b: {  	v3 =	vadd.s32 v1, v3;
	_ =	sdelay $0x2  }
0x4c: {  	[tilespmem:s18], [sflag:$0x1] =	stream.indirect_vreg.gather [hbm4b:s3+s2], $0x80, v4, vm0, $0xb8;
	[tilespmem:$0x9100] =	vst v63  }
0x4d: {  	_ = 	snop  }
0x4e: {  	[tilespmem:s19], [sflag:$0x1] =	stream.indirect_vreg.gather [hbm4b:s3+s2], $0x80, v3, vm0, $0xb8;
	[tilespmem:$0x9100] =	vst v63  }
0x4f: {  	v3 =	vld [tilespmem:$0x60];
	_ =	sdelay $0x4  }
0x50: {  	v61 =	vshll.u32 v3, $0x1  }
0x51: {  	v3 =	vand.u32 $0x7, v3;
	v4 =	vand.u32 $0xFFFFFFF0, v61  }
0x52: {  	v3 =	vor.u32 v3, v4  }
0x53: {  	v4 =	vperm.xlane v3, v0;
	_ =	sdelay $0x1  }
0x54: {  	v3 =	vperm.xlane v3, v2;
	v4 =	vadd.s32 v1, v4;
	_ =	sdelay $0x1  }
0x55: {  	v3 =	vadd.s32 v1, v3;
	_ =	sdelay $0x2  }
0x56: {  	[tilespmem:s20], [sflag:$0x1] =	stream.indirect_vreg.gather [hbm4b:s3+s2], $0x80, v4, vm0, $0xb8;
	[tilespmem:$0x9100] =	vst v63  }
0x57: {  	_ = 	snop  }
0x58: {  	[tilespmem:s21], [sflag:$0x1] =	stream.indirect_vreg.gather [hbm4b:s3+s2], $0x80, v3, vm0, $0xb8;
	[tilespmem:$0x9100] =	vst v63  }
0x59: {  	v3 =	vld [tilespmem:$0x70];
	_ =	sdelay $0x4  }
0x5a: {  	v62 =	vshll.u32 v3, $0x1  }
0x5b: {  	v3 =	vand.u32 $0x7, v3;
	v4 =	vand.u32 $0xFFFFFFF0, v62  }
0x5c: {  	v3 =	vor.u32 v3, v4  }
0x5d: {  	v4 =	vperm.xlane v3, v0;
	_ =	sdelay $0x1  }
0x5e: {  	v3 =	vperm.xlane v3, v2;
	v4 =	vadd.s32 v1, v4;
	_ =	sdelay $0x1  }
0x5f: {  	v3 =	vadd.s32 v1, v3;
	_ =	sdelay $0x2  }
0x60: {  	[tilespmem:s22], [sflag:$0x1] =	stream.indirect_vreg.gather [hbm4b:s3+s2], $0x80, v4, vm0, $0xb8;
	[tilespmem:$0x9100] =	vst v63  }
0x61: {  	_ = 	snop  }
0x62: {  	[tilespmem:s23], [sflag:$0x1] =	stream.indirect_vreg.gather [hbm4b:s3+s2], $0x80, v3, vm0, $0xb8;
	[tilespmem:$0x9100] =	vst v63  }
0x63: {  	v3 =	vld [tilespmem:$0x80];
	_ =	sdelay $0x4  }
0x64: {  	v63 =	vshll.u32 v3, $0x1  }
0x65: {  	v3 =	vand.u32 $0x7, v3;
	v4 =	vand.u32 $0xFFFFFFF0, v63  }
0x66: {  	v3 =	vor.u32 v3, v4  }
0x67: {  	v4 =	vperm.xlane v3, v0;
	_ =	sdelay $0x1  }
0x68: {  	v3 =	vperm.xlane v3, v2;
	v4 =	vadd.s32 v1, v4;
	_ =	sdelay $0x1  }
0x69: {  	v3 =	vadd.s32 v1, v3;
	_ =	sdelay $0x2  }
0x6a: {  	[tilespmem:s24], [sflag:$0x1] =	stream.indirect_vreg.gather [hbm4b:s3+s2], $0x80, v4, vm0, $0xb8;
	[tilespmem:$0x9100] =	vst v63  }
0x6b: {  	_ = 	snop  }
0x6c: {  	[tilespmem:s25], [sflag:$0x1] =	stream.indirect_vreg.gather [hbm4b:s3+s2], $0x80, v3, vm0, $0xb8;
	[tilespmem:$0x9100] =	vst v63  }
0x6d: {  	_ =	swait.ge [sflag:s26], $0x9000  }
0x6e: {  	p0 =	sne.s32 s6, $0x1;
	[sflag:s26] =	ssyncset.done $0x0  }
.Ltmp0:
0x6f: {  	[sflag:s26] =	ssyncadd.s32 $0xFFFF7000;
	(pc) =	sbr.rel @p0 .LBB2_1-.Ltmp0, $4  }
0x70: {  	[hbm4b:s5+s2] =	stream.linear.scatter [tilespmem:s8], [sflag:$0x2], $0x9000, $0x38;
	[tilespmem:$0x9100] =	vst v63  }
0x71: {  	_ =	swait.ge [sflag:s7], $0x9000  }
0x72: {  	[sflag:s7] =	ssyncset.done $0x0  }
0x73: {  	s6 =	sadd.s32 $0xFFFFFFFF, s6;
	[sflag:s7] =	ssyncadd.s32 $0xFFFF7000  }
0x74: {  	_ =	sfence.sel $0x180000  }
0x75: {  	[bflag:$0x0] =	sbarrier.arrive $0xFFFF  }
0x76: {  	p0 =	sne.s32 s0, $0x0;
	_ =	strace $0x90000050  }
0x77: {  	s0 =	sadd.s32 @!p0 $0x100000, s1;
	[bflag:$0x2] =	sbarrier.arrive $0xFFFF  }
0x78: {  	[sflag:s0] =	ssyncadd.tile.s32 @!p0 $0x1;
	_ =	shalt  }
.Lfunc_end2:
_tile_overlayer_lowered:
.L_overlay_start_2:
0x79: {  	(tag) =	ssettag $0x2  }
0x7a: {  	s0 =	rddreg [dreg:$0x0];
	s2 =	stileid.u32  }
0x7b: {  	s1 =	rddreg [dreg:$0x1];
	p0 =	sne.s32 s2, $0x0  }
0x7c: {  	s3 =	rddreg [dreg:$0x2];
	[bflag:$0x3] =	sbarrier.arrive $0xFFFF;
	s2 =	simm.s32 @!p0 $0x1C02  }
0x7d: {  	[timem:s3], [sflag:s2] =	dma.local @!p0 [hbm:s0], s1  }
0x7e: {  	s0 =	simm.s32 @!p0 $0x2  }
0x7f: {  	_ =	swait.ge @!p0 [sflag:s0], s1  }
0x80: {  	s1 =	ssub.s32 @!p0 $0x0, s1;
	[sflag:s0] =	ssyncset.done @!p0 $0x0  }
0x81: {  	[sflag:s0] =	ssyncadd.s32 @!p0 s1  }
0x82: {  	[bflag:$0x3] =	sbarrier.arrive $0xFFFF  }
0x83: {  	_ =	shalt  }

// kernel: kernel.31.cloned.1.call-start
scs
__scs_entry_jumppad:
0x0: {  	(pc) =	sbr.rel $0x88, $3  }
0x1: {  	(tag) =	ssettag $0x0;
	lr =	simm.s32 $0x1  }
0x2: {  	[smem:$0x3F9B] =	sst lr;
	_ =	strace $0xD0000000  }
0x3: {  	_ = 	snop  }
0x4: {  	_ = 	snop  }
0x5: {  	_ = 	snop  }
0x6: {  	_ = 	snop  }
0x7: {  	_ = 	snop  }
__scs_overlays_trampoline_lowered:
0x8: {  	[smem:$0x3FAA] =	sst s0  }
0x9: {  	[smem:$0x3FAB] =	sst s1  }
0xa: {  	[smem:$0x3FAC] =	sst s2  }
0xb: {  	[smem:$0x3FAD] =	sst s3  }
0xc: {  	[smem:$0x3FAE] =	sst s4  }
0xd: {  	[smem:$0x3FAF] =	sst s5  }
0xe: {  	[smem:$0x3FB0] =	sst s6  }
0xf: {  	[smem:$0x3FB1] =	sst s7  }
0x10: {  	[smem:$0x3FB2] =	sst s8  }
0x11: {  	[smem:$0x3FB3] =	sst s9;
	s0 =	simm.s32 @!p0 $0x0  }
0x12: {  	s1 =	sld [smem:$0x3F99];
	s0 =	simm.s32 @p0 $0x1  }
0x13: {  	[smem:$0x3FB4] =	sst s0;
	s0 =	simm.s32 @!p1 $0x0  }
0x14: {  	s2 =	sld [smem:$0x3F98];
	s0 =	simm.s32 @p1 $0x1  }
0x15: {  	[smem:$0x3FB5] =	sst s0;
	s0 =	simm.s32 @!p2 $0x0  }
0x16: {  	s3 =	sld [smem:$0x3FDB];
	s0 =	simm.s32 @p2 $0x1  }
0x17: {  	s4 =	simm.s32 $0x1BF5;
	[smem:$0x3FB7] =	sst s0  }
0x18: {  	s0 =	sld [smem:$0x3F9A];
	_ =	swait.ge [sflag:s4], $0x0  }
0x19: {  	s7 =	sld [smem:$0x3F9B]  }
0x1a: {  	s8 =	sadd.s32 $0xFFFFE003, lr  }
0x1b: {  	s9 =	sadd.s32 $0xFFFFFEF7, lr;
	s5 =	simm.s32 $0xFFFFFFFF;
	p2 =	slt.u32 s8, $0xFFFFF086  }
0x1c: {  	p1 =	slt.u32 s9, $0xF7A;
	s5 =	simm.s32 @!p2 $0x0  }
0x1d: {  	s5 =	simm.s32 @p1 $0x1;
	p0 =	seq.s32 s7, s2  }
0x1e: {  	s7 =	smul.u32 @!p0 $0xF7A, s2;
	p2 =	seq.s32 @!p0 s5, $0x0  }
0x1f: {  	s9 =	smul.u32 $0xF7A, s1;
	s8 =	simm.s32 @!p0 $0x1BF5;
	p2 =	por !p2, p0  }
0x20: {  	[sflag:s8] =	ssyncset.s32 @!p0 $0xFFFFF086;
	s6 =	sadd.s32 @!p0 s3, s7;
	s7 =	simm.s32 @!p0 $0x108  }
0x21: {  	s3 =	sadd.s32 s3, s9;
	s6 =	sadd.s32 @!p0 $0x88, s6;
	s7 =	simm.s32 @p2 $0x1082  }
0x22: {  	[simem:s7], [sflag:s8] =	dma.local @!p0 [hbm:s6], $0xF7A  }
0x23: {  	s9 =	sor.u32 $0xD0000000, s2;
	s6 =	simm.s32 $0x108;
	_ =	swait.ge @!p0 [sflag:s8], $0x0  }
0x24: {  	s3 =	sadd.s32 $0x88, s3;
	s6 =	simm.s32 @!p1 $0x1082;
	[sflag:s4] =	ssyncset.s32 $0xFFFFF086  }
0x25: {  	[simem:s6], [sflag:s4] =	dma.local [hbm:s3], $0xF7A  }
0x26: {  	[smem:$0x3F9B] =	sst s1;
	(tag) =	ssettag s2;
	_ =	strace s9  }
0x27: {  	s1 =	sld [smem:$0x3FAB]  }
0x28: {  	s2 =	sld [smem:$0x3FAC]  }
0x29: {  	s4 =	sld [smem:$0x3FAE]  }
0x2a: {  	p0 =	seq.s32 s5, $0x0;
	s5 =	sld [smem:$0x3FAF]  }
0x2b: {  	s6 =	sld [smem:$0x3FB0]  }
0x2c: {  	s7 =	sld [smem:$0x3FB1]  }
0x2d: {  	s3 =	simm.s32 $0x108;
	s8 =	sld [smem:$0x3FB2]  }
0x2e: {  	s3 =	simm.s32 @!p0 $0x1082;
	s9 =	sld [smem:$0x3FB3]  }
0x2f: {  	lr =	sadd.s32 s0, s3;
	s0 =	sld [smem:$0x3FAA]  }
0x30: {  	s3 =	sld [smem:$0x3FAD]  }
0x31: {  	[smem:$0x3FB6] =	sst s10  }
0x32: {  	s10 =	sld [smem:$0x3FB4];
	_ =	sdelay $0x3  }
0x33: {  	p0 =	seq.s32 s10, $0x1;
	s10 =	sld [smem:$0x3FB6];
	_ =	sdelay $0x3  }
0x34: {  	[smem:$0x3FB6] =	sst s10  }
0x35: {  	s10 =	sld [smem:$0x3FB5];
	_ =	sdelay $0x3  }
0x36: {  	p1 =	seq.s32 s10, $0x1;
	s10 =	sld [smem:$0x3FB6];
	_ =	sdelay $0x3  }
0x37: {  	[smem:$0x3FB6] =	sst s10  }
0x38: {  	s10 =	sld [smem:$0x3FB7]  }
0x39: {  	_ = 	snop;
	(pc) =	sbr.ind lr, $3  }
0x3a: {  	_ = 	snop  }
0x3b: {  	_ = 	snop  }
0x3c: {  	p2 =	seq.s32 s10, $0x1;
	s10 =	sld [smem:$0x3FB6]  }
0x3d: {  	_ =	shalt  }
0x3e: {  	_ =	shalt  }
0x3f: {  	_ =	shalt  }
0x40: {  	_ =	shalt  }
0x41: {  	_ =	shalt  }
0x42: {  	_ =	shalt  }
0x43: {  	_ =	shalt  }
0x44: {  	_ =	shalt  }
0x45: {  	_ =	shalt  }
0x46: {  	_ =	shalt  }
0x47: {  	_ =	shalt  }
0x48: {  	_ =	shalt  }
0x49: {  	_ =	shalt  }
0x4a: {  	_ =	shalt  }
0x4b: {  	_ =	shalt  }
0x4c: {  	_ =	shalt  }
0x4d: {  	_ =	shalt  }
0x4e: {  	_ =	shalt  }
0x4f: {  	_ =	shalt  }
0x50: {  	_ =	shalt  }
0x51: {  	_ =	shalt  }
0x52: {  	_ =	shalt  }
0x53: {  	_ =	shalt  }
0x54: {  	_ =	shalt  }
0x55: {  	_ =	shalt  }
0x56: {  	_ =	shalt  }
0x57: {  	_ =	shalt  }
0x58: {  	_ =	shalt  }
0x59: {  	_ =	shalt  }
0x5a: {  	_ =	shalt  }
0x5b: {  	_ =	shalt  }
0x5c: {  	_ =	shalt  }
0x5d: {  	_ =	shalt  }
0x5e: {  	_ =	shalt  }
0x5f: {  	_ =	shalt  }
0x60: {  	_ =	shalt  }
0x61: {  	_ =	shalt  }
0x62: {  	_ =	shalt  }
0x63: {  	_ =	shalt  }
0x64: {  	_ =	shalt  }
0x65: {  	_ =	shalt  }
0x66: {  	_ =	shalt  }
0x67: {  	_ =	shalt  }
0x68: {  	_ =	shalt  }
0x69: {  	_ =	shalt  }
0x6a: {  	_ =	shalt  }
0x6b: {  	_ =	shalt  }
0x6c: {  	_ =	shalt  }
0x6d: {  	_ =	shalt  }
0x6e: {  	_ =	shalt  }
0x6f: {  	_ =	shalt  }
0x70: {  	_ =	shalt  }
0x71: {  	_ =	shalt  }
0x72: {  	_ =	shalt  }
0x73: {  	_ =	shalt  }
0x74: {  	_ =	shalt  }
0x75: {  	_ =	shalt  }
0x76: {  	_ =	shalt  }
0x77: {  	_ =	shalt  }
0x78: {  	_ =	shalt  }
0x79: {  	_ =	shalt  }
0x7a: {  	_ =	shalt  }
0x7b: {  	_ =	shalt  }
0x7c: {  	_ =	shalt  }
0x7d: {  	_ =	shalt  }
0x7e: {  	_ =	shalt  }
0x7f: {  	_ =	shalt  }
0x80: {  	_ =	shalt  }
0x81: {  	_ =	shalt  }
0x82: {  	_ =	shalt  }
0x83: {  	_ =	shalt  }
0x84: {  	_ =	shalt  }
0x85: {  	_ =	shalt  }
0x86: {  	_ =	shalt  }
0x87: {  	_ =	shalt  }
.Lfunc_end0:
.L_simem_size_0:
called_computation.4_lowered:
.L_overlay_start_0:
0x88: {  	s2 =	sld [smem:$0x3FD9]  }
0x89: {  	s3 =	sld [smem:$0x3FFE];
	_ =	sdelay $0x1  }
0x8a: {  	s1 =	srdreg.scid  }
0x8b: {  	s0 =	sand.u32 $0x1, s1  }
0x8c: {  	s14 =	sshll.u32 s0, $0xA;
	s2 =	sadd.s32 s3, s2  }
0x8d: {  	s2 =	sadd.s32 s2, s14  }
0x8e: {  	[smem:$0x3FC2] =	sst s2  }
0x8f: {  	_ = 	snop  }
0x90: {  	s2 =	sld [smem:$0x3FD0];
	_ =	sdelay $0x2  }
0x91: {  	s15 =	simm.s32 $0xA;
	s4 =	simm.s32 $0x10  }
0x92: {  	[smem:s4], [sflag:s15] =	dma.local [hbm:s2], $0x1  }
0x93: {  	_ =	swait.eq [sflag:s15], $0x1  }
0x94: {  	[sflag:s15] =	ssyncset.done $0x0  }
0x95: {  	[sflag:s15] =	ssyncadd.s32 $0xFFFFFFFF  }
0x96: {  	s16 =	sld [smem:$0x10];
	(tm) =	ssettm $0x1  }
0x97: {  	s17 =	sld [smem:$0x3FFB];
	_ =	sdelay $0x3  }
0x98: {  	_ =	strace s17  }
0x99: {  	s3 =	sld [smem:$0x3FFC];
	_ =	sdelay $0x3  }
0x9a: {  	_ =	strace s3  }
0x9b: {  	s3 =	sld [smem:$0x3FFD];
	_ =	sdelay $0x3  }
0x9c: {  	_ =	strace s3  }
0x9d: {  	_ =	strace $0x8FFFFFFF  }
0x9e: {  	s18 =	sld [smem:$0x3FDB];
	_ =	sdelay $0x1  }
0x9f: {  	s19 =	simm.s32 $_scs_section_size  }
0xa0: {  	s5 =	simm.s32 $_size__tile_overlayer_lowered;
	s6 =	simm.s32 $_tile_overlayer_lowered  }
0xa1: {  	s22 =	simm.s32 $0x1BFF;
	s21 =	sshll.u32 s6, $0x1;
	s3 =	sadd.s32 s19, s18  }
0xa2: {  	s7 =	simm.s32 $0x0;
	s20 =	sshll.u32 s5, $0x1;
	s5 =	sadd.s32 s21, s3  }
0xa3: {  	[timem:s7], [sflag:s22] =	dma.local [hbm:s5], s20  }
0xa4: {  	_ =	swait.ge [sflag:s22], s20  }
0xa5: {  	s4 =	ssub.s32 $0x0, s20;
	[sflag:s22] =	ssyncset.done $0x0  }
0xa6: {  	[sflag:s22] =	ssyncadd.s32 s4;
	_ =	sdelay $0x1  }
0xa7: {  	s23 =	simm.s32 $0x1B8B  }
0xa8: {  	_ =	swait.ge [sflag:s23], $0x1  }
0xa9: {  	[sflag:s23] =	ssyncset.done $0x0  }
0xaa: {  	s25 =	simm.s32 $0x1B8E;
	s24 =	sld [smem:$0x3FFE];
	[sflag:s23] =	ssyncadd.s32 $0xFFFFFFFF  }
0xab: {  	s26 =	simm.s32 $execute0_lowered;
	[smem:$0x3FD2] =	sst s25  }
0xac: {  	s5 =	sshll.u32 s26, $0x1;
	_ =	strace $0x80000052;
	[dreg:$0x1] =	wrdreg $0xFFFFFFFF  }
0xad: {  	s28 =	simm.s32 $_size_execute0_lowered;
	s3 =	sadd.s32 s3, s5;
	[dreg:$0x0] =	wrdreg $0x0  }
0xae: {  	s5 =	sshll.u32 s28, $0x1;
	[dreg:$0x2] =	wrdreg s3  }
0xaf: {  	[dreg:$0x3] =	wrdreg s5  }
0xb0: {  	[dreg:$0x4] =	wrdreg $0xC0  }
0xb1: {  	_ =	task [dreg:s7], $0x5FFFF  }
0xb2: {  	[dreg:$0x1] =	wrdreg $0xFFFFFFFF  }
0xb3: {  	[dreg:$0x0] =	wrdreg $0x60  }
0xb4: {  	[dreg:$0x2] =	wrdreg s24  }
0xb5: {  	[dreg:$0x3] =	wrdreg s16  }
0xb6: {  	[dreg:$0x4] =	wrdreg $0x9  }
0xb7: {  	_ =	task.clear_ibuf [dreg:s7], $0x5FFFF;
	_ =	strace $0x90000052  }
0xb8: {  	s29 =	simm.s32 $0x9;
	_ =	strace $0x80000054  }
0xb9: {  	_ =	swait.ge [sflag:s29], $0x1  }
0xba: {  	[sflag:s29] =	ssyncadd.s32 $0xFFFFFFFF  }
0xbb: {  	_ =	strace $0x90000054  }
0xbc: {  	_ =	sfence  }
0xbd: {  	s30 =	sld [smem:$0x0];
	_ =	sdelay $0x2  }
0xbe: {  	s31 =	sshll.u32 s1, $0xD;
	s1 =	sshrl.u32 s1, $0x2  }
0xbf: {  	s3 =	sand.u32 $0x4000, s31;
	s1 =	sadd.s32 s1, s30  }
0xc0: {  	s0 =	sor.u32 s3, s0;
	s1 =	sshll.u32 s1, $0x11  }
0xc1: {  	s0 =	sor.u32 s1, s0  }
0xc2: {  	s0 =	sadd.s32 $0x8F2B, s0  }
0xc3: {  	[sflag:s0] =	ssyncadd.remote.s32 $0x1  }
0xc4: {  	_ =	sfence.sel $0xFFFF  }
0xc5: {  	[dreg:$0x0] =	wrdreg $0xFFFFFFFF;
	(pc) =	sbr.abs _section_cstart, $3  }
0xc6: {  	[dreg:$0x1] =	wrdreg $0xFFFFFFFF  }
0xc7: {  	_ =	task.clear_ibuf [dreg:s7], $0x2FFFF;
	_ =	strace $0x9FFFFFFF  }
0xc8: {  	(tm) =	ssettm $0x7FFFFFFF  }
0xc9: {  	_ =	shalt  }
tec
execute0_lowered:
.L_overlay_start_1:
0x0: {  	(tag) =	ssettag $0x1  }
0x1: {  	s4 =	rddreg [dreg:$0x0];
	s1 =	srdreg.scid  }
0x2: {  	s0 =	stileid.u32;
	s5 =	rddreg [dreg:$0x1];
	s2 =	simm.s32 $0x0  }
0x3: {  	s9 =	simm.s32 $0x900;
	s10 =	simm.s32 $0x1100;
	s11 =	simm.s32 $0x1900  }
0x4: {  	s12 =	simm.s32 $0x2100;
	s13 =	simm.s32 $0x2900;
	s14 =	simm.s32 $0x3100  }
0x5: {  	s15 =	simm.s32 $0x3900;
	s16 =	simm.s32 $0x4100;
	s17 =	simm.s32 $0x4900  }
0x6: {  	s18 =	simm.s32 $0x5100;
	s19 =	simm.s32 $0x5900;
	s20 =	simm.s32 $0x6100  }
0x7: {  	s21 =	simm.s32 $0x6900;
	s22 =	simm.s32 $0x7100;
	s23 =	simm.s32 $0x7900  }
0x8: {  	s24 =	simm.s32 $0x8100;
	s3 =	sand.u32 $0x1, s1;
	s6 =	sshll.u32 s0, $0x1  }
0x9: {  	s25 =	simm.s32 $0x8900;
	s1 =	rddreg [dreg:$0x2];
	s6 =	sor.u32 s3, s6  }
0xa: {  	s26 =	simm.s32 $0x1;
	[smem:$0x7FF] =	sst s2;
	s7 =	smul.u32 $0x12, s6  }
0xb: {  	_ =	strace $0x80000053;
	s8 =	ssub.s32 $0x2, s3;
	s6 =	smul.u32 $0x1200, s6  }
0xc: {  	v2 =	vlaneseq.u32;
	s3 =	sadd.s32 $0x24000, s4;
	s31 =	sshrl.u32 s8, $0x1;
	s4 =	sadd.s32 s7, s4  }
0xd: {  	vm0 =	vmmov $0xffff;
	v1 =	vshrl.u32 v2, $0x3;
	s7 =	ssub.s32 s8, s31;
	s5 =	sadd.s32 s5, s6;
	s8 =	simm.s32 $0x100  }
0xe: {  	v0 =	vand.u32 $0x7, v2;
	v2 =	vor.u32 $0x8, v2;
	v1 =	vmul.u32 $0x8, v1;
	s4 =	sadd.s32 $0x4C00, s4;
	s6 =	smax.u32 s7, $0x1;
	s7 =	simm.s32 $0x2  }
.LBB2_1:
0xf: {  	[tilespmem:s2], [sflag:$0x2] =	stream.linear.gather [hbm4b:s4+s2], $0x90, $0x38;
	[tilespmem:$0x9100] =	vst v63  }
0x10: {  	_ =	swait.ge [sflag:s7], $0x90  }
0x11: {  	[sflag:s7] =	ssyncset.done $0x0  }
0x12: {  	[sflag:s7] =	ssyncadd.s32 $0xFFFFFF70  }
0x13: {  	v3 =	vld [tilespmem:$0x0];
	_ =	sdelay $0x4  }
0x14: {  	v4 =	vshll.u32 v3, $0x1  }
0x15: {  	v3 =	vand.u32 $0x7, v3;
	v4 =	vand.u32 $0xFFFFFFF0, v4  }
0x16: {  	v3 =	vor.u32 v3, v4  }
0x17: {  	v4 =	vperm.xlane v3, v0;
	_ =	sdelay $0x1  }
0x18: {  	v3 =	vperm.xlane v3, v2;
	v4 =	vadd.s32 v1, v4;
	_ =	sdelay $0x1  }
0x19: {  	v3 =	vadd.s32 v1, v3;
	_ =	sdelay $0x2  }
0x1a: {  	[tilespmem:s8], [sflag:$0x1] =	stream.indirect_vreg.gather [hbm4b:s3+s2], $0x80, v4, vm0, $0xb8;
	[tilespmem:$0x9100] =	vst v63  }
0x1b: {  	_ = 	snop  }
0x1c: {  	[tilespmem:s9], [sflag:$0x1] =	stream.indirect_vreg.gather [hbm4b:s3+s2], $0x80, v3, vm0, $0xb8;
	[tilespmem:$0x9100] =	vst v63  }
0x1d: {  	v3 =	vld [tilespmem:$0x10];
	_ =	sdelay $0x4  }
0x1e: {  	v56 =	vshll.u32 v3, $0x1  }
0x1f: {  	v3 =	vand.u32 $0x7, v3;
	v4 =	vand.u32 $0xFFFFFFF0, v56  }
0x20: {  	v3 =	vor.u32 v3, v4  }
0x21: {  	v4 =	vperm.xlane v3, v0;
	_ =	sdelay $0x1  }
0x22: {  	v3 =	vperm.xlane v3, v2;
	v4 =	vadd.s32 v1, v4;
	_ =	sdelay $0x1  }
0x23: {  	v3 =	vadd.s32 v1, v3;
	_ =	sdelay $0x2  }
0x24: {  	[tilespmem:s10], [sflag:$0x1] =	stream.indirect_vreg.gather [hbm4b:s3+s2], $0x80, v4, vm0, $0xb8;
	[tilespmem:$0x9100] =	vst v63  }
0x25: {  	_ = 	snop  }
0x26: {  	[tilespmem:s11], [sflag:$0x1] =	stream.indirect_vreg.gather [hbm4b:s3+s2], $0x80, v3, vm0, $0xb8;
	[tilespmem:$0x9100] =	vst v63  }
0x27: {  	v3 =	vld [tilespmem:$0x20];
	_ =	sdelay $0x4  }
0x28: {  	v57 =	vshll.u32 v3, $0x1  }
0x29: {  	v3 =	vand.u32 $0x7, v3;
	v4 =	vand.u32 $0xFFFFFFF0, v57  }
0x2a: {  	v3 =	vor.u32 v3, v4  }
0x2b: {  	v4 =	vperm.xlane v3, v0;
	_ =	sdelay $0x1  }
0x2c: {  	v3 =	vperm.xlane v3, v2;
	v4 =	vadd.s32 v1, v4;
	_ =	sdelay $0x1  }
0x2d: {  	v3 =	vadd.s32 v1, v3;
	_ =	sdelay $0x2  }
0x2e: {  	[tilespmem:s12], [sflag:$0x1] =	stream.indirect_vreg.gather [hbm4b:s3+s2], $0x80, v4, vm0, $0xb8;
	[tilespmem:$0x9100] =	vst v63  }
0x2f: {  	_ = 	snop  }
0x30: {  	[tilespmem:s13], [sflag:$0x1] =	stream.indirect_vreg.gather [hbm4b:s3+s2], $0x80, v3, vm0, $0xb8;
	[tilespmem:$0x9100] =	vst v63  }
0x31: {  	v3 =	vld [tilespmem:$0x30];
	_ =	sdelay $0x4  }
0x32: {  	v58 =	vshll.u32 v3, $0x1  }
0x33: {  	v3 =	vand.u32 $0x7, v3;
	v4 =	vand.u32 $0xFFFFFFF0, v58  }
0x34: {  	v3 =	vor.u32 v3, v4  }
0x35: {  	v4 =	vperm.xlane v3, v0;
	_ =	sdelay $0x1  }
0x36: {  	v3 =	vperm.xlane v3, v2;
	v4 =	vadd.s32 v1, v4;
	_ =	sdelay $0x1  }
0x37: {  	v3 =	vadd.s32 v1, v3;
	_ =	sdelay $0x2  }
0x38: {  	[tilespmem:s14], [sflag:$0x1] =	stream.indirect_vreg.gather [hbm4b:s3+s2], $0x80, v4, vm0, $0xb8;
	[tilespmem:$0x9100] =	vst v63  }
0x39: {  	_ = 	snop  }
0x3a: {  	[tilespmem:s15], [sflag:$0x1] =	stream.indirect_vreg.gather [hbm4b:s3+s2], $0x80, v3, vm0, $0xb8;
	[tilespmem:$0x9100] =	vst v63  }
0x3b: {  	v3 =	vld [tilespmem:$0x40];
	_ =	sdelay $0x4  }
0x3c: {  	v59 =	vshll.u32 v3, $0x1  }
0x3d: {  	v3 =	vand.u32 $0x7, v3;
	v4 =	vand.u32 $0xFFFFFFF0, v59  }
0x3e: {  	v3 =	vor.u32 v3, v4  }
0x3f: {  	v4 =	vperm.xlane v3, v0;
	_ =	sdelay $0x1  }
0x40: {  	v3 =	vperm.xlane v3, v2;
	v4 =	vadd.s32 v1, v4;
	_ =	sdelay $0x1  }
0x41: {  	v3 =	vadd.s32 v1, v3;
	_ =	sdelay $0x2  }
0x42: {  	[tilespmem:s16], [sflag:$0x1] =	stream.indirect_vreg.gather [hbm4b:s3+s2], $0x80, v4, vm0, $0xb8;
	[tilespmem:$0x9100] =	vst v63  }
0x43: {  	_ = 	snop  }
0x44: {  	[tilespmem:s17], [sflag:$0x1] =	stream.indirect_vreg.gather [hbm4b:s3+s2], $0x80, v3, vm0, $0xb8;
	[tilespmem:$0x9100] =	vst v63  }
0x45: {  	v3 =	vld [tilespmem:$0x50];
	_ =	sdelay $0x4  }
0x46: {  	v60 =	vshll.u32 v3, $0x1  }
0x47: {  	v3 =	vand.u32 $0x7, v3;
	v4 =	vand.u32 $0xFFFFFFF0, v60  }
0x48: {  	v3 =	vor.u32 v3, v4  }
0x49: {  	v4 =	vperm.xlane v3, v0;
	_ =	sdelay $0x1  }
0x4a: {  	v3 =	vperm.xlane v3, v2;
	v4 =	vadd.s32 v1, v4;
	_ =	sdelay $0x1  }
0x4b: {  	v3 =	vadd.s32 v1, v3;
	_ =	sdelay $0x2  }
0x4c: {  	[tilespmem:s18], [sflag:$0x1] =	stream.indirect_vreg.gather [hbm4b:s3+s2], $0x80, v4, vm0, $0xb8;
	[tilespmem:$0x9100] =	vst v63  }
0x4d: {  	_ = 	snop  }
0x4e: {  	[tilespmem:s19], [sflag:$0x1] =	stream.indirect_vreg.gather [hbm4b:s3+s2], $0x80, v3, vm0, $0xb8;
	[tilespmem:$0x9100] =	vst v63  }
0x4f: {  	v3 =	vld [tilespmem:$0x60];
	_ =	sdelay $0x4  }
0x50: {  	v61 =	vshll.u32 v3, $0x1  }
0x51: {  	v3 =	vand.u32 $0x7, v3;
	v4 =	vand.u32 $0xFFFFFFF0, v61  }
0x52: {  	v3 =	vor.u32 v3, v4  }
0x53: {  	v4 =	vperm.xlane v3, v0;
	_ =	sdelay $0x1  }
0x54: {  	v3 =	vperm.xlane v3, v2;
	v4 =	vadd.s32 v1, v4;
	_ =	sdelay $0x1  }
0x55: {  	v3 =	vadd.s32 v1, v3;
	_ =	sdelay $0x2  }
0x56: {  	[tilespmem:s20], [sflag:$0x1] =	stream.indirect_vreg.gather [hbm4b:s3+s2], $0x80, v4, vm0, $0xb8;
	[tilespmem:$0x9100] =	vst v63  }
0x57: {  	_ = 	snop  }
0x58: {  	[tilespmem:s21], [sflag:$0x1] =	stream.indirect_vreg.gather [hbm4b:s3+s2], $0x80, v3, vm0, $0xb8;
	[tilespmem:$0x9100] =	vst v63  }
0x59: {  	v3 =	vld [tilespmem:$0x70];
	_ =	sdelay $0x4  }
0x5a: {  	v62 =	vshll.u32 v3, $0x1  }
0x5b: {  	v3 =	vand.u32 $0x7, v3;
	v4 =	vand.u32 $0xFFFFFFF0, v62  }
0x5c: {  	v3 =	vor.u32 v3, v4  }
0x5d: {  	v4 =	vperm.xlane v3, v0;
	_ =	sdelay $0x1  }
0x5e: {  	v3 =	vperm.xlane v3, v2;
	v4 =	vadd.s32 v1, v4;
	_ =	sdelay $0x1  }
0x5f: {  	v3 =	vadd.s32 v1, v3;
	_ =	sdelay $0x2  }
0x60: {  	[tilespmem:s22], [sflag:$0x1] =	stream.indirect_vreg.gather [hbm4b:s3+s2], $0x80, v4, vm0, $0xb8;
	[tilespmem:$0x9100] =	vst v63  }
0x61: {  	_ = 	snop  }
0x62: {  	[tilespmem:s23], [sflag:$0x1] =	stream.indirect_vreg.gather [hbm4b:s3+s2], $0x80, v3, vm0, $0xb8;
	[tilespmem:$0x9100] =	vst v63  }
0x63: {  	v3 =	vld [tilespmem:$0x80];
	_ =	sdelay $0x4  }
0x64: {  	v63 =	vshll.u32 v3, $0x1  }
0x65: {  	v3 =	vand.u32 $0x7, v3;
	v4 =	vand.u32 $0xFFFFFFF0, v63  }
0x66: {  	v3 =	vor.u32 v3, v4  }
0x67: {  	v4 =	vperm.xlane v3, v0;
	_ =	sdelay $0x1  }
0x68: {  	v3 =	vperm.xlane v3, v2;
	v4 =	vadd.s32 v1, v4;
	_ =	sdelay $0x1  }
0x69: {  	v3 =	vadd.s32 v1, v3;
	_ =	sdelay $0x2  }
0x6a: {  	[tilespmem:s24], [sflag:$0x1] =	stream.indirect_vreg.gather [hbm4b:s3+s2], $0x80, v4, vm0, $0xb8;
	[tilespmem:$0x9100] =	vst v63  }
0x6b: {  	_ = 	snop  }
0x6c: {  	[tilespmem:s25], [sflag:$0x1] =	stream.indirect_vreg.gather [hbm4b:s3+s2], $0x80, v3, vm0, $0xb8;
	[tilespmem:$0x9100] =	vst v63  }
0x6d: {  	_ =	swait.ge [sflag:s26], $0x9000  }
0x6e: {  	p0 =	sne.s32 s6, $0x1;
	[sflag:s26] =	ssyncset.done $0x0  }
.Ltmp0:
0x6f: {  	[sflag:s26] =	ssyncadd.s32 $0xFFFF7000;
	(pc) =	sbr.rel @p0 .LBB2_1-.Ltmp0, $4  }
0x70: {  	[hbm4b:s5+s2] =	stream.linear.scatter [tilespmem:s8], [sflag:$0x2], $0x9000, $0x38;
	[tilespmem:$0x9100] =	vst v63  }
0x71: {  	_ =	swait.ge [sflag:s7], $0x9000  }
0x72: {  	[sflag:s7] =	ssyncset.done $0x0  }
0x73: {  	s6 =	sadd.s32 $0xFFFFFFFF, s6;
	[sflag:s7] =	ssyncadd.s32 $0xFFFF7000  }
0x74: {  	_ =	sfence.sel $0x180000  }
0x75: {  	[bflag:$0x0] =	sbarrier.arrive $0xFFFF  }
0x76: {  	p0 =	sne.s32 s0, $0x0;
	_ =	strace $0x90000053  }
0x77: {  	s0 =	sadd.s32 @!p0 $0x100000, s1;
	[bflag:$0x2] =	sbarrier.arrive $0xFFFF  }
0x78: {  	[sflag:s0] =	ssyncadd.tile.s32 @!p0 $0x1;
	_ =	shalt  }
.Lfunc_end2:
_tile_overlayer_lowered:
.L_overlay_start_2:
0x79: {  	(tag) =	ssettag $0x2  }
0x7a: {  	s0 =	rddreg [dreg:$0x0];
	s2 =	stileid.u32  }
0x7b: {  	s1 =	rddreg [dreg:$0x1];
	p0 =	sne.s32 s2, $0x0  }
0x7c: {  	s3 =	rddreg [dreg:$0x2];
	[bflag:$0x3] =	sbarrier.arrive $0xFFFF;
	s2 =	simm.s32 @!p0 $0x1C02  }
0x7d: {  	[timem:s3], [sflag:s2] =	dma.local @!p0 [hbm:s0], s1  }
0x7e: {  	s0 =	simm.s32 @!p0 $0x2  }
0x7f: {  	_ =	swait.ge @!p0 [sflag:s0], s1  }
0x80: {  	s1 =	ssub.s32 @!p0 $0x0, s1;
	[sflag:s0] =	ssyncset.done @!p0 $0x0  }
0x81: {  	[sflag:s0] =	ssyncadd.s32 @!p0 s1  }
0x82: {  	[bflag:$0x3] =	sbarrier.arrive $0xFFFF  }
0x83: {  	_ =	shalt  }

// kernel: kernel.34.cloned.1.call-start
scs
__scs_entry_jumppad:
0x0: {  	(pc) =	sbr.rel $0x88, $3  }
0x1: {  	(tag) =	ssettag $0x0;
	lr =	simm.s32 $0x1  }
0x2: {  	[smem:$0x3F9B] =	sst lr;
	_ =	strace $0xD0000000  }
0x3: {  	_ = 	snop  }
0x4: {  	_ = 	snop  }
0x5: {  	_ = 	snop  }
0x6: {  	_ = 	snop  }
0x7: {  	_ = 	snop  }
__scs_overlays_trampoline_lowered:
0x8: {  	[smem:$0x3FAA] =	sst s0  }
0x9: {  	[smem:$0x3FAB] =	sst s1  }
0xa: {  	[smem:$0x3FAC] =	sst s2  }
0xb: {  	[smem:$0x3FAD] =	sst s3  }
0xc: {  	[smem:$0x3FAE] =	sst s4  }
0xd: {  	[smem:$0x3FAF] =	sst s5  }
0xe: {  	[smem:$0x3FB0] =	sst s6  }
0xf: {  	[smem:$0x3FB1] =	sst s7  }
0x10: {  	[smem:$0x3FB2] =	sst s8  }
0x11: {  	[smem:$0x3FB3] =	sst s9;
	s0 =	simm.s32 @!p0 $0x0  }
0x12: {  	s1 =	sld [smem:$0x3F99];
	s0 =	simm.s32 @p0 $0x1  }
0x13: {  	[smem:$0x3FB4] =	sst s0;
	s0 =	simm.s32 @!p1 $0x0  }
0x14: {  	s2 =	sld [smem:$0x3F98];
	s0 =	simm.s32 @p1 $0x1  }
0x15: {  	[smem:$0x3FB5] =	sst s0;
	s0 =	simm.s32 @!p2 $0x0  }
0x16: {  	s3 =	sld [smem:$0x3FDB];
	s0 =	simm.s32 @p2 $0x1  }
0x17: {  	s4 =	simm.s32 $0x1BF5;
	[smem:$0x3FB7] =	sst s0  }
0x18: {  	s0 =	sld [smem:$0x3F9A];
	_ =	swait.ge [sflag:s4], $0x0  }
0x19: {  	s7 =	sld [smem:$0x3F9B]  }
0x1a: {  	s8 =	sadd.s32 $0xFFFFE003, lr  }
0x1b: {  	s9 =	sadd.s32 $0xFFFFFEF7, lr;
	s5 =	simm.s32 $0xFFFFFFFF;
	p2 =	slt.u32 s8, $0xFFFFF086  }
0x1c: {  	p1 =	slt.u32 s9, $0xF7A;
	s5 =	simm.s32 @!p2 $0x0  }
0x1d: {  	s5 =	simm.s32 @p1 $0x1;
	p0 =	seq.s32 s7, s2  }
0x1e: {  	s7 =	smul.u32 @!p0 $0xF7A, s2;
	p2 =	seq.s32 @!p0 s5, $0x0  }
0x1f: {  	s9 =	smul.u32 $0xF7A, s1;
	s8 =	simm.s32 @!p0 $0x1BF5;
	p2 =	por !p2, p0  }
0x20: {  	[sflag:s8] =	ssyncset.s32 @!p0 $0xFFFFF086;
	s6 =	sadd.s32 @!p0 s3, s7;
	s7 =	simm.s32 @!p0 $0x108  }
0x21: {  	s3 =	sadd.s32 s3, s9;
	s6 =	sadd.s32 @!p0 $0x88, s6;
	s7 =	simm.s32 @p2 $0x1082  }
0x22: {  	[simem:s7], [sflag:s8] =	dma.local @!p0 [hbm:s6], $0xF7A  }
0x23: {  	s9 =	sor.u32 $0xD0000000, s2;
	s6 =	simm.s32 $0x108;
	_ =	swait.ge @!p0 [sflag:s8], $0x0  }
0x24: {  	s3 =	sadd.s32 $0x88, s3;
	s6 =	simm.s32 @!p1 $0x1082;
	[sflag:s4] =	ssyncset.s32 $0xFFFFF086  }
0x25: {  	[simem:s6], [sflag:s4] =	dma.local [hbm:s3], $0xF7A  }
0x26: {  	[smem:$0x3F9B] =	sst s1;
	(tag) =	ssettag s2;
	_ =	strace s9  }
0x27: {  	s1 =	sld [smem:$0x3FAB]  }
0x28: {  	s2 =	sld [smem:$0x3FAC]  }
0x29: {  	s4 =	sld [smem:$0x3FAE]  }
0x2a: {  	p0 =	seq.s32 s5, $0x0;
	s5 =	sld [smem:$0x3FAF]  }
0x2b: {  	s6 =	sld [smem:$0x3FB0]  }
0x2c: {  	s7 =	sld [smem:$0x3FB1]  }
0x2d: {  	s3 =	simm.s32 $0x108;
	s8 =	sld [smem:$0x3FB2]  }
0x2e: {  	s3 =	simm.s32 @!p0 $0x1082;
	s9 =	sld [smem:$0x3FB3]  }
0x2f: {  	lr =	sadd.s32 s0, s3;
	s0 =	sld [smem:$0x3FAA]  }
0x30: {  	s3 =	sld [smem:$0x3FAD]  }
0x31: {  	[smem:$0x3FB6] =	sst s10  }
0x32: {  	s10 =	sld [smem:$0x3FB4];
	_ =	sdelay $0x3  }
0x33: {  	p0 =	seq.s32 s10, $0x1;
	s10 =	sld [smem:$0x3FB6];
	_ =	sdelay $0x3  }
0x34: {  	[smem:$0x3FB6] =	sst s10  }
0x35: {  	s10 =	sld [smem:$0x3FB5];
	_ =	sdelay $0x3  }
0x36: {  	p1 =	seq.s32 s10, $0x1;
	s10 =	sld [smem:$0x3FB6];
	_ =	sdelay $0x3  }
0x37: {  	[smem:$0x3FB6] =	sst s10  }
0x38: {  	s10 =	sld [smem:$0x3FB7]  }
0x39: {  	_ = 	snop;
	(pc) =	sbr.ind lr, $3  }
0x3a: {  	_ = 	snop  }
0x3b: {  	_ = 	snop  }
0x3c: {  	p2 =	seq.s32 s10, $0x1;
	s10 =	sld [smem:$0x3FB6]  }
0x3d: {  	_ =	shalt  }
0x3e: {  	_ =	shalt  }
0x3f: {  	_ =	shalt  }
0x40: {  	_ =	shalt  }
0x41: {  	_ =	shalt  }
0x42: {  	_ =	shalt  }
0x43: {  	_ =	shalt  }
0x44: {  	_ =	shalt  }
0x45: {  	_ =	shalt  }
0x46: {  	_ =	shalt  }
0x47: {  	_ =	shalt  }
0x48: {  	_ =	shalt  }
0x49: {  	_ =	shalt  }
0x4a: {  	_ =	shalt  }
0x4b: {  	_ =	shalt  }
0x4c: {  	_ =	shalt  }
0x4d: {  	_ =	shalt  }
0x4e: {  	_ =	shalt  }
0x4f: {  	_ =	shalt  }
0x50: {  	_ =	shalt  }
0x51: {  	_ =	shalt  }
0x52: {  	_ =	shalt  }
0x53: {  	_ =	shalt  }
0x54: {  	_ =	shalt  }
0x55: {  	_ =	shalt  }
0x56: {  	_ =	shalt  }
0x57: {  	_ =	shalt  }
0x58: {  	_ =	shalt  }
0x59: {  	_ =	shalt  }
0x5a: {  	_ =	shalt  }
0x5b: {  	_ =	shalt  }
0x5c: {  	_ =	shalt  }
0x5d: {  	_ =	shalt  }
0x5e: {  	_ =	shalt  }
0x5f: {  	_ =	shalt  }
0x60: {  	_ =	shalt  }
0x61: {  	_ =	shalt  }
0x62: {  	_ =	shalt  }
0x63: {  	_ =	shalt  }
0x64: {  	_ =	shalt  }
0x65: {  	_ =	shalt  }
0x66: {  	_ =	shalt  }
0x67: {  	_ =	shalt  }
0x68: {  	_ =	shalt  }
0x69: {  	_ =	shalt  }
0x6a: {  	_ =	shalt  }
0x6b: {  	_ =	shalt  }
0x6c: {  	_ =	shalt  }
0x6d: {  	_ =	shalt  }
0x6e: {  	_ =	shalt  }
0x6f: {  	_ =	shalt  }
0x70: {  	_ =	shalt  }
0x71: {  	_ =	shalt  }
0x72: {  	_ =	shalt  }
0x73: {  	_ =	shalt  }
0x74: {  	_ =	shalt  }
0x75: {  	_ =	shalt  }
0x76: {  	_ =	shalt  }
0x77: {  	_ =	shalt  }
0x78: {  	_ =	shalt  }
0x79: {  	_ =	shalt  }
0x7a: {  	_ =	shalt  }
0x7b: {  	_ =	shalt  }
0x7c: {  	_ =	shalt  }
0x7d: {  	_ =	shalt  }
0x7e: {  	_ =	shalt  }
0x7f: {  	_ =	shalt  }
0x80: {  	_ =	shalt  }
0x81: {  	_ =	shalt  }
0x82: {  	_ =	shalt  }
0x83: {  	_ =	shalt  }
0x84: {  	_ =	shalt  }
0x85: {  	_ =	shalt  }
0x86: {  	_ =	shalt  }
0x87: {  	_ =	shalt  }
.Lfunc_end0:
.L_simem_size_0:
called_computation.5_lowered:
.L_overlay_start_0:
0x88: {  	s2 =	sld [smem:$0x3FD9]  }
0x89: {  	s3 =	sld [smem:$0x3FFE];
	_ =	sdelay $0x1  }
0x8a: {  	s1 =	srdreg.scid  }
0x8b: {  	s0 =	sand.u32 $0x1, s1  }
0x8c: {  	s14 =	sshll.u32 s0, $0xA;
	s2 =	sadd.s32 s3, s2  }
0x8d: {  	s2 =	sadd.s32 s2, s14  }
0x8e: {  	[smem:$0x3FC2] =	sst s2  }
0x8f: {  	_ = 	snop  }
0x90: {  	s2 =	sld [smem:$0x3FD0];
	_ =	sdelay $0x2  }
0x91: {  	s15 =	simm.s32 $0xA;
	s4 =	simm.s32 $0x10  }
0x92: {  	[smem:s4], [sflag:s15] =	dma.local [hbm:s2], $0x1  }
0x93: {  	_ =	swait.eq [sflag:s15], $0x1  }
0x94: {  	[sflag:s15] =	ssyncset.done $0x0  }
0x95: {  	[sflag:s15] =	ssyncadd.s32 $0xFFFFFFFF  }
0x96: {  	s16 =	sld [smem:$0x10];
	(tm) =	ssettm $0x1  }
0x97: {  	s17 =	sld [smem:$0x3FFB];
	_ =	sdelay $0x3  }
0x98: {  	_ =	strace s17  }
0x99: {  	s3 =	sld [smem:$0x3FFC];
	_ =	sdelay $0x3  }
0x9a: {  	_ =	strace s3  }
0x9b: {  	s3 =	sld [smem:$0x3FFD];
	_ =	sdelay $0x3  }
0x9c: {  	_ =	strace s3  }
0x9d: {  	_ =	strace $0x8FFFFFFF  }
0x9e: {  	s18 =	sld [smem:$0x3FDB];
	_ =	sdelay $0x1  }
0x9f: {  	s19 =	simm.s32 $_scs_section_size  }
0xa0: {  	s5 =	simm.s32 $_size__tile_overlayer_lowered;
	s6 =	simm.s32 $_tile_overlayer_lowered  }
0xa1: {  	s22 =	simm.s32 $0x1BFF;
	s21 =	sshll.u32 s6, $0x1;
	s3 =	sadd.s32 s19, s18  }
0xa2: {  	s7 =	simm.s32 $0x0;
	s20 =	sshll.u32 s5, $0x1;
	s5 =	sadd.s32 s21, s3  }
0xa3: {  	[timem:s7], [sflag:s22] =	dma.local [hbm:s5], s20  }
0xa4: {  	_ =	swait.ge [sflag:s22], s20  }
0xa5: {  	s4 =	ssub.s32 $0x0, s20;
	[sflag:s22] =	ssyncset.done $0x0  }
0xa6: {  	[sflag:s22] =	ssyncadd.s32 s4;
	_ =	sdelay $0x1  }
0xa7: {  	s23 =	simm.s32 $0x1B8B  }
0xa8: {  	_ =	swait.ge [sflag:s23], $0x1  }
0xa9: {  	[sflag:s23] =	ssyncset.done $0x0  }
0xaa: {  	s25 =	simm.s32 $0x1B8E;
	s24 =	sld [smem:$0x3FFE];
	[sflag:s23] =	ssyncadd.s32 $0xFFFFFFFF  }
0xab: {  	s26 =	simm.s32 $execute0_lowered;
	[smem:$0x3FD2] =	sst s25  }
0xac: {  	s5 =	sshll.u32 s26, $0x1;
	_ =	strace $0x80000055;
	[dreg:$0x1] =	wrdreg $0xFFFFFFFF  }
0xad: {  	s28 =	simm.s32 $_size_execute0_lowered;
	s3 =	sadd.s32 s3, s5;
	[dreg:$0x0] =	wrdreg $0x0  }
0xae: {  	s5 =	sshll.u32 s28, $0x1;
	[dreg:$0x2] =	wrdreg s3  }
0xaf: {  	[dreg:$0x3] =	wrdreg s5  }
0xb0: {  	[dreg:$0x4] =	wrdreg $0xC0  }
0xb1: {  	_ =	task [dreg:s7], $0x5FFFF  }
0xb2: {  	[dreg:$0x1] =	wrdreg $0xFFFFFFFF  }
0xb3: {  	[dreg:$0x0] =	wrdreg $0x60  }
0xb4: {  	[dreg:$0x2] =	wrdreg s24  }
0xb5: {  	[dreg:$0x3] =	wrdreg s16  }
0xb6: {  	[dreg:$0x4] =	wrdreg $0x9  }
0xb7: {  	_ =	task.clear_ibuf [dreg:s7], $0x5FFFF;
	_ =	strace $0x90000055  }
0xb8: {  	s29 =	simm.s32 $0x9;
	_ =	strace $0x80000057  }
0xb9: {  	_ =	swait.ge [sflag:s29], $0x1  }
0xba: {  	[sflag:s29] =	ssyncadd.s32 $0xFFFFFFFF  }
0xbb: {  	_ =	strace $0x90000057  }
0xbc: {  	_ =	sfence  }
0xbd: {  	s30 =	sld [smem:$0x0];
	_ =	sdelay $0x2  }
0xbe: {  	s31 =	sshll.u32 s1, $0xD;
	s1 =	sshrl.u32 s1, $0x2  }
0xbf: {  	s3 =	sand.u32 $0x4000, s31;
	s1 =	sadd.s32 s1, s30  }
0xc0: {  	s0 =	sor.u32 s3, s0;
	s1 =	sshll.u32 s1, $0x11  }
0xc1: {  	s0 =	sor.u32 s1, s0  }
0xc2: {  	s0 =	sadd.s32 $0x8F2B, s0  }
0xc3: {  	[sflag:s0] =	ssyncadd.remote.s32 $0x1  }
0xc4: {  	_ =	sfence.sel $0xFFFF  }
0xc5: {  	[dreg:$0x0] =	wrdreg $0xFFFFFFFF;
	(pc) =	sbr.abs _section_cstart, $3  }
0xc6: {  	[dreg:$0x1] =	wrdreg $0xFFFFFFFF  }
0xc7: {  	_ =	task.clear_ibuf [dreg:s7], $0x2FFFF;
	_ =	strace $0x9FFFFFFF  }
0xc8: {  	(tm) =	ssettm $0x7FFFFFFF  }
0xc9: {  	_ =	shalt  }
tec
execute0_lowered:
.L_overlay_start_1:
0x0: {  	(tag) =	ssettag $0x1  }
0x1: {  	s4 =	rddreg [dreg:$0x0];
	s1 =	srdreg.scid  }
0x2: {  	s0 =	stileid.u32;
	s5 =	rddreg [dreg:$0x1];
	s2 =	simm.s32 $0x0  }
0x3: {  	s9 =	simm.s32 $0x900;
	s10 =	simm.s32 $0x1100;
	s11 =	simm.s32 $0x1900  }
0x4: {  	s12 =	simm.s32 $0x2100;
	s13 =	simm.s32 $0x2900;
	s14 =	simm.s32 $0x3100  }
0x5: {  	s15 =	simm.s32 $0x3900;
	s16 =	simm.s32 $0x4100;
	s17 =	simm.s32 $0x4900  }
0x6: {  	s18 =	simm.s32 $0x5100;
	s19 =	simm.s32 $0x5900;
	s20 =	simm.s32 $0x6100  }
0x7: {  	s21 =	simm.s32 $0x6900;
	s22 =	simm.s32 $0x7100;
	s23 =	simm.s32 $0x7900  }
0x8: {  	s24 =	simm.s32 $0x8100;
	s3 =	sand.u32 $0x1, s1;
	s6 =	sshll.u32 s0, $0x1  }
0x9: {  	s25 =	simm.s32 $0x8900;
	s1 =	rddreg [dreg:$0x2];
	s6 =	sor.u32 s3, s6  }
0xa: {  	s26 =	simm.s32 $0x1;
	[smem:$0x7FF] =	sst s2;
	s7 =	smul.u32 $0x12, s6  }
0xb: {  	_ =	strace $0x80000056;
	s8 =	ssub.s32 $0x2, s3;
	s6 =	smul.u32 $0x1200, s6  }
0xc: {  	v2 =	vlaneseq.u32;
	s3 =	sadd.s32 $0x2C000, s4;
	s31 =	sshrl.u32 s8, $0x1;
	s4 =	sadd.s32 s7, s4  }
0xd: {  	vm0 =	vmmov $0xffff;
	v1 =	vshrl.u32 v2, $0x3;
	s7 =	ssub.s32 s8, s31;
	s5 =	sadd.s32 s5, s6;
	s8 =	simm.s32 $0x100  }
0xe: {  	v0 =	vand.u32 $0x7, v2;
	v2 =	vor.u32 $0x8, v2;
	v1 =	vmul.u32 $0x8, v1;
	s4 =	sadd.s32 $0x5000, s4;
	s6 =	smax.u32 s7, $0x1;
	s7 =	simm.s32 $0x2  }
.LBB2_1:
0xf: {  	[tilespmem:s2], [sflag:$0x2] =	stream.linear.gather [hbm4b:s4+s2], $0x90, $0x38;
	[tilespmem:$0x9100] =	vst v63  }
0x10: {  	_ =	swait.ge [sflag:s7], $0x90  }
0x11: {  	[sflag:s7] =	ssyncset.done $0x0  }
0x12: {  	[sflag:s7] =	ssyncadd.s32 $0xFFFFFF70  }
0x13: {  	v3 =	vld [tilespmem:$0x0];
	_ =	sdelay $0x4  }
0x14: {  	v4 =	vshll.u32 v3, $0x1  }
0x15: {  	v3 =	vand.u32 $0x7, v3;
	v4 =	vand.u32 $0xFFFFFFF0, v4  }
0x16: {  	v3 =	vor.u32 v3, v4  }
0x17: {  	v4 =	vperm.xlane v3, v0;
	_ =	sdelay $0x1  }
0x18: {  	v3 =	vperm.xlane v3, v2;
	v4 =	vadd.s32 v1, v4;
	_ =	sdelay $0x1  }
0x19: {  	v3 =	vadd.s32 v1, v3;
	_ =	sdelay $0x2  }
0x1a: {  	[tilespmem:s8], [sflag:$0x1] =	stream.indirect_vreg.gather [hbm4b:s3+s2], $0x80, v4, vm0, $0xb8;
	[tilespmem:$0x9100] =	vst v63  }
0x1b: {  	_ = 	snop  }
0x1c: {  	[tilespmem:s9], [sflag:$0x1] =	stream.indirect_vreg.gather [hbm4b:s3+s2], $0x80, v3, vm0, $0xb8;
	[tilespmem:$0x9100] =	vst v63  }
0x1d: {  	v3 =	vld [tilespmem:$0x10];
	_ =	sdelay $0x4  }
0x1e: {  	v56 =	vshll.u32 v3, $0x1  }
0x1f: {  	v3 =	vand.u32 $0x7, v3;
	v4 =	vand.u32 $0xFFFFFFF0, v56  }
0x20: {  	v3 =	vor.u32 v3, v4  }
0x21: {  	v4 =	vperm.xlane v3, v0;
	_ =	sdelay $0x1  }
0x22: {  	v3 =	vperm.xlane v3, v2;
	v4 =	vadd.s32 v1, v4;
	_ =	sdelay $0x1  }
0x23: {  	v3 =	vadd.s32 v1, v3;
	_ =	sdelay $0x2  }
0x24: {  	[tilespmem:s10], [sflag:$0x1] =	stream.indirect_vreg.gather [hbm4b:s3+s2], $0x80, v4, vm0, $0xb8;
	[tilespmem:$0x9100] =	vst v63  }
0x25: {  	_ = 	snop  }
0x26: {  	[tilespmem:s11], [sflag:$0x1] =	stream.indirect_vreg.gather [hbm4b:s3+s2], $0x80, v3, vm0, $0xb8;
	[tilespmem:$0x9100] =	vst v63  }
0x27: {  	v3 =	vld [tilespmem:$0x20];
	_ =	sdelay $0x4  }
0x28: {  	v57 =	vshll.u32 v3, $0x1  }
0x29: {  	v3 =	vand.u32 $0x7, v3;
	v4 =	vand.u32 $0xFFFFFFF0, v57  }
0x2a: {  	v3 =	vor.u32 v3, v4  }
0x2b: {  	v4 =	vperm.xlane v3, v0;
	_ =	sdelay $0x1  }
0x2c: {  	v3 =	vperm.xlane v3, v2;
	v4 =	vadd.s32 v1, v4;
	_ =	sdelay $0x1  }
0x2d: {  	v3 =	vadd.s32 v1, v3;
	_ =	sdelay $0x2  }
0x2e: {  	[tilespmem:s12], [sflag:$0x1] =	stream.indirect_vreg.gather [hbm4b:s3+s2], $0x80, v4, vm0, $0xb8;
	[tilespmem:$0x9100] =	vst v63  }
0x2f: {  	_ = 	snop  }
0x30: {  	[tilespmem:s13], [sflag:$0x1] =	stream.indirect_vreg.gather [hbm4b:s3+s2], $0x80, v3, vm0, $0xb8;
	[tilespmem:$0x9100] =	vst v63  }
0x31: {  	v3 =	vld [tilespmem:$0x30];
	_ =	sdelay $0x4  }
0x32: {  	v58 =	vshll.u32 v3, $0x1  }
0x33: {  	v3 =	vand.u32 $0x7, v3;
	v4 =	vand.u32 $0xFFFFFFF0, v58  }
0x34: {  	v3 =	vor.u32 v3, v4  }
0x35: {  	v4 =	vperm.xlane v3, v0;
	_ =	sdelay $0x1  }
0x36: {  	v3 =	vperm.xlane v3, v2;
	v4 =	vadd.s32 v1, v4;
	_ =	sdelay $0x1  }
0x37: {  	v3 =	vadd.s32 v1, v3;
	_ =	sdelay $0x2  }
0x38: {  	[tilespmem:s14], [sflag:$0x1] =	stream.indirect_vreg.gather [hbm4b:s3+s2], $0x80, v4, vm0, $0xb8;
	[tilespmem:$0x9100] =	vst v63  }
0x39: {  	_ = 	snop  }
0x3a: {  	[tilespmem:s15], [sflag:$0x1] =	stream.indirect_vreg.gather [hbm4b:s3+s2], $0x80, v3, vm0, $0xb8;
	[tilespmem:$0x9100] =	vst v63  }
0x3b: {  	v3 =	vld [tilespmem:$0x40];
	_ =	sdelay $0x4  }
0x3c: {  	v59 =	vshll.u32 v3, $0x1  }
0x3d: {  	v3 =	vand.u32 $0x7, v3;
	v4 =	vand.u32 $0xFFFFFFF0, v59  }
0x3e: {  	v3 =	vor.u32 v3, v4  }
0x3f: {  	v4 =	vperm.xlane v3, v0;
	_ =	sdelay $0x1  }
0x40: {  	v3 =	vperm.xlane v3, v2;
	v4 =	vadd.s32 v1, v4;
	_ =	sdelay $0x1  }
0x41: {  	v3 =	vadd.s32 v1, v3;
	_ =	sdelay $0x2  }
0x42: {  	[tilespmem:s16], [sflag:$0x1] =	stream.indirect_vreg.gather [hbm4b:s3+s2], $0x80, v4, vm0, $0xb8;
	[tilespmem:$0x9100] =	vst v63  }
0x43: {  	_ = 	snop  }
0x44: {  	[tilespmem:s17], [sflag:$0x1] =	stream.indirect_vreg.gather [hbm4b:s3+s2], $0x80, v3, vm0, $0xb8;
	[tilespmem:$0x9100] =	vst v63  }
0x45: {  	v3 =	vld [tilespmem:$0x50];
	_ =	sdelay $0x4  }
0x46: {  	v60 =	vshll.u32 v3, $0x1  }
0x47: {  	v3 =	vand.u32 $0x7, v3;
	v4 =	vand.u32 $0xFFFFFFF0, v60  }
0x48: {  	v3 =	vor.u32 v3, v4  }
0x49: {  	v4 =	vperm.xlane v3, v0;
	_ =	sdelay $0x1  }
0x4a: {  	v3 =	vperm.xlane v3, v2;
	v4 =	vadd.s32 v1, v4;
	_ =	sdelay $0x1  }
0x4b: {  	v3 =	vadd.s32 v1, v3;
	_ =	sdelay $0x2  }
0x4c: {  	[tilespmem:s18], [sflag:$0x1] =	stream.indirect_vreg.gather [hbm4b:s3+s2], $0x80, v4, vm0, $0xb8;
	[tilespmem:$0x9100] =	vst v63  }
0x4d: {  	_ = 	snop  }
0x4e: {  	[tilespmem:s19], [sflag:$0x1] =	stream.indirect_vreg.gather [hbm4b:s3+s2], $0x80, v3, vm0, $0xb8;
	[tilespmem:$0x9100] =	vst v63  }
0x4f: {  	v3 =	vld [tilespmem:$0x60];
	_ =	sdelay $0x4  }
0x50: {  	v61 =	vshll.u32 v3, $0x1  }
0x51: {  	v3 =	vand.u32 $0x7, v3;
	v4 =	vand.u32 $0xFFFFFFF0, v61  }
0x52: {  	v3 =	vor.u32 v3, v4  }
0x53: {  	v4 =	vperm.xlane v3, v0;
	_ =	sdelay $0x1  }
0x54: {  	v3 =	vperm.xlane v3, v2;
	v4 =	vadd.s32 v1, v4;
	_ =	sdelay $0x1  }
0x55: {  	v3 =	vadd.s32 v1, v3;
	_ =	sdelay $0x2  }
0x56: {  	[tilespmem:s20], [sflag:$0x1] =	stream.indirect_vreg.gather [hbm4b:s3+s2], $0x80, v4, vm0, $0xb8;
	[tilespmem:$0x9100] =	vst v63  }
0x57: {  	_ = 	snop  }
0x58: {  	[tilespmem:s21], [sflag:$0x1] =	stream.indirect_vreg.gather [hbm4b:s3+s2], $0x80, v3, vm0, $0xb8;
	[tilespmem:$0x9100] =	vst v63  }
0x59: {  	v3 =	vld [tilespmem:$0x70];
	_ =	sdelay $0x4  }
0x5a: {  	v62 =	vshll.u32 v3, $0x1  }
0x5b: {  	v3 =	vand.u32 $0x7, v3;
	v4 =	vand.u32 $0xFFFFFFF0, v62  }
0x5c: {  	v3 =	vor.u32 v3, v4  }
0x5d: {  	v4 =	vperm.xlane v3, v0;
	_ =	sdelay $0x1  }
0x5e: {  	v3 =	vperm.xlane v3, v2;
	v4 =	vadd.s32 v1, v4;
	_ =	sdelay $0x1  }
0x5f: {  	v3 =	vadd.s32 v1, v3;
	_ =	sdelay $0x2  }
0x60: {  	[tilespmem:s22], [sflag:$0x1] =	stream.indirect_vreg.gather [hbm4b:s3+s2], $0x80, v4, vm0, $0xb8;
	[tilespmem:$0x9100] =	vst v63  }
0x61: {  	_ = 	snop  }
0x62: {  	[tilespmem:s23], [sflag:$0x1] =	stream.indirect_vreg.gather [hbm4b:s3+s2], $0x80, v3, vm0, $0xb8;
	[tilespmem:$0x9100] =	vst v63  }
0x63: {  	v3 =	vld [tilespmem:$0x80];
	_ =	sdelay $0x4  }
0x64: {  	v63 =	vshll.u32 v3, $0x1  }
0x65: {  	v3 =	vand.u32 $0x7, v3;
	v4 =	vand.u32 $0xFFFFFFF0, v63  }
0x66: {  	v3 =	vor.u32 v3, v4  }
0x67: {  	v4 =	vperm.xlane v3, v0;
	_ =	sdelay $0x1  }
0x68: {  	v3 =	vperm.xlane v3, v2;
	v4 =	vadd.s32 v1, v4;
	_ =	sdelay $0x1  }
0x69: {  	v3 =	vadd.s32 v1, v3;
	_ =	sdelay $0x2  }
0x6a: {  	[tilespmem:s24], [sflag:$0x1] =	stream.indirect_vreg.gather [hbm4b:s3+s2], $0x80, v4, vm0, $0xb8;
	[tilespmem:$0x9100] =	vst v63  }
0x6b: {  	_ = 	snop  }
0x6c: {  	[tilespmem:s25], [sflag:$0x1] =	stream.indirect_vreg.gather [hbm4b:s3+s2], $0x80, v3, vm0, $0xb8;
	[tilespmem:$0x9100] =	vst v63  }
0x6d: {  	_ =	swait.ge [sflag:s26], $0x9000  }
0x6e: {  	p0 =	sne.s32 s6, $0x1;
	[sflag:s26] =	ssyncset.done $0x0  }
.Ltmp0:
0x6f: {  	[sflag:s26] =	ssyncadd.s32 $0xFFFF7000;
	(pc) =	sbr.rel @p0 .LBB2_1-.Ltmp0, $4  }
0x70: {  	[hbm4b:s5+s2] =	stream.linear.scatter [tilespmem:s8], [sflag:$0x2], $0x9000, $0x38;
	[tilespmem:$0x9100] =	vst v63  }
0x71: {  	_ =	swait.ge [sflag:s7], $0x9000  }
0x72: {  	[sflag:s7] =	ssyncset.done $0x0  }
0x73: {  	s6 =	sadd.s32 $0xFFFFFFFF, s6;
	[sflag:s7] =	ssyncadd.s32 $0xFFFF7000  }
0x74: {  	_ =	sfence.sel $0x180000  }
0x75: {  	[bflag:$0x0] =	sbarrier.arrive $0xFFFF  }
0x76: {  	p0 =	sne.s32 s0, $0x0;
	_ =	strace $0x90000056  }
0x77: {  	s0 =	sadd.s32 @!p0 $0x100000, s1;
	[bflag:$0x2] =	sbarrier.arrive $0xFFFF  }
0x78: {  	[sflag:s0] =	ssyncadd.tile.s32 @!p0 $0x1;
	_ =	shalt  }
.Lfunc_end2:
_tile_overlayer_lowered:
.L_overlay_start_2:
0x79: {  	(tag) =	ssettag $0x2  }
0x7a: {  	s0 =	rddreg [dreg:$0x0];
	s2 =	stileid.u32  }
0x7b: {  	s1 =	rddreg [dreg:$0x1];
	p0 =	sne.s32 s2, $0x0  }
0x7c: {  	s3 =	rddreg [dreg:$0x2];
	[bflag:$0x3] =	sbarrier.arrive $0xFFFF;
	s2 =	simm.s32 @!p0 $0x1C02  }
0x7d: {  	[timem:s3], [sflag:s2] =	dma.local @!p0 [hbm:s0], s1  }
0x7e: {  	s0 =	simm.s32 @!p0 $0x2  }
0x7f: {  	_ =	swait.ge @!p0 [sflag:s0], s1  }
0x80: {  	s1 =	ssub.s32 @!p0 $0x0, s1;
	[sflag:s0] =	ssyncset.done @!p0 $0x0  }
0x81: {  	[sflag:s0] =	ssyncadd.s32 @!p0 s1  }
0x82: {  	[bflag:$0x3] =	sbarrier.arrive $0xFFFF  }
0x83: {  	_ =	shalt  }

// kernel: kernel.37.cloned.1.call-start
scs
__scs_entry_jumppad:
0x0: {  	(pc) =	sbr.rel $0x88, $3  }
0x1: {  	(tag) =	ssettag $0x0;
	lr =	simm.s32 $0x1  }
0x2: {  	[smem:$0x3F9B] =	sst lr;
	_ =	strace $0xD0000000  }
0x3: {  	_ = 	snop  }
0x4: {  	_ = 	snop  }
0x5: {  	_ = 	snop  }
0x6: {  	_ = 	snop  }
0x7: {  	_ = 	snop  }
__scs_overlays_trampoline_lowered:
0x8: {  	[smem:$0x3FAA] =	sst s0  }
0x9: {  	[smem:$0x3FAB] =	sst s1  }
0xa: {  	[smem:$0x3FAC] =	sst s2  }
0xb: {  	[smem:$0x3FAD] =	sst s3  }
0xc: {  	[smem:$0x3FAE] =	sst s4  }
0xd: {  	[smem:$0x3FAF] =	sst s5  }
0xe: {  	[smem:$0x3FB0] =	sst s6  }
0xf: {  	[smem:$0x3FB1] =	sst s7  }
0x10: {  	[smem:$0x3FB2] =	sst s8  }
0x11: {  	[smem:$0x3FB3] =	sst s9;
	s0 =	simm.s32 @!p0 $0x0  }
0x12: {  	s1 =	sld [smem:$0x3F99];
	s0 =	simm.s32 @p0 $0x1  }
0x13: {  	[smem:$0x3FB4] =	sst s0;
	s0 =	simm.s32 @!p1 $0x0  }
0x14: {  	s2 =	sld [smem:$0x3F98];
	s0 =	simm.s32 @p1 $0x1  }
0x15: {  	[smem:$0x3FB5] =	sst s0;
	s0 =	simm.s32 @!p2 $0x0  }
0x16: {  	s3 =	sld [smem:$0x3FDB];
	s0 =	simm.s32 @p2 $0x1  }
0x17: {  	s4 =	simm.s32 $0x1BF5;
	[smem:$0x3FB7] =	sst s0  }
0x18: {  	s0 =	sld [smem:$0x3F9A];
	_ =	swait.ge [sflag:s4], $0x0  }
0x19: {  	s7 =	sld [smem:$0x3F9B]  }
0x1a: {  	s8 =	sadd.s32 $0xFFFFE003, lr  }
0x1b: {  	s9 =	sadd.s32 $0xFFFFFEF7, lr;
	s5 =	simm.s32 $0xFFFFFFFF;
	p2 =	slt.u32 s8, $0xFFFFF086  }
0x1c: {  	p1 =	slt.u32 s9, $0xF7A;
	s5 =	simm.s32 @!p2 $0x0  }
0x1d: {  	s5 =	simm.s32 @p1 $0x1;
	p0 =	seq.s32 s7, s2  }
0x1e: {  	s7 =	smul.u32 @!p0 $0xF7A, s2;
	p2 =	seq.s32 @!p0 s5, $0x0  }
0x1f: {  	s9 =	smul.u32 $0xF7A, s1;
	s8 =	simm.s32 @!p0 $0x1BF5;
	p2 =	por !p2, p0  }
0x20: {  	[sflag:s8] =	ssyncset.s32 @!p0 $0xFFFFF086;
	s6 =	sadd.s32 @!p0 s3, s7;
	s7 =	simm.s32 @!p0 $0x108  }
0x21: {  	s3 =	sadd.s32 s3, s9;
	s6 =	sadd.s32 @!p0 $0x88, s6;
	s7 =	simm.s32 @p2 $0x1082  }
0x22: {  	[simem:s7], [sflag:s8] =	dma.local @!p0 [hbm:s6], $0xF7A  }
0x23: {  	s9 =	sor.u32 $0xD0000000, s2;
	s6 =	simm.s32 $0x108;
	_ =	swait.ge @!p0 [sflag:s8], $0x0  }
0x24: {  	s3 =	sadd.s32 $0x88, s3;
	s6 =	simm.s32 @!p1 $0x1082;
	[sflag:s4] =	ssyncset.s32 $0xFFFFF086  }
0x25: {  	[simem:s6], [sflag:s4] =	dma.local [hbm:s3], $0xF7A  }
0x26: {  	[smem:$0x3F9B] =	sst s1;
	(tag) =	ssettag s2;
	_ =	strace s9  }
0x27: {  	s1 =	sld [smem:$0x3FAB]  }
0x28: {  	s2 =	sld [smem:$0x3FAC]  }
0x29: {  	s4 =	sld [smem:$0x3FAE]  }
0x2a: {  	p0 =	seq.s32 s5, $0x0;
	s5 =	sld [smem:$0x3FAF]  }
0x2b: {  	s6 =	sld [smem:$0x3FB0]  }
0x2c: {  	s7 =	sld [smem:$0x3FB1]  }
0x2d: {  	s3 =	simm.s32 $0x108;
	s8 =	sld [smem:$0x3FB2]  }
0x2e: {  	s3 =	simm.s32 @!p0 $0x1082;
	s9 =	sld [smem:$0x3FB3]  }
0x2f: {  	lr =	sadd.s32 s0, s3;
	s0 =	sld [smem:$0x3FAA]  }
0x30: {  	s3 =	sld [smem:$0x3FAD]  }
0x31: {  	[smem:$0x3FB6] =	sst s10  }
0x32: {  	s10 =	sld [smem:$0x3FB4];
	_ =	sdelay $0x3  }
0x33: {  	p0 =	seq.s32 s10, $0x1;
	s10 =	sld [smem:$0x3FB6];
	_ =	sdelay $0x3  }
0x34: {  	[smem:$0x3FB6] =	sst s10  }
0x35: {  	s10 =	sld [smem:$0x3FB5];
	_ =	sdelay $0x3  }
0x36: {  	p1 =	seq.s32 s10, $0x1;
	s10 =	sld [smem:$0x3FB6];
	_ =	sdelay $0x3  }
0x37: {  	[smem:$0x3FB6] =	sst s10  }
0x38: {  	s10 =	sld [smem:$0x3FB7]  }
0x39: {  	_ = 	snop;
	(pc) =	sbr.ind lr, $3  }
0x3a: {  	_ = 	snop  }
0x3b: {  	_ = 	snop  }
0x3c: {  	p2 =	seq.s32 s10, $0x1;
	s10 =	sld [smem:$0x3FB6]  }
0x3d: {  	_ =	shalt  }
0x3e: {  	_ =	shalt  }
0x3f: {  	_ =	shalt  }
0x40: {  	_ =	shalt  }
0x41: {  	_ =	shalt  }
0x42: {  	_ =	shalt  }
0x43: {  	_ =	shalt  }
0x44: {  	_ =	shalt  }
0x45: {  	_ =	shalt  }
0x46: {  	_ =	shalt  }
0x47: {  	_ =	shalt  }
0x48: {  	_ =	shalt  }
0x49: {  	_ =	shalt  }
0x4a: {  	_ =	shalt  }
0x4b: {  	_ =	shalt  }
0x4c: {  	_ =	shalt  }
0x4d: {  	_ =	shalt  }
0x4e: {  	_ =	shalt  }
0x4f: {  	_ =	shalt  }
0x50: {  	_ =	shalt  }
0x51: {  	_ =	shalt  }
0x52: {  	_ =	shalt  }
0x53: {  	_ =	shalt  }
0x54: {  	_ =	shalt  }
0x55: {  	_ =	shalt  }
0x56: {  	_ =	shalt  }
0x57: {  	_ =	shalt  }
0x58: {  	_ =	shalt  }
0x59: {  	_ =	shalt  }
0x5a: {  	_ =	shalt  }
0x5b: {  	_ =	shalt  }
0x5c: {  	_ =	shalt  }
0x5d: {  	_ =	shalt  }
0x5e: {  	_ =	shalt  }
0x5f: {  	_ =	shalt  }
0x60: {  	_ =	shalt  }
0x61: {  	_ =	shalt  }
0x62: {  	_ =	shalt  }
0x63: {  	_ =	shalt  }
0x64: {  	_ =	shalt  }
0x65: {  	_ =	shalt  }
0x66: {  	_ =	shalt  }
0x67: {  	_ =	shalt  }
0x68: {  	_ =	shalt  }
0x69: {  	_ =	shalt  }
0x6a: {  	_ =	shalt  }
0x6b: {  	_ =	shalt  }
0x6c: {  	_ =	shalt  }
0x6d: {  	_ =	shalt  }
0x6e: {  	_ =	shalt  }
0x6f: {  	_ =	shalt  }
0x70: {  	_ =	shalt  }
0x71: {  	_ =	shalt  }
0x72: {  	_ =	shalt  }
0x73: {  	_ =	shalt  }
0x74: {  	_ =	shalt  }
0x75: {  	_ =	shalt  }
0x76: {  	_ =	shalt  }
0x77: {  	_ =	shalt  }
0x78: {  	_ =	shalt  }
0x79: {  	_ =	shalt  }
0x7a: {  	_ =	shalt  }
0x7b: {  	_ =	shalt  }
0x7c: {  	_ =	shalt  }
0x7d: {  	_ =	shalt  }
0x7e: {  	_ =	shalt  }
0x7f: {  	_ =	shalt  }
0x80: {  	_ =	shalt  }
0x81: {  	_ =	shalt  }
0x82: {  	_ =	shalt  }
0x83: {  	_ =	shalt  }
0x84: {  	_ =	shalt  }
0x85: {  	_ =	shalt  }
0x86: {  	_ =	shalt  }
0x87: {  	_ =	shalt  }
.Lfunc_end0:
.L_simem_size_0:
called_computation.6_lowered:
.L_overlay_start_0:
0x88: {  	s2 =	sld [smem:$0x3FD9]  }
0x89: {  	s3 =	sld [smem:$0x3FFE];
	_ =	sdelay $0x1  }
0x8a: {  	s1 =	srdreg.scid  }
0x8b: {  	s0 =	sand.u32 $0x1, s1  }
0x8c: {  	s14 =	sshll.u32 s0, $0xA;
	s2 =	sadd.s32 s3, s2  }
0x8d: {  	s2 =	sadd.s32 s2, s14  }
0x8e: {  	[smem:$0x3FC2] =	sst s2  }
0x8f: {  	_ = 	snop  }
0x90: {  	s2 =	sld [smem:$0x3FD0];
	_ =	sdelay $0x2  }
0x91: {  	s15 =	simm.s32 $0xA;
	s4 =	simm.s32 $0x10  }
0x92: {  	[smem:s4], [sflag:s15] =	dma.local [hbm:s2], $0x1  }
0x93: {  	_ =	swait.eq [sflag:s15], $0x1  }
0x94: {  	[sflag:s15] =	ssyncset.done $0x0  }
0x95: {  	[sflag:s15] =	ssyncadd.s32 $0xFFFFFFFF  }
0x96: {  	s16 =	sld [smem:$0x10];
	(tm) =	ssettm $0x1  }
0x97: {  	s17 =	sld [smem:$0x3FFB];
	_ =	sdelay $0x3  }
0x98: {  	_ =	strace s17  }
0x99: {  	s3 =	sld [smem:$0x3FFC];
	_ =	sdelay $0x3  }
0x9a: {  	_ =	strace s3  }
0x9b: {  	s3 =	sld [smem:$0x3FFD];
	_ =	sdelay $0x3  }
0x9c: {  	_ =	strace s3  }
0x9d: {  	_ =	strace $0x8FFFFFFF  }
0x9e: {  	s18 =	sld [smem:$0x3FDB];
	_ =	sdelay $0x1  }
0x9f: {  	s19 =	simm.s32 $_scs_section_size  }
0xa0: {  	s5 =	simm.s32 $_size__tile_overlayer_lowered;
	s6 =	simm.s32 $_tile_overlayer_lowered  }
0xa1: {  	s22 =	simm.s32 $0x1BFF;
	s21 =	sshll.u32 s6, $0x1;
	s3 =	sadd.s32 s19, s18  }
0xa2: {  	s7 =	simm.s32 $0x0;
	s20 =	sshll.u32 s5, $0x1;
	s5 =	sadd.s32 s21, s3  }
0xa3: {  	[timem:s7], [sflag:s22] =	dma.local [hbm:s5], s20  }
0xa4: {  	_ =	swait.ge [sflag:s22], s20  }
0xa5: {  	s4 =	ssub.s32 $0x0, s20;
	[sflag:s22] =	ssyncset.done $0x0  }
0xa6: {  	[sflag:s22] =	ssyncadd.s32 s4;
	_ =	sdelay $0x1  }
0xa7: {  	s23 =	simm.s32 $0x1B8B  }
0xa8: {  	_ =	swait.ge [sflag:s23], $0x1  }
0xa9: {  	[sflag:s23] =	ssyncset.done $0x0  }
0xaa: {  	s25 =	simm.s32 $0x1B8E;
	s24 =	sld [smem:$0x3FFE];
	[sflag:s23] =	ssyncadd.s32 $0xFFFFFFFF  }
0xab: {  	s26 =	simm.s32 $execute0_lowered;
	[smem:$0x3FD2] =	sst s25  }
0xac: {  	s5 =	sshll.u32 s26, $0x1;
	_ =	strace $0x80000058;
	[dreg:$0x1] =	wrdreg $0xFFFFFFFF  }
0xad: {  	s28 =	simm.s32 $_size_execute0_lowered;
	s3 =	sadd.s32 s3, s5;
	[dreg:$0x0] =	wrdreg $0x0  }
0xae: {  	s5 =	sshll.u32 s28, $0x1;
	[dreg:$0x2] =	wrdreg s3  }
0xaf: {  	[dreg:$0x3] =	wrdreg s5  }
0xb0: {  	[dreg:$0x4] =	wrdreg $0xC0  }
0xb1: {  	_ =	task [dreg:s7], $0x5FFFF  }
0xb2: {  	[dreg:$0x1] =	wrdreg $0xFFFFFFFF  }
0xb3: {  	[dreg:$0x0] =	wrdreg $0x60  }
0xb4: {  	[dreg:$0x2] =	wrdreg s24  }
0xb5: {  	[dreg:$0x3] =	wrdreg s16  }
0xb6: {  	[dreg:$0x4] =	wrdreg $0x9  }
0xb7: {  	_ =	task.clear_ibuf [dreg:s7], $0x5FFFF;
	_ =	strace $0x90000058  }
0xb8: {  	s29 =	simm.s32 $0x9;
	_ =	strace $0x8000005A  }
0xb9: {  	_ =	swait.ge [sflag:s29], $0x1  }
0xba: {  	[sflag:s29] =	ssyncadd.s32 $0xFFFFFFFF  }
0xbb: {  	_ =	strace $0x9000005A  }
0xbc: {  	_ =	sfence  }
0xbd: {  	s30 =	sld [smem:$0x0];
	_ =	sdelay $0x2  }
0xbe: {  	s31 =	sshll.u32 s1, $0xD;
	s1 =	sshrl.u32 s1, $0x2  }
0xbf: {  	s3 =	sand.u32 $0x4000, s31;
	s1 =	sadd.s32 s1, s30  }
0xc0: {  	s0 =	sor.u32 s3, s0;
	s1 =	sshll.u32 s1, $0x11  }
0xc1: {  	s0 =	sor.u32 s1, s0  }
0xc2: {  	s0 =	sadd.s32 $0x8F2B, s0  }
0xc3: {  	[sflag:s0] =	ssyncadd.remote.s32 $0x1  }
0xc4: {  	_ =	sfence.sel $0xFFFF  }
0xc5: {  	[dreg:$0x0] =	wrdreg $0xFFFFFFFF;
	(pc) =	sbr.abs _section_cstart, $3  }
0xc6: {  	[dreg:$0x1] =	wrdreg $0xFFFFFFFF  }
0xc7: {  	_ =	task.clear_ibuf [dreg:s7], $0x2FFFF;
	_ =	strace $0x9FFFFFFF  }
0xc8: {  	(tm) =	ssettm $0x7FFFFFFF  }
0xc9: {  	_ =	shalt  }
tec
execute0_lowered:
.L_overlay_start_1:
0x0: {  	(tag) =	ssettag $0x1  }
0x1: {  	s4 =	rddreg [dreg:$0x0];
	s1 =	srdreg.scid  }
0x2: {  	s0 =	stileid.u32;
	s5 =	rddreg [dreg:$0x1];
	s2 =	simm.s32 $0x0  }
0x3: {  	s9 =	simm.s32 $0x900;
	s10 =	simm.s32 $0x1100;
	s11 =	simm.s32 $0x1900  }
0x4: {  	s12 =	simm.s32 $0x2100;
	s13 =	simm.s32 $0x2900;
	s14 =	simm.s32 $0x3100  }
0x5: {  	s15 =	simm.s32 $0x3900;
	s16 =	simm.s32 $0x4100;
	s17 =	simm.s32 $0x4900  }
0x6: {  	s18 =	simm.s32 $0x5100;
	s19 =	simm.s32 $0x5900;
	s20 =	simm.s32 $0x6100  }
0x7: {  	s21 =	simm.s32 $0x6900;
	s22 =	simm.s32 $0x7100;
	s23 =	simm.s32 $0x7900  }
0x8: {  	s24 =	simm.s32 $0x8100;
	s3 =	sand.u32 $0x1, s1;
	s6 =	sshll.u32 s0, $0x1  }
0x9: {  	s25 =	simm.s32 $0x8900;
	s1 =	rddreg [dreg:$0x2];
	s6 =	sor.u32 s3, s6  }
0xa: {  	s26 =	simm.s32 $0x1;
	[smem:$0x7FF] =	sst s2;
	s7 =	smul.u32 $0x12, s6  }
0xb: {  	_ =	strace $0x80000059;
	s8 =	ssub.s32 $0x2, s3;
	s6 =	smul.u32 $0x1200, s6  }
0xc: {  	v2 =	vlaneseq.u32;
	s3 =	sadd.s32 $0x34000, s4;
	s31 =	sshrl.u32 s8, $0x1;
	s4 =	sadd.s32 s7, s4  }
0xd: {  	vm0 =	vmmov $0xffff;
	v1 =	vshrl.u32 v2, $0x3;
	s7 =	ssub.s32 s8, s31;
	s5 =	sadd.s32 s5, s6;
	s8 =	simm.s32 $0x100  }
0xe: {  	v0 =	vand.u32 $0x7, v2;
	v2 =	vor.u32 $0x8, v2;
	v1 =	vmul.u32 $0x8, v1;
	s4 =	sadd.s32 $0x5400, s4;
	s6 =	smax.u32 s7, $0x1;
	s7 =	simm.s32 $0x2  }
.LBB2_1:
0xf: {  	[tilespmem:s2], [sflag:$0x2] =	stream.linear.gather [hbm4b:s4+s2], $0x90, $0x38;
	[tilespmem:$0x9100] =	vst v63  }
0x10: {  	_ =	swait.ge [sflag:s7], $0x90  }
0x11: {  	[sflag:s7] =	ssyncset.done $0x0  }
0x12: {  	[sflag:s7] =	ssyncadd.s32 $0xFFFFFF70  }
0x13: {  	v3 =	vld [tilespmem:$0x0];
	_ =	sdelay $0x4  }
0x14: {  	v4 =	vshll.u32 v3, $0x1  }
0x15: {  	v3 =	vand.u32 $0x7, v3;
	v4 =	vand.u32 $0xFFFFFFF0, v4  }
0x16: {  	v3 =	vor.u32 v3, v4  }
0x17: {  	v4 =	vperm.xlane v3, v0;
	_ =	sdelay $0x1  }
0x18: {  	v3 =	vperm.xlane v3, v2;
	v4 =	vadd.s32 v1, v4;
	_ =	sdelay $0x1  }
0x19: {  	v3 =	vadd.s32 v1, v3;
	_ =	sdelay $0x2  }
0x1a: {  	[tilespmem:s8], [sflag:$0x1] =	stream.indirect_vreg.gather [hbm4b:s3+s2], $0x80, v4, vm0, $0xb8;
	[tilespmem:$0x9100] =	vst v63  }
0x1b: {  	_ = 	snop  }
0x1c: {  	[tilespmem:s9], [sflag:$0x1] =	stream.indirect_vreg.gather [hbm4b:s3+s2], $0x80, v3, vm0, $0xb8;
	[tilespmem:$0x9100] =	vst v63  }
0x1d: {  	v3 =	vld [tilespmem:$0x10];
	_ =	sdelay $0x4  }
0x1e: {  	v56 =	vshll.u32 v3, $0x1  }
0x1f: {  	v3 =	vand.u32 $0x7, v3;
	v4 =	vand.u32 $0xFFFFFFF0, v56  }
0x20: {  	v3 =	vor.u32 v3, v4  }
0x21: {  	v4 =	vperm.xlane v3, v0;
	_ =	sdelay $0x1  }
0x22: {  	v3 =	vperm.xlane v3, v2;
	v4 =	vadd.s32 v1, v4;
	_ =	sdelay $0x1  }
0x23: {  	v3 =	vadd.s32 v1, v3;
	_ =	sdelay $0x2  }
0x24: {  	[tilespmem:s10], [sflag:$0x1] =	stream.indirect_vreg.gather [hbm4b:s3+s2], $0x80, v4, vm0, $0xb8;
	[tilespmem:$0x9100] =	vst v63  }
0x25: {  	_ = 	snop  }
0x26: {  	[tilespmem:s11], [sflag:$0x1] =	stream.indirect_vreg.gather [hbm4b:s3+s2], $0x80, v3, vm0, $0xb8;
	[tilespmem:$0x9100] =	vst v63  }
0x27: {  	v3 =	vld [tilespmem:$0x20];
	_ =	sdelay $0x4  }
0x28: {  	v57 =	vshll.u32 v3, $0x1  }
0x29: {  	v3 =	vand.u32 $0x7, v3;
	v4 =	vand.u32 $0xFFFFFFF0, v57  }
0x2a: {  	v3 =	vor.u32 v3, v4  }
0x2b: {  	v4 =	vperm.xlane v3, v0;
	_ =	sdelay $0x1  }
0x2c: {  	v3 =	vperm.xlane v3, v2;
	v4 =	vadd.s32 v1, v4;
	_ =	sdelay $0x1  }
0x2d: {  	v3 =	vadd.s32 v1, v3;
	_ =	sdelay $0x2  }
0x2e: {  	[tilespmem:s12], [sflag:$0x1] =	stream.indirect_vreg.gather [hbm4b:s3+s2], $0x80, v4, vm0, $0xb8;
	[tilespmem:$0x9100] =	vst v63  }
0x2f: {  	_ = 	snop  }
0x30: {  	[tilespmem:s13], [sflag:$0x1] =	stream.indirect_vreg.gather [hbm4b:s3+s2], $0x80, v3, vm0, $0xb8;
	[tilespmem:$0x9100] =	vst v63  }
0x31: {  	v3 =	vld [tilespmem:$0x30];
	_ =	sdelay $0x4  }
0x32: {  	v58 =	vshll.u32 v3, $0x1  }
0x33: {  	v3 =	vand.u32 $0x7, v3;
	v4 =	vand.u32 $0xFFFFFFF0, v58  }
0x34: {  	v3 =	vor.u32 v3, v4  }
0x35: {  	v4 =	vperm.xlane v3, v0;
	_ =	sdelay $0x1  }
0x36: {  	v3 =	vperm.xlane v3, v2;
	v4 =	vadd.s32 v1, v4;
	_ =	sdelay $0x1  }
0x37: {  	v3 =	vadd.s32 v1, v3;
	_ =	sdelay $0x2  }
0x38: {  	[tilespmem:s14], [sflag:$0x1] =	stream.indirect_vreg.gather [hbm4b:s3+s2], $0x80, v4, vm0, $0xb8;
	[tilespmem:$0x9100] =	vst v63  }
0x39: {  	_ = 	snop  }
0x3a: {  	[tilespmem:s15], [sflag:$0x1] =	stream.indirect_vreg.gather [hbm4b:s3+s2], $0x80, v3, vm0, $0xb8;
	[tilespmem:$0x9100] =	vst v63  }
0x3b: {  	v3 =	vld [tilespmem:$0x40];
	_ =	sdelay $0x4  }
0x3c: {  	v59 =	vshll.u32 v3, $0x1  }
0x3d: {  	v3 =	vand.u32 $0x7, v3;
	v4 =	vand.u32 $0xFFFFFFF0, v59  }
0x3e: {  	v3 =	vor.u32 v3, v4  }
0x3f: {  	v4 =	vperm.xlane v3, v0;
	_ =	sdelay $0x1  }
0x40: {  	v3 =	vperm.xlane v3, v2;
	v4 =	vadd.s32 v1, v4;
	_ =	sdelay $0x1  }
0x41: {  	v3 =	vadd.s32 v1, v3;
	_ =	sdelay $0x2  }
0x42: {  	[tilespmem:s16], [sflag:$0x1] =	stream.indirect_vreg.gather [hbm4b:s3+s2], $0x80, v4, vm0, $0xb8;
	[tilespmem:$0x9100] =	vst v63  }
0x43: {  	_ = 	snop  }
0x44: {  	[tilespmem:s17], [sflag:$0x1] =	stream.indirect_vreg.gather [hbm4b:s3+s2], $0x80, v3, vm0, $0xb8;
	[tilespmem:$0x9100] =	vst v63  }
0x45: {  	v3 =	vld [tilespmem:$0x50];
	_ =	sdelay $0x4  }
0x46: {  	v60 =	vshll.u32 v3, $0x1  }
0x47: {  	v3 =	vand.u32 $0x7, v3;
	v4 =	vand.u32 $0xFFFFFFF0, v60  }
0x48: {  	v3 =	vor.u32 v3, v4  }
0x49: {  	v4 =	vperm.xlane v3, v0;
	_ =	sdelay $0x1  }
0x4a: {  	v3 =	vperm.xlane v3, v2;
	v4 =	vadd.s32 v1, v4;
	_ =	sdelay $0x1  }
0x4b: {  	v3 =	vadd.s32 v1, v3;
	_ =	sdelay $0x2  }
0x4c: {  	[tilespmem:s18], [sflag:$0x1] =	stream.indirect_vreg.gather [hbm4b:s3+s2], $0x80, v4, vm0, $0xb8;
	[tilespmem:$0x9100] =	vst v63  }
0x4d: {  	_ = 	snop  }
0x4e: {  	[tilespmem:s19], [sflag:$0x1] =	stream.indirect_vreg.gather [hbm4b:s3+s2], $0x80, v3, vm0, $0xb8;
	[tilespmem:$0x9100] =	vst v63  }
0x4f: {  	v3 =	vld [tilespmem:$0x60];
	_ =	sdelay $0x4  }
0x50: {  	v61 =	vshll.u32 v3, $0x1  }
0x51: {  	v3 =	vand.u32 $0x7, v3;
	v4 =	vand.u32 $0xFFFFFFF0, v61  }
0x52: {  	v3 =	vor.u32 v3, v4  }
0x53: {  	v4 =	vperm.xlane v3, v0;
	_ =	sdelay $0x1  }
0x54: {  	v3 =	vperm.xlane v3, v2;
	v4 =	vadd.s32 v1, v4;
	_ =	sdelay $0x1  }
0x55: {  	v3 =	vadd.s32 v1, v3;
	_ =	sdelay $0x2  }
0x56: {  	[tilespmem:s20], [sflag:$0x1] =	stream.indirect_vreg.gather [hbm4b:s3+s2], $0x80, v4, vm0, $0xb8;
	[tilespmem:$0x9100] =	vst v63  }
0x57: {  	_ = 	snop  }
0x58: {  	[tilespmem:s21], [sflag:$0x1] =	stream.indirect_vreg.gather [hbm4b:s3+s2], $0x80, v3, vm0, $0xb8;
	[tilespmem:$0x9100] =	vst v63  }
0x59: {  	v3 =	vld [tilespmem:$0x70];
	_ =	sdelay $0x4  }
0x5a: {  	v62 =	vshll.u32 v3, $0x1  }
0x5b: {  	v3 =	vand.u32 $0x7, v3;
	v4 =	vand.u32 $0xFFFFFFF0, v62  }
0x5c: {  	v3 =	vor.u32 v3, v4  }
0x5d: {  	v4 =	vperm.xlane v3, v0;
	_ =	sdelay $0x1  }
0x5e: {  	v3 =	vperm.xlane v3, v2;
	v4 =	vadd.s32 v1, v4;
	_ =	sdelay $0x1  }
0x5f: {  	v3 =	vadd.s32 v1, v3;
	_ =	sdelay $0x2  }
0x60: {  	[tilespmem:s22], [sflag:$0x1] =	stream.indirect_vreg.gather [hbm4b:s3+s2], $0x80, v4, vm0, $0xb8;
	[tilespmem:$0x9100] =	vst v63  }
0x61: {  	_ = 	snop  }
0x62: {  	[tilespmem:s23], [sflag:$0x1] =	stream.indirect_vreg.gather [hbm4b:s3+s2], $0x80, v3, vm0, $0xb8;
	[tilespmem:$0x9100] =	vst v63  }
0x63: {  	v3 =	vld [tilespmem:$0x80];
	_ =	sdelay $0x4  }
0x64: {  	v63 =	vshll.u32 v3, $0x1  }
0x65: {  	v3 =	vand.u32 $0x7, v3;
	v4 =	vand.u32 $0xFFFFFFF0, v63  }
0x66: {  	v3 =	vor.u32 v3, v4  }
0x67: {  	v4 =	vperm.xlane v3, v0;
	_ =	sdelay $0x1  }
0x68: {  	v3 =	vperm.xlane v3, v2;
	v4 =	vadd.s32 v1, v4;
	_ =	sdelay $0x1  }
0x69: {  	v3 =	vadd.s32 v1, v3;
	_ =	sdelay $0x2  }
0x6a: {  	[tilespmem:s24], [sflag:$0x1] =	stream.indirect_vreg.gather [hbm4b:s3+s2], $0x80, v4, vm0, $0xb8;
	[tilespmem:$0x9100] =	vst v63  }
0x6b: {  	_ = 	snop  }
0x6c: {  	[tilespmem:s25], [sflag:$0x1] =	stream.indirect_vreg.gather [hbm4b:s3+s2], $0x80, v3, vm0, $0xb8;
	[tilespmem:$0x9100] =	vst v63  }
0x6d: {  	_ =	swait.ge [sflag:s26], $0x9000  }
0x6e: {  	p0 =	sne.s32 s6, $0x1;
	[sflag:s26] =	ssyncset.done $0x0  }
.Ltmp0:
0x6f: {  	[sflag:s26] =	ssyncadd.s32 $0xFFFF7000;
	(pc) =	sbr.rel @p0 .LBB2_1-.Ltmp0, $4  }
0x70: {  	[hbm4b:s5+s2] =	stream.linear.scatter [tilespmem:s8], [sflag:$0x2], $0x9000, $0x38;
	[tilespmem:$0x9100] =	vst v63  }
0x71: {  	_ =	swait.ge [sflag:s7], $0x9000  }
0x72: {  	[sflag:s7] =	ssyncset.done $0x0  }
0x73: {  	s6 =	sadd.s32 $0xFFFFFFFF, s6;
	[sflag:s7] =	ssyncadd.s32 $0xFFFF7000  }
0x74: {  	_ =	sfence.sel $0x180000  }
0x75: {  	[bflag:$0x0] =	sbarrier.arrive $0xFFFF  }
0x76: {  	p0 =	sne.s32 s0, $0x0;
	_ =	strace $0x90000059  }
0x77: {  	s0 =	sadd.s32 @!p0 $0x100000, s1;
	[bflag:$0x2] =	sbarrier.arrive $0xFFFF  }
0x78: {  	[sflag:s0] =	ssyncadd.tile.s32 @!p0 $0x1;
	_ =	shalt  }
.Lfunc_end2:
_tile_overlayer_lowered:
.L_overlay_start_2:
0x79: {  	(tag) =	ssettag $0x2  }
0x7a: {  	s0 =	rddreg [dreg:$0x0];
	s2 =	stileid.u32  }
0x7b: {  	s1 =	rddreg [dreg:$0x1];
	p0 =	sne.s32 s2, $0x0  }
0x7c: {  	s3 =	rddreg [dreg:$0x2];
	[bflag:$0x3] =	sbarrier.arrive $0xFFFF;
	s2 =	simm.s32 @!p0 $0x1C02  }
0x7d: {  	[timem:s3], [sflag:s2] =	dma.local @!p0 [hbm:s0], s1  }
0x7e: {  	s0 =	simm.s32 @!p0 $0x2  }
0x7f: {  	_ =	swait.ge @!p0 [sflag:s0], s1  }
0x80: {  	s1 =	ssub.s32 @!p0 $0x0, s1;
	[sflag:s0] =	ssyncset.done @!p0 $0x0  }
0x81: {  	[sflag:s0] =	ssyncadd.s32 @!p0 s1  }
0x82: {  	[bflag:$0x3] =	sbarrier.arrive $0xFFFF  }
0x83: {  	_ =	shalt  }

// kernel: kernel.40.cloned.1.call-start
scs
__scs_entry_jumppad:
0x0: {  	(pc) =	sbr.rel $0x88, $3  }
0x1: {  	(tag) =	ssettag $0x0;
	lr =	simm.s32 $0x1  }
0x2: {  	[smem:$0x3F9B] =	sst lr;
	_ =	strace $0xD0000000  }
0x3: {  	_ = 	snop  }
0x4: {  	_ = 	snop  }
0x5: {  	_ = 	snop  }
0x6: {  	_ = 	snop  }
0x7: {  	_ = 	snop  }
__scs_overlays_trampoline_lowered:
0x8: {  	[smem:$0x3FAA] =	sst s0  }
0x9: {  	[smem:$0x3FAB] =	sst s1  }
0xa: {  	[smem:$0x3FAC] =	sst s2  }
0xb: {  	[smem:$0x3FAD] =	sst s3  }
0xc: {  	[smem:$0x3FAE] =	sst s4  }
0xd: {  	[smem:$0x3FAF] =	sst s5  }
0xe: {  	[smem:$0x3FB0] =	sst s6  }
0xf: {  	[smem:$0x3FB1] =	sst s7  }
0x10: {  	[smem:$0x3FB2] =	sst s8  }
0x11: {  	[smem:$0x3FB3] =	sst s9;
	s0 =	simm.s32 @!p0 $0x0  }
0x12: {  	s1 =	sld [smem:$0x3F99];
	s0 =	simm.s32 @p0 $0x1  }
0x13: {  	[smem:$0x3FB4] =	sst s0;
	s0 =	simm.s32 @!p1 $0x0  }
0x14: {  	s2 =	sld [smem:$0x3F98];
	s0 =	simm.s32 @p1 $0x1  }
0x15: {  	[smem:$0x3FB5] =	sst s0;
	s0 =	simm.s32 @!p2 $0x0  }
0x16: {  	s3 =	sld [smem:$0x3FDB];
	s0 =	simm.s32 @p2 $0x1  }
0x17: {  	s4 =	simm.s32 $0x1BF5;
	[smem:$0x3FB7] =	sst s0  }
0x18: {  	s0 =	sld [smem:$0x3F9A];
	_ =	swait.ge [sflag:s4], $0x0  }
0x19: {  	s7 =	sld [smem:$0x3F9B]  }
0x1a: {  	s8 =	sadd.s32 $0xFFFFE003, lr  }
0x1b: {  	s9 =	sadd.s32 $0xFFFFFEF7, lr;
	s5 =	simm.s32 $0xFFFFFFFF;
	p2 =	slt.u32 s8, $0xFFFFF086  }
0x1c: {  	p1 =	slt.u32 s9, $0xF7A;
	s5 =	simm.s32 @!p2 $0x0  }
0x1d: {  	s5 =	simm.s32 @p1 $0x1;
	p0 =	seq.s32 s7, s2  }
0x1e: {  	s7 =	smul.u32 @!p0 $0xF7A, s2;
	p2 =	seq.s32 @!p0 s5, $0x0  }
0x1f: {  	s9 =	smul.u32 $0xF7A, s1;
	s8 =	simm.s32 @!p0 $0x1BF5;
	p2 =	por !p2, p0  }
0x20: {  	[sflag:s8] =	ssyncset.s32 @!p0 $0xFFFFF086;
	s6 =	sadd.s32 @!p0 s3, s7;
	s7 =	simm.s32 @!p0 $0x108  }
0x21: {  	s3 =	sadd.s32 s3, s9;
	s6 =	sadd.s32 @!p0 $0x88, s6;
	s7 =	simm.s32 @p2 $0x1082  }
0x22: {  	[simem:s7], [sflag:s8] =	dma.local @!p0 [hbm:s6], $0xF7A  }
0x23: {  	s9 =	sor.u32 $0xD0000000, s2;
	s6 =	simm.s32 $0x108;
	_ =	swait.ge @!p0 [sflag:s8], $0x0  }
0x24: {  	s3 =	sadd.s32 $0x88, s3;
	s6 =	simm.s32 @!p1 $0x1082;
	[sflag:s4] =	ssyncset.s32 $0xFFFFF086  }
0x25: {  	[simem:s6], [sflag:s4] =	dma.local [hbm:s3], $0xF7A  }
0x26: {  	[smem:$0x3F9B] =	sst s1;
	(tag) =	ssettag s2;
	_ =	strace s9  }
0x27: {  	s1 =	sld [smem:$0x3FAB]  }
0x28: {  	s2 =	sld [smem:$0x3FAC]  }
0x29: {  	s4 =	sld [smem:$0x3FAE]  }
0x2a: {  	p0 =	seq.s32 s5, $0x0;
	s5 =	sld [smem:$0x3FAF]  }
0x2b: {  	s6 =	sld [smem:$0x3FB0]  }
0x2c: {  	s7 =	sld [smem:$0x3FB1]  }
0x2d: {  	s3 =	simm.s32 $0x108;
	s8 =	sld [smem:$0x3FB2]  }
0x2e: {  	s3 =	simm.s32 @!p0 $0x1082;
	s9 =	sld [smem:$0x3FB3]  }
0x2f: {  	lr =	sadd.s32 s0, s3;
	s0 =	sld [smem:$0x3FAA]  }
0x30: {  	s3 =	sld [smem:$0x3FAD]  }
0x31: {  	[smem:$0x3FB6] =	sst s10  }
0x32: {  	s10 =	sld [smem:$0x3FB4];
	_ =	sdelay $0x3  }
0x33: {  	p0 =	seq.s32 s10, $0x1;
	s10 =	sld [smem:$0x3FB6];
	_ =	sdelay $0x3  }
0x34: {  	[smem:$0x3FB6] =	sst s10  }
0x35: {  	s10 =	sld [smem:$0x3FB5];
	_ =	sdelay $0x3  }
0x36: {  	p1 =	seq.s32 s10, $0x1;
	s10 =	sld [smem:$0x3FB6];
	_ =	sdelay $0x3  }
0x37: {  	[smem:$0x3FB6] =	sst s10  }
0x38: {  	s10 =	sld [smem:$0x3FB7]  }
0x39: {  	_ = 	snop;
	(pc) =	sbr.ind lr, $3  }
0x3a: {  	_ = 	snop  }
0x3b: {  	_ = 	snop  }
0x3c: {  	p2 =	seq.s32 s10, $0x1;
	s10 =	sld [smem:$0x3FB6]  }
0x3d: {  	_ =	shalt  }
0x3e: {  	_ =	shalt  }
0x3f: {  	_ =	shalt  }
0x40: {  	_ =	shalt  }
0x41: {  	_ =	shalt  }
0x42: {  	_ =	shalt  }
0x43: {  	_ =	shalt  }
0x44: {  	_ =	shalt  }
0x45: {  	_ =	shalt  }
0x46: {  	_ =	shalt  }
0x47: {  	_ =	shalt  }
0x48: {  	_ =	shalt  }
0x49: {  	_ =	shalt  }
0x4a: {  	_ =	shalt  }
0x4b: {  	_ =	shalt  }
0x4c: {  	_ =	shalt  }
0x4d: {  	_ =	shalt  }
0x4e: {  	_ =	shalt  }
0x4f: {  	_ =	shalt  }
0x50: {  	_ =	shalt  }
0x51: {  	_ =	shalt  }
0x52: {  	_ =	shalt  }
0x53: {  	_ =	shalt  }
0x54: {  	_ =	shalt  }
0x55: {  	_ =	shalt  }
0x56: {  	_ =	shalt  }
0x57: {  	_ =	shalt  }
0x58: {  	_ =	shalt  }
0x59: {  	_ =	shalt  }
0x5a: {  	_ =	shalt  }
0x5b: {  	_ =	shalt  }
0x5c: {  	_ =	shalt  }
0x5d: {  	_ =	shalt  }
0x5e: {  	_ =	shalt  }
0x5f: {  	_ =	shalt  }
0x60: {  	_ =	shalt  }
0x61: {  	_ =	shalt  }
0x62: {  	_ =	shalt  }
0x63: {  	_ =	shalt  }
0x64: {  	_ =	shalt  }
0x65: {  	_ =	shalt  }
0x66: {  	_ =	shalt  }
0x67: {  	_ =	shalt  }
0x68: {  	_ =	shalt  }
0x69: {  	_ =	shalt  }
0x6a: {  	_ =	shalt  }
0x6b: {  	_ =	shalt  }
0x6c: {  	_ =	shalt  }
0x6d: {  	_ =	shalt  }
0x6e: {  	_ =	shalt  }
0x6f: {  	_ =	shalt  }
0x70: {  	_ =	shalt  }
0x71: {  	_ =	shalt  }
0x72: {  	_ =	shalt  }
0x73: {  	_ =	shalt  }
0x74: {  	_ =	shalt  }
0x75: {  	_ =	shalt  }
0x76: {  	_ =	shalt  }
0x77: {  	_ =	shalt  }
0x78: {  	_ =	shalt  }
0x79: {  	_ =	shalt  }
0x7a: {  	_ =	shalt  }
0x7b: {  	_ =	shalt  }
0x7c: {  	_ =	shalt  }
0x7d: {  	_ =	shalt  }
0x7e: {  	_ =	shalt  }
0x7f: {  	_ =	shalt  }
0x80: {  	_ =	shalt  }
0x81: {  	_ =	shalt  }
0x82: {  	_ =	shalt  }
0x83: {  	_ =	shalt  }
0x84: {  	_ =	shalt  }
0x85: {  	_ =	shalt  }
0x86: {  	_ =	shalt  }
0x87: {  	_ =	shalt  }
.Lfunc_end0:
.L_simem_size_0:
called_computation.7_lowered:
.L_overlay_start_0:
0x88: {  	s2 =	sld [smem:$0x3FD9]  }
0x89: {  	s3 =	sld [smem:$0x3FFE];
	_ =	sdelay $0x1  }
0x8a: {  	s1 =	srdreg.scid  }
0x8b: {  	s0 =	sand.u32 $0x1, s1  }
0x8c: {  	s14 =	sshll.u32 s0, $0xA;
	s2 =	sadd.s32 s3, s2  }
0x8d: {  	s2 =	sadd.s32 s2, s14  }
0x8e: {  	[smem:$0x3FC2] =	sst s2  }
0x8f: {  	_ = 	snop  }
0x90: {  	s2 =	sld [smem:$0x3FD0];
	_ =	sdelay $0x2  }
0x91: {  	s15 =	simm.s32 $0xA;
	s4 =	simm.s32 $0x10  }
0x92: {  	[smem:s4], [sflag:s15] =	dma.local [hbm:s2], $0x1  }
0x93: {  	_ =	swait.eq [sflag:s15], $0x1  }
0x94: {  	[sflag:s15] =	ssyncset.done $0x0  }
0x95: {  	[sflag:s15] =	ssyncadd.s32 $0xFFFFFFFF  }
0x96: {  	s16 =	sld [smem:$0x10];
	(tm) =	ssettm $0x1  }
0x97: {  	s17 =	sld [smem:$0x3FFB];
	_ =	sdelay $0x3  }
0x98: {  	_ =	strace s17  }
0x99: {  	s3 =	sld [smem:$0x3FFC];
	_ =	sdelay $0x3  }
0x9a: {  	_ =	strace s3  }
0x9b: {  	s3 =	sld [smem:$0x3FFD];
	_ =	sdelay $0x3  }
0x9c: {  	_ =	strace s3  }
0x9d: {  	_ =	strace $0x8FFFFFFF  }
0x9e: {  	s18 =	sld [smem:$0x3FDB];
	_ =	sdelay $0x1  }
0x9f: {  	s19 =	simm.s32 $_scs_section_size  }
0xa0: {  	s5 =	simm.s32 $_size__tile_overlayer_lowered;
	s6 =	simm.s32 $_tile_overlayer_lowered  }
0xa1: {  	s22 =	simm.s32 $0x1BFF;
	s21 =	sshll.u32 s6, $0x1;
	s3 =	sadd.s32 s19, s18  }
0xa2: {  	s7 =	simm.s32 $0x0;
	s20 =	sshll.u32 s5, $0x1;
	s5 =	sadd.s32 s21, s3  }
0xa3: {  	[timem:s7], [sflag:s22] =	dma.local [hbm:s5], s20  }
0xa4: {  	_ =	swait.ge [sflag:s22], s20  }
0xa5: {  	s4 =	ssub.s32 $0x0, s20;
	[sflag:s22] =	ssyncset.done $0x0  }
0xa6: {  	[sflag:s22] =	ssyncadd.s32 s4;
	_ =	sdelay $0x1  }
0xa7: {  	s23 =	simm.s32 $0x1B8B  }
0xa8: {  	_ =	swait.ge [sflag:s23], $0x1  }
0xa9: {  	[sflag:s23] =	ssyncset.done $0x0  }
0xaa: {  	s25 =	simm.s32 $0x1B8E;
	s24 =	sld [smem:$0x3FFE];
	[sflag:s23] =	ssyncadd.s32 $0xFFFFFFFF  }
0xab: {  	s26 =	simm.s32 $execute0_lowered;
	[smem:$0x3FD2] =	sst s25  }
0xac: {  	s5 =	sshll.u32 s26, $0x1;
	_ =	strace $0x8000005B;
	[dreg:$0x1] =	wrdreg $0xFFFFFFFF  }
0xad: {  	s28 =	simm.s32 $_size_execute0_lowered;
	s3 =	sadd.s32 s3, s5;
	[dreg:$0x0] =	wrdreg $0x0  }
0xae: {  	s5 =	sshll.u32 s28, $0x1;
	[dreg:$0x2] =	wrdreg s3  }
0xaf: {  	[dreg:$0x3] =	wrdreg s5  }
0xb0: {  	[dreg:$0x4] =	wrdreg $0xC0  }
0xb1: {  	_ =	task [dreg:s7], $0x5FFFF  }
0xb2: {  	[dreg:$0x1] =	wrdreg $0xFFFFFFFF  }
0xb3: {  	[dreg:$0x0] =	wrdreg $0x60  }
0xb4: {  	[dreg:$0x2] =	wrdreg s24  }
0xb5: {  	[dreg:$0x3] =	wrdreg s16  }
0xb6: {  	[dreg:$0x4] =	wrdreg $0x9  }
0xb7: {  	_ =	task.clear_ibuf [dreg:s7], $0x5FFFF;
	_ =	strace $0x9000005B  }
0xb8: {  	s29 =	simm.s32 $0x9;
	_ =	strace $0x8000005D  }
0xb9: {  	_ =	swait.ge [sflag:s29], $0x1  }
0xba: {  	[sflag:s29] =	ssyncadd.s32 $0xFFFFFFFF  }
0xbb: {  	_ =	strace $0x9000005D  }
0xbc: {  	_ =	sfence  }
0xbd: {  	s30 =	sld [smem:$0x0];
	_ =	sdelay $0x2  }
0xbe: {  	s31 =	sshll.u32 s1, $0xD;
	s1 =	sshrl.u32 s1, $0x2  }
0xbf: {  	s3 =	sand.u32 $0x4000, s31;
	s1 =	sadd.s32 s1, s30  }
0xc0: {  	s0 =	sor.u32 s3, s0;
	s1 =	sshll.u32 s1, $0x11  }
0xc1: {  	s0 =	sor.u32 s1, s0  }
0xc2: {  	s0 =	sadd.s32 $0x8F2B, s0  }
0xc3: {  	[sflag:s0] =	ssyncadd.remote.s32 $0x1  }
0xc4: {  	_ =	sfence.sel $0xFFFF  }
0xc5: {  	[dreg:$0x0] =	wrdreg $0xFFFFFFFF;
	(pc) =	sbr.abs _section_cstart, $3  }
0xc6: {  	[dreg:$0x1] =	wrdreg $0xFFFFFFFF  }
0xc7: {  	_ =	task.clear_ibuf [dreg:s7], $0x2FFFF;
	_ =	strace $0x9FFFFFFF  }
0xc8: {  	(tm) =	ssettm $0x7FFFFFFF  }
0xc9: {  	_ =	shalt  }
tec
execute0_lowered:
.L_overlay_start_1:
0x0: {  	(tag) =	ssettag $0x1  }
0x1: {  	s4 =	rddreg [dreg:$0x0];
	s1 =	srdreg.scid  }
0x2: {  	s0 =	stileid.u32;
	s5 =	rddreg [dreg:$0x1];
	s2 =	simm.s32 $0x0  }
0x3: {  	s9 =	simm.s32 $0x900;
	s10 =	simm.s32 $0x1100;
	s11 =	simm.s32 $0x1900  }
0x4: {  	s12 =	simm.s32 $0x2100;
	s13 =	simm.s32 $0x2900;
	s14 =	simm.s32 $0x3100  }
0x5: {  	s15 =	simm.s32 $0x3900;
	s16 =	simm.s32 $0x4100;
	s17 =	simm.s32 $0x4900  }
0x6: {  	s18 =	simm.s32 $0x5100;
	s19 =	simm.s32 $0x5900;
	s20 =	simm.s32 $0x6100  }
0x7: {  	s21 =	simm.s32 $0x6900;
	s22 =	simm.s32 $0x7100;
	s23 =	simm.s32 $0x7900  }
0x8: {  	s24 =	simm.s32 $0x8100;
	s3 =	sand.u32 $0x1, s1;
	s6 =	sshll.u32 s0, $0x1  }
0x9: {  	s25 =	simm.s32 $0x8900;
	s1 =	rddreg [dreg:$0x2];
	s6 =	sor.u32 s3, s6  }
0xa: {  	s26 =	simm.s32 $0x1;
	[smem:$0x7FF] =	sst s2;
	s7 =	smul.u32 $0x12, s6  }
0xb: {  	_ =	strace $0x8000005C;
	s8 =	ssub.s32 $0x2, s3;
	s6 =	smul.u32 $0x1200, s6  }
0xc: {  	v2 =	vlaneseq.u32;
	s3 =	sadd.s32 $0x3C000, s4;
	s31 =	sshrl.u32 s8, $0x1;
	s4 =	sadd.s32 s7, s4  }
0xd: {  	vm0 =	vmmov $0xffff;
	v1 =	vshrl.u32 v2, $0x3;
	s7 =	ssub.s32 s8, s31;
	s5 =	sadd.s32 s5, s6;
	s8 =	simm.s32 $0x100  }
0xe: {  	v0 =	vand.u32 $0x7, v2;
	v2 =	vor.u32 $0x8, v2;
	v1 =	vmul.u32 $0x8, v1;
	s4 =	sadd.s32 $0x5800, s4;
	s6 =	smax.u32 s7, $0x1;
	s7 =	simm.s32 $0x2  }
.LBB2_1:
0xf: {  	[tilespmem:s2], [sflag:$0x2] =	stream.linear.gather [hbm4b:s4+s2], $0x90, $0x38;
	[tilespmem:$0x9100] =	vst v63  }
0x10: {  	_ =	swait.ge [sflag:s7], $0x90  }
0x11: {  	[sflag:s7] =	ssyncset.done $0x0  }
0x12: {  	[sflag:s7] =	ssyncadd.s32 $0xFFFFFF70  }
0x13: {  	v3 =	vld [tilespmem:$0x0];
	_ =	sdelay $0x4  }
0x14: {  	v4 =	vshll.u32 v3, $0x1  }
0x15: {  	v3 =	vand.u32 $0x7, v3;
	v4 =	vand.u32 $0xFFFFFFF0, v4  }
0x16: {  	v3 =	vor.u32 v3, v4  }
0x17: {  	v4 =	vperm.xlane v3, v0;
	_ =	sdelay $0x1  }
0x18: {  	v3 =	vperm.xlane v3, v2;
	v4 =	vadd.s32 v1, v4;
	_ =	sdelay $0x1  }
0x19: {  	v3 =	vadd.s32 v1, v3;
	_ =	sdelay $0x2  }
0x1a: {  	[tilespmem:s8], [sflag:$0x1] =	stream.indirect_vreg.gather [hbm4b:s3+s2], $0x80, v4, vm0, $0xb8;
	[tilespmem:$0x9100] =	vst v63  }
0x1b: {  	_ = 	snop  }
0x1c: {  	[tilespmem:s9], [sflag:$0x1] =	stream.indirect_vreg.gather [hbm4b:s3+s2], $0x80, v3, vm0, $0xb8;
	[tilespmem:$0x9100] =	vst v63  }
0x1d: {  	v3 =	vld [tilespmem:$0x10];
	_ =	sdelay $0x4  }
0x1e: {  	v56 =	vshll.u32 v3, $0x1  }
0x1f: {  	v3 =	vand.u32 $0x7, v3;
	v4 =	vand.u32 $0xFFFFFFF0, v56  }
0x20: {  	v3 =	vor.u32 v3, v4  }
0x21: {  	v4 =	vperm.xlane v3, v0;
	_ =	sdelay $0x1  }
0x22: {  	v3 =	vperm.xlane v3, v2;
	v4 =	vadd.s32 v1, v4;
	_ =	sdelay $0x1  }
0x23: {  	v3 =	vadd.s32 v1, v3;
	_ =	sdelay $0x2  }
0x24: {  	[tilespmem:s10], [sflag:$0x1] =	stream.indirect_vreg.gather [hbm4b:s3+s2], $0x80, v4, vm0, $0xb8;
	[tilespmem:$0x9100] =	vst v63  }
0x25: {  	_ = 	snop  }
0x26: {  	[tilespmem:s11], [sflag:$0x1] =	stream.indirect_vreg.gather [hbm4b:s3+s2], $0x80, v3, vm0, $0xb8;
	[tilespmem:$0x9100] =	vst v63  }
0x27: {  	v3 =	vld [tilespmem:$0x20];
	_ =	sdelay $0x4  }
0x28: {  	v57 =	vshll.u32 v3, $0x1  }
0x29: {  	v3 =	vand.u32 $0x7, v3;
	v4 =	vand.u32 $0xFFFFFFF0, v57  }
0x2a: {  	v3 =	vor.u32 v3, v4  }
0x2b: {  	v4 =	vperm.xlane v3, v0;
	_ =	sdelay $0x1  }
0x2c: {  	v3 =	vperm.xlane v3, v2;
	v4 =	vadd.s32 v1, v4;
	_ =	sdelay $0x1  }
0x2d: {  	v3 =	vadd.s32 v1, v3;
	_ =	sdelay $0x2  }
0x2e: {  	[tilespmem:s12], [sflag:$0x1] =	stream.indirect_vreg.gather [hbm4b:s3+s2], $0x80, v4, vm0, $0xb8;
	[tilespmem:$0x9100] =	vst v63  }
0x2f: {  	_ = 	snop  }
0x30: {  	[tilespmem:s13], [sflag:$0x1] =	stream.indirect_vreg.gather [hbm4b:s3+s2], $0x80, v3, vm0, $0xb8;
	[tilespmem:$0x9100] =	vst v63  }
0x31: {  	v3 =	vld [tilespmem:$0x30];
	_ =	sdelay $0x4  }
0x32: {  	v58 =	vshll.u32 v3, $0x1  }
0x33: {  	v3 =	vand.u32 $0x7, v3;
	v4 =	vand.u32 $0xFFFFFFF0, v58  }
0x34: {  	v3 =	vor.u32 v3, v4  }
0x35: {  	v4 =	vperm.xlane v3, v0;
	_ =	sdelay $0x1  }
0x36: {  	v3 =	vperm.xlane v3, v2;
	v4 =	vadd.s32 v1, v4;
	_ =	sdelay $0x1  }
0x37: {  	v3 =	vadd.s32 v1, v3;
	_ =	sdelay $0x2  }
0x38: {  	[tilespmem:s14], [sflag:$0x1] =	stream.indirect_vreg.gather [hbm4b:s3+s2], $0x80, v4, vm0, $0xb8;
	[tilespmem:$0x9100] =	vst v63  }
0x39: {  	_ = 	snop  }
0x3a: {  	[tilespmem:s15], [sflag:$0x1] =	stream.indirect_vreg.gather [hbm4b:s3+s2], $0x80, v3, vm0, $0xb8;
	[tilespmem:$0x9100] =	vst v63  }
0x3b: {  	v3 =	vld [tilespmem:$0x40];
	_ =	sdelay $0x4  }
0x3c: {  	v59 =	vshll.u32 v3, $0x1  }
0x3d: {  	v3 =	vand.u32 $0x7, v3;
	v4 =	vand.u32 $0xFFFFFFF0, v59  }
0x3e: {  	v3 =	vor.u32 v3, v4  }
0x3f: {  	v4 =	vperm.xlane v3, v0;
	_ =	sdelay $0x1  }
0x40: {  	v3 =	vperm.xlane v3, v2;
	v4 =	vadd.s32 v1, v4;
	_ =	sdelay $0x1  }
0x41: {  	v3 =	vadd.s32 v1, v3;
	_ =	sdelay $0x2  }
0x42: {  	[tilespmem:s16], [sflag:$0x1] =	stream.indirect_vreg.gather [hbm4b:s3+s2], $0x80, v4, vm0, $0xb8;
	[tilespmem:$0x9100] =	vst v63  }
0x43: {  	_ = 	snop  }
0x44: {  	[tilespmem:s17], [sflag:$0x1] =	stream.indirect_vreg.gather [hbm4b:s3+s2], $0x80, v3, vm0, $0xb8;
	[tilespmem:$0x9100] =	vst v63  }
0x45: {  	v3 =	vld [tilespmem:$0x50];
	_ =	sdelay $0x4  }
0x46: {  	v60 =	vshll.u32 v3, $0x1  }
0x47: {  	v3 =	vand.u32 $0x7, v3;
	v4 =	vand.u32 $0xFFFFFFF0, v60  }
0x48: {  	v3 =	vor.u32 v3, v4  }
0x49: {  	v4 =	vperm.xlane v3, v0;
	_ =	sdelay $0x1  }
0x4a: {  	v3 =	vperm.xlane v3, v2;
	v4 =	vadd.s32 v1, v4;
	_ =	sdelay $0x1  }
0x4b: {  	v3 =	vadd.s32 v1, v3;
	_ =	sdelay $0x2  }
0x4c: {  	[tilespmem:s18], [sflag:$0x1] =	stream.indirect_vreg.gather [hbm4b:s3+s2], $0x80, v4, vm0, $0xb8;
	[tilespmem:$0x9100] =	vst v63  }
0x4d: {  	_ = 	snop  }
0x4e: {  	[tilespmem:s19], [sflag:$0x1] =	stream.indirect_vreg.gather [hbm4b:s3+s2], $0x80, v3, vm0, $0xb8;
	[tilespmem:$0x9100] =	vst v63  }
0x4f: {  	v3 =	vld [tilespmem:$0x60];
	_ =	sdelay $0x4  }
0x50: {  	v61 =	vshll.u32 v3, $0x1  }
0x51: {  	v3 =	vand.u32 $0x7, v3;
	v4 =	vand.u32 $0xFFFFFFF0, v61  }
0x52: {  	v3 =	vor.u32 v3, v4  }
0x53: {  	v4 =	vperm.xlane v3, v0;
	_ =	sdelay $0x1  }
0x54: {  	v3 =	vperm.xlane v3, v2;
	v4 =	vadd.s32 v1, v4;
	_ =	sdelay $0x1  }
0x55: {  	v3 =	vadd.s32 v1, v3;
	_ =	sdelay $0x2  }
0x56: {  	[tilespmem:s20], [sflag:$0x1] =	stream.indirect_vreg.gather [hbm4b:s3+s2], $0x80, v4, vm0, $0xb8;
	[tilespmem:$0x9100] =	vst v63  }
0x57: {  	_ = 	snop  }
0x58: {  	[tilespmem:s21], [sflag:$0x1] =	stream.indirect_vreg.gather [hbm4b:s3+s2], $0x80, v3, vm0, $0xb8;
	[tilespmem:$0x9100] =	vst v63  }
0x59: {  	v3 =	vld [tilespmem:$0x70];
	_ =	sdelay $0x4  }
0x5a: {  	v62 =	vshll.u32 v3, $0x1  }
0x5b: {  	v3 =	vand.u32 $0x7, v3;
	v4 =	vand.u32 $0xFFFFFFF0, v62  }
0x5c: {  	v3 =	vor.u32 v3, v4  }
0x5d: {  	v4 =	vperm.xlane v3, v0;
	_ =	sdelay $0x1  }
0x5e: {  	v3 =	vperm.xlane v3, v2;
	v4 =	vadd.s32 v1, v4;
	_ =	sdelay $0x1  }
0x5f: {  	v3 =	vadd.s32 v1, v3;
	_ =	sdelay $0x2  }
0x60: {  	[tilespmem:s22], [sflag:$0x1] =	stream.indirect_vreg.gather [hbm4b:s3+s2], $0x80, v4, vm0, $0xb8;
	[tilespmem:$0x9100] =	vst v63  }
0x61: {  	_ = 	snop  }
0x62: {  	[tilespmem:s23], [sflag:$0x1] =	stream.indirect_vreg.gather [hbm4b:s3+s2], $0x80, v3, vm0, $0xb8;
	[tilespmem:$0x9100] =	vst v63  }
0x63: {  	v3 =	vld [tilespmem:$0x80];
	_ =	sdelay $0x4  }
0x64: {  	v63 =	vshll.u32 v3, $0x1  }
0x65: {  	v3 =	vand.u32 $0x7, v3;
	v4 =	vand.u32 $0xFFFFFFF0, v63  }
0x66: {  	v3 =	vor.u32 v3, v4  }
0x67: {  	v4 =	vperm.xlane v3, v0;
	_ =	sdelay $0x1  }
0x68: {  	v3 =	vperm.xlane v3, v2;
	v4 =	vadd.s32 v1, v4;
	_ =	sdelay $0x1  }
0x69: {  	v3 =	vadd.s32 v1, v3;
	_ =	sdelay $0x2  }
0x6a: {  	[tilespmem:s24], [sflag:$0x1] =	stream.indirect_vreg.gather [hbm4b:s3+s2], $0x80, v4, vm0, $0xb8;
	[tilespmem:$0x9100] =	vst v63  }
0x6b: {  	_ = 	snop  }
0x6c: {  	[tilespmem:s25], [sflag:$0x1] =	stream.indirect_vreg.gather [hbm4b:s3+s2], $0x80, v3, vm0, $0xb8;
	[tilespmem:$0x9100] =	vst v63  }
0x6d: {  	_ =	swait.ge [sflag:s26], $0x9000  }
0x6e: {  	p0 =	sne.s32 s6, $0x1;
	[sflag:s26] =	ssyncset.done $0x0  }
.Ltmp0:
0x6f: {  	[sflag:s26] =	ssyncadd.s32 $0xFFFF7000;
	(pc) =	sbr.rel @p0 .LBB2_1-.Ltmp0, $4  }
0x70: {  	[hbm4b:s5+s2] =	stream.linear.scatter [tilespmem:s8], [sflag:$0x2], $0x9000, $0x38;
	[tilespmem:$0x9100] =	vst v63  }
0x71: {  	_ =	swait.ge [sflag:s7], $0x9000  }
0x72: {  	[sflag:s7] =	ssyncset.done $0x0  }
0x73: {  	s6 =	sadd.s32 $0xFFFFFFFF, s6;
	[sflag:s7] =	ssyncadd.s32 $0xFFFF7000  }
0x74: {  	_ =	sfence.sel $0x180000  }
0x75: {  	[bflag:$0x0] =	sbarrier.arrive $0xFFFF  }
0x76: {  	p0 =	sne.s32 s0, $0x0;
	_ =	strace $0x9000005C  }
0x77: {  	s0 =	sadd.s32 @!p0 $0x100000, s1;
	[bflag:$0x2] =	sbarrier.arrive $0xFFFF  }
0x78: {  	[sflag:s0] =	ssyncadd.tile.s32 @!p0 $0x1;
	_ =	shalt  }
.Lfunc_end2:
_tile_overlayer_lowered:
.L_overlay_start_2:
0x79: {  	(tag) =	ssettag $0x2  }
0x7a: {  	s0 =	rddreg [dreg:$0x0];
	s2 =	stileid.u32  }
0x7b: {  	s1 =	rddreg [dreg:$0x1];
	p0 =	sne.s32 s2, $0x0  }
0x7c: {  	s3 =	rddreg [dreg:$0x2];
	[bflag:$0x3] =	sbarrier.arrive $0xFFFF;
	s2 =	simm.s32 @!p0 $0x1C02  }
0x7d: {  	[timem:s3], [sflag:s2] =	dma.local @!p0 [hbm:s0], s1  }
0x7e: {  	s0 =	simm.s32 @!p0 $0x2  }
0x7f: {  	_ =	swait.ge @!p0 [sflag:s0], s1  }
0x80: {  	s1 =	ssub.s32 @!p0 $0x0, s1;
	[sflag:s0] =	ssyncset.done @!p0 $0x0  }
0x81: {  	[sflag:s0] =	ssyncadd.s32 @!p0 s1  }
0x82: {  	[bflag:$0x3] =	sbarrier.arrive $0xFFFF  }
0x83: {  	_ =	shalt  }

</sc_bundles>
